<compile_context>
chip_gen: v7x
topology: tpu7x:2x2x1
jax: 0.10.2.dev20260603
libtpu: 0.0.44.dev20260713+nightly
codegen_flags: <defaults>
</compile_context>

<pallas_src>
import jax
from jax import lax
from jax.experimental import pallas as pl
from jax.experimental.pallas import tpu as pltpu
from jax.experimental.pallas import tpu_sc as plsc

_NC = 2
_NS = 16
_NW = _NC * _NS
_CHUNK = 32
_NBUF = 3


def _sc_body(table_hbm, out_hbm, buf, rsem, wsem):
    B, S, _ = out_hbm.shape
    rows_per_w = S // _NW
    nchunks = rows_per_w // _CHUNK
    wid = lax.axis_index("s") * _NC + lax.axis_index("c")
    base = wid * rows_per_w

    def start_read(c):
        return pltpu.async_copy(
            table_hbm.at[pl.ds(base + c * _CHUNK, _CHUNK)],
            buf.at[c % _NBUF], rsem)

    reads = [None] * nchunks
    writes = [None] * nchunks
    for c in range(min(_NBUF - 1, nchunks)):
        reads[c] = start_read(c)
    for c in range(nchunks):
        reads[c].wait()
        if c + _NBUF - 1 < nchunks:
            if c >= 1:
                for w in writes[c - 1]:
                    w.wait()
            reads[c + _NBUF - 1] = start_read(c + _NBUF - 1)
        r = base + c * _CHUNK
        writes[c] = [
            pltpu.async_copy(
                buf.at[c % _NBUF],
                out_hbm.at[(b + c) % B, pl.ds(r, _CHUNK)], wsem)
            for b in range(B)
        ]
    for c in range(max(0, nchunks - _NBUF + 1), nchunks):
        for w in writes[c]:
            w.wait()


def kernel(x, table):
    B, S, D = x.shape
    f = pl.kernel(
        _sc_body,
        out_type=jax.ShapeDtypeStruct((B, S, D), table.dtype),
        mesh=plsc.VectorSubcoreMesh(core_axis_name="c", subcore_axis_name="s"),
        scratch_types=[
            pltpu.VMEM((_NBUF, _CHUNK, D), table.dtype),
            pltpu.SemaphoreType.DMA,
            pltpu.SemaphoreType.DMA,
        ],
    )
    return f(table)

# --- scband reference (transcript-rebuilt; emitter-appended) ---
"""Pipeline reference for scband-learnable-positional-encoding-35141422416420 (READ-ONLY COPY).

The authoritative reference and input builder live on the scoring server;
editing this copy changes nothing except your own understanding.
"""

import jax, jax.numpy as jnp
import numpy as np

MAX_LEN = 8192
D_MODEL = 1024
BATCH = 4
SEQ_LEN = 8192

def setup_inputs(seed: int = 0) -> dict:
    key = jax.random.key(seed)
    kx, kt = jax.random.split(key)
    x = jax.random.normal(kx, (BATCH, SEQ_LEN, D_MODEL), dtype=jnp.float32)
    # learned positional embedding table (nn.Embedding(max_len, d_model).weight)
    table = jax.random.normal(kt, (MAX_LEN, D_MODEL), dtype=jnp.float32) * 0.02
    return {"x": x, "table": table}

def reference(x, table):
    # seq_len = x.size(1); position_ids = arange(seq_len).expand(B, S)
    B = x.shape[0]
    S = x.shape[1]
    position_ids = jnp.broadcast_to(jnp.arange(S, dtype=jnp.int64)[None, :], (B, S))
    # embedding lookup -> gather rows of the table
    return jnp.take(table, position_ids, axis=0)

if __name__ == "__main__":
    import jax
    _d = setup_inputs()
    print(jax.jit(kernel)(*tuple(_d.values())))

</pallas_src>

<mosaic_0001>
#map = affine_map<(d0, d1) -> (0, 0)>
#map1 = affine_map<(d0, d1) -> (0, 0, 0)>
module attributes {stable_mosaic.version = 14 : i64} {
  func.func @_sc_body(%arg0: i32, %arg1: i32, %arg2: memref<8192x1024xf32, #tpu.memory_space<hbm>>, %arg3: memref<4x8192x1024xf32, #tpu.memory_space<hbm>>, %arg4: memref<3x32x1024xf32, #tpu.memory_space<vmem>>, %arg5: memref<!tpu.dma_semaphore, #tpu.memory_space<semaphore_mem>>, %arg6: memref<!tpu.dma_semaphore, #tpu.memory_space<semaphore_mem>>) attributes {dimension_semantics = [#tpu.dimension_semantics<core_parallel>, #tpu.dimension_semantics<subcore_parallel>], iteration_bounds = array<i64: 2, 16>, scalar_prefetch = 0 : i64, scratch_operands = 3 : i64, tpu.core_type = #tpu.core_type<sc_vector_subcore>, window_params = [{transform_indices = #map}, {transform_indices = #map1}]} {
    %mul3A = arith.constant 2 : i32
    %mul3A_0 = arith.muli %arg1, %mul3A : i32
    %add3A = arith.addi %mul3A_0, %arg0 : i32
    %mul3A_1 = arith.constant 256 : i32
    %mul3A_2 = arith.muli %add3A, %mul3A_1 : i32
    %add3A_3 = arith.constant 0 : i32
    %add3A_4 = arith.addi %mul3A_2, %add3A_3 : i32
    %dma_start3A = arith.constant 0 : i32
    %dma_start3A_5 = arith.constant 0 : i32
    %dma_start3A_6 = arith.constant 0 : i32
    %dma_start3A_7 = tpu.memref_slice %arg4[%dma_start3A, %dma_start3A_5, %dma_start3A_6] : memref<3x32x1024xf32, #tpu.memory_space<vmem>> -> memref<1x32x1024xf32, #tpu.memory_space<vmem>>
    %dma_start3A_8 = tpu.memref_squeeze %dma_start3A_7 : memref<1x32x1024xf32, #tpu.memory_space<vmem>> -> memref<32x1024xf32, #tpu.memory_space<vmem>>
    %dma_start3A_9 = arith.constant 0 : i32
    %dma_start3A_10 = tpu.memref_slice %arg2[%add3A_4, %dma_start3A_9] : memref<8192x1024xf32, #tpu.memory_space<hbm>> -> memref<32x1024xf32, #tpu.memory_space<hbm>>
    %dma_start3A_11 = arith.constant 0 : i32
    %dma_start3A_12 = arith.constant 0 : i32
    %dma_start3A_13 = tpu.memref_slice %arg4[%dma_start3A, %dma_start3A_11, %dma_start3A_12] : memref<3x32x1024xf32, #tpu.memory_space<vmem>> -> memref<1x32x1024xf32, #tpu.memory_space<vmem>>
    %dma_start3A_14 = tpu.memref_squeeze %dma_start3A_13 : memref<1x32x1024xf32, #tpu.memory_space<vmem>> -> memref<32x1024xf32, #tpu.memory_space<vmem>>
    %dma_start3A_15 = arith.constant 0 : i32
    %dma_start3A_16 = tpu.memref_slice %arg2[%add3A_4, %dma_start3A_15] : memref<8192x1024xf32, #tpu.memory_space<hbm>> -> memref<32x1024xf32, #tpu.memory_space<hbm>>
    tpu.enqueue_dma source(%dma_start3A_16 : memref<32x1024xf32, #tpu.memory_space<hbm>>) target(%dma_start3A_14 : memref<32x1024xf32, #tpu.memory_space<vmem>>) target_semaphore(%arg5 : memref<!tpu.dma_semaphore, #tpu.memory_space<semaphore_mem>>)
    %add3A_17 = arith.constant 32 : i32
    %add3A_18 = arith.addi %mul3A_2, %add3A_17 : i32
    %dma_start3A_19 = arith.constant 1 : i32
    %dma_start3A_20 = arith.constant 0 : i32
    %dma_start3A_21 = arith.constant 0 : i32
    %dma_start3A_22 = tpu.memref_slice %arg4[%dma_start3A_19, %dma_start3A_20, %dma_start3A_21] : memref<3x32x1024xf32, #tpu.memory_space<vmem>> -> memref<1x32x1024xf32, #tpu.memory_space<vmem>>
    %dma_start3A_23 = tpu.memref_squeeze %dma_start3A_22 : memref<1x32x1024xf32, #tpu.memory_space<vmem>> -> memref<32x1024xf32, #tpu.memory_space<vmem>>
    %dma_start3A_24 = arith.constant 0 : i32
    %dma_start3A_25 = tpu.memref_slice %arg2[%add3A_18, %dma_start3A_24] : memref<8192x1024xf32, #tpu.memory_space<hbm>> -> memref<32x1024xf32, #tpu.memory_space<hbm>>
    %dma_start3A_26 = arith.constant 0 : i32
    %dma_start3A_27 = arith.constant 0 : i32
    %dma_start3A_28 = tpu.memref_slice %arg4[%dma_start3A_19, %dma_start3A_26, %dma_start3A_27] : memref<3x32x1024xf32, #tpu.memory_space<vmem>> -> memref<1x32x1024xf32, #tpu.memory_space<vmem>>
    %dma_start3A_29 = tpu.memref_squeeze %dma_start3A_28 : memref<1x32x1024xf32, #tpu.memory_space<vmem>> -> memref<32x1024xf32, #tpu.memory_space<vmem>>
    %dma_start3A_30 = arith.constant 0 : i32
    %dma_start3A_31 = tpu.memref_slice %arg2[%add3A_18, %dma_start3A_30] : memref<8192x1024xf32, #tpu.memory_space<hbm>> -> memref<32x1024xf32, #tpu.memory_space<hbm>>
    tpu.enqueue_dma source(%dma_start3A_31 : memref<32x1024xf32, #tpu.memory_space<hbm>>) target(%dma_start3A_29 : memref<32x1024xf32, #tpu.memory_space<vmem>>) target_semaphore(%arg5 : memref<!tpu.dma_semaphore, #tpu.memory_space<semaphore_mem>>)
    %dma_wait3A = arith.constant 0 : i32
    %dma_wait3A_32 = arith.constant 0 : i32
    %dma_wait3A_33 = arith.constant 0 : i32
    %dma_wait3A_34 = tpu.memref_slice %arg4[%dma_wait3A, %dma_wait3A_32, %dma_wait3A_33] : memref<3x32x1024xf32, #tpu.memory_space<vmem>> -> memref<1x32x1024xf32, #tpu.memory_space<vmem>>
    %dma_wait3A_35 = tpu.memref_squeeze %dma_wait3A_34 : memref<1x32x1024xf32, #tpu.memory_space<vmem>> -> memref<32x1024xf32, #tpu.memory_space<vmem>>
    %dma_wait3A_36 = arith.constant 0 : i32
    %dma_wait3A_37 = tpu.memref_slice %arg2[%add3A_4, %dma_wait3A_36] : memref<8192x1024xf32, #tpu.memory_space<hbm>> -> memref<32x1024xf32, #tpu.memory_space<hbm>>
    %dma_wait3A_38 = arith.constant 0 : i32
    %dma_wait3A_39 = arith.constant 0 : i32
    %dma_wait3A_40 = tpu.memref_slice %arg4[%dma_wait3A, %dma_wait3A_38, %dma_wait3A_39] : memref<3x32x1024xf32, #tpu.memory_space<vmem>> -> memref<1x32x1024xf32, #tpu.memory_space<vmem>>
    %dma_wait3A_41 = tpu.memref_squeeze %dma_wait3A_40 : memref<1x32x1024xf32, #tpu.memory_space<vmem>> -> memref<32x1024xf32, #tpu.memory_space<vmem>>
    %dma_wait3A_42 = arith.constant 0 : i32
    %dma_wait3A_43 = tpu.memref_slice %arg2[%add3A_4, %dma_wait3A_42] : memref<8192x1024xf32, #tpu.memory_space<hbm>> -> memref<32x1024xf32, #tpu.memory_space<hbm>>
    tpu.wait_dma2 semaphore(%arg5 : memref<!tpu.dma_semaphore, #tpu.memory_space<semaphore_mem>>) src(%dma_wait3A_43 : memref<32x1024xf32, #tpu.memory_space<hbm>>) dst(%dma_wait3A_41 : memref<32x1024xf32, #tpu.memory_space<vmem>>)
    %add3A_44 = arith.constant 64 : i32
    %add3A_45 = arith.addi %mul3A_2, %add3A_44 : i32
    %dma_start3A_46 = arith.constant 2 : i32
    %dma_start3A_47 = arith.constant 0 : i32
    %dma_start3A_48 = arith.constant 0 : i32
    %dma_start3A_49 = tpu.memref_slice %arg4[%dma_start3A_46, %dma_start3A_47, %dma_start3A_48] : memref<3x32x1024xf32, #tpu.memory_space<vmem>> -> memref<1x32x1024xf32, #tpu.memory_space<vmem>>
    %dma_start3A_50 = tpu.memref_squeeze %dma_start3A_49 : memref<1x32x1024xf32, #tpu.memory_space<vmem>> -> memref<32x1024xf32, #tpu.memory_space<vmem>>
    %dma_start3A_51 = arith.constant 0 : i32
    %dma_start3A_52 = tpu.memref_slice %arg2[%add3A_45, %dma_start3A_51] : memref<8192x1024xf32, #tpu.memory_space<hbm>> -> memref<32x1024xf32, #tpu.memory_space<hbm>>
    %dma_start3A_53 = arith.constant 0 : i32
    %dma_start3A_54 = arith.constant 0 : i32
    %dma_start3A_55 = tpu.memref_slice %arg4[%dma_start3A_46, %dma_start3A_53, %dma_start3A_54] : memref<3x32x1024xf32, #tpu.memory_space<vmem>> -> memref<1x32x1024xf32, #tpu.memory_space<vmem>>
    %dma_start3A_56 = tpu.memref_squeeze %dma_start3A_55 : memref<1x32x1024xf32, #tpu.memory_space<vmem>> -> memref<32x1024xf32, #tpu.memory_space<vmem>>
    %dma_start3A_57 = arith.constant 0 : i32
    %dma_start3A_58 = tpu.memref_slice %arg2[%add3A_45, %dma_start3A_57] : memref<8192x1024xf32, #tpu.memory_space<hbm>> -> memref<32x1024xf32, #tpu.memory_space<hbm>>
    tpu.enqueue_dma source(%dma_start3A_58 : memref<32x1024xf32, #tpu.memory_space<hbm>>) target(%dma_start3A_56 : memref<32x1024xf32, #tpu.memory_space<vmem>>) target_semaphore(%arg5 : memref<!tpu.dma_semaphore, #tpu.memory_space<semaphore_mem>>)
    %add3A_59 = arith.constant 0 : i32
    %add3A_60 = arith.addi %mul3A_2, %add3A_59 : i32
    %dma_start3A_61 = arith.constant 0 : i32
    %dma_start3A_62 = arith.constant 0 : i32
    %dma_start3A_63 = arith.constant 0 : i32
    %dma_start3A_64 = arith.constant 0 : i32
    %dma_start3A_65 = tpu.memref_slice %arg4[%dma_start3A_61, %dma_start3A_63, %dma_start3A_64] : memref<3x32x1024xf32, #tpu.memory_space<vmem>> -> memref<1x32x1024xf32, #tpu.memory_space<vmem>>
    %dma_start3A_66 = tpu.memref_squeeze %dma_start3A_65 : memref<1x32x1024xf32, #tpu.memory_space<vmem>> -> memref<32x1024xf32, #tpu.memory_space<vmem>>
    %dma_start3A_67 = arith.constant 0 : i32
    %dma_start3A_68 = tpu.memref_slice %arg3[%dma_start3A_62, %add3A_60, %dma_start3A_67] : memref<4x8192x1024xf32, #tpu.memory_space<hbm>> -> memref<1x32x1024xf32, #tpu.memory_space<hbm>>
    %dma_start3A_69 = tpu.memref_squeeze %dma_start3A_68 : memref<1x32x1024xf32, #tpu.memory_space<hbm>> -> memref<32x1024xf32, #tpu.memory_space<hbm>>
    %dma_start3A_70 = arith.constant 0 : i32
    %dma_start3A_71 = tpu.memref_slice %arg3[%dma_start3A_62, %add3A_60, %dma_start3A_70] : memref<4x8192x1024xf32, #tpu.memory_space<hbm>> -> memref<1x32x1024xf32, #tpu.memory_space<hbm>>
    %dma_start3A_72 = tpu.memref_squeeze %dma_start3A_71 : memref<1x32x1024xf32, #tpu.memory_space<hbm>> -> memref<32x1024xf32, #tpu.memory_space<hbm>>
    %dma_start3A_73 = arith.constant 0 : i32
    %dma_start3A_74 = arith.constant 0 : i32
    %dma_start3A_75 = tpu.memref_slice %arg4[%dma_start3A_61, %dma_start3A_73, %dma_start3A_74] : memref<3x32x1024xf32, #tpu.memory_space<vmem>> -> memref<1x32x1024xf32, #tpu.memory_space<vmem>>
    %dma_start3A_76 = tpu.memref_squeeze %dma_start3A_75 : memref<1x32x1024xf32, #tpu.memory_space<vmem>> -> memref<32x1024xf32, #tpu.memory_space<vmem>>
    tpu.enqueue_dma source(%dma_start3A_76 : memref<32x1024xf32, #tpu.memory_space<vmem>>) target(%dma_start3A_72 : memref<32x1024xf32, #tpu.memory_space<hbm>>) target_semaphore(%arg6 : memref<!tpu.dma_semaphore, #tpu.memory_space<semaphore_mem>>)
    %dma_start3A_77 = arith.constant 0 : i32
    %dma_start3A_78 = arith.constant 1 : i32
    %dma_start3A_79 = arith.constant 0 : i32
    %dma_start3A_80 = arith.constant 0 : i32
    %dma_start3A_81 = tpu.memref_slice %arg4[%dma_start3A_77, %dma_start3A_79, %dma_start3A_80] : memref<3x32x1024xf32, #tpu.memory_space<vmem>> -> memref<1x32x1024xf32, #tpu.memory_space<vmem>>
    %dma_start3A_82 = tpu.memref_squeeze %dma_start3A_81 : memref<1x32x1024xf32, #tpu.memory_space<vmem>> -> memref<32x1024xf32, #tpu.memory_space<vmem>>
    %dma_start3A_83 = arith.constant 0 : i32
    %dma_start3A_84 = tpu.memref_slice %arg3[%dma_start3A_78, %add3A_60, %dma_start3A_83] : memref<4x8192x1024xf32, #tpu.memory_space<hbm>> -> memref<1x32x1024xf32, #tpu.memory_space<hbm>>
    %dma_start3A_85 = tpu.memref_squeeze %dma_start3A_84 : memref<1x32x1024xf32, #tpu.memory_space<hbm>> -> memref<32x1024xf32, #tpu.memory_space<hbm>>
    %dma_start3A_86 = arith.constant 0 : i32
    %dma_start3A_87 = tpu.memref_slice %arg3[%dma_start3A_78, %add3A_60, %dma_start3A_86] : memref<4x8192x1024xf32, #tpu.memory_space<hbm>> -> memref<1x32x1024xf32, #tpu.memory_space<hbm>>
    %dma_start3A_88 = tpu.memref_squeeze %dma_start3A_87 : memref<1x32x1024xf32, #tpu.memory_space<hbm>> -> memref<32x1024xf32, #tpu.memory_space<hbm>>
    %dma_start3A_89 = arith.constant 0 : i32
    %dma_start3A_90 = arith.constant 0 : i32
    %dma_start3A_91 = tpu.memref_slice %arg4[%dma_start3A_77, %dma_start3A_89, %dma_start3A_90] : memref<3x32x1024xf32, #tpu.memory_space<vmem>> -> memref<1x32x1024xf32, #tpu.memory_space<vmem>>
    %dma_start3A_92 = tpu.memref_squeeze %dma_start3A_91 : memref<1x32x1024xf32, #tpu.memory_space<vmem>> -> memref<32x1024xf32, #tpu.memory_space<vmem>>
    tpu.enqueue_dma source(%dma_start3A_92 : memref<32x1024xf32, #tpu.memory_space<vmem>>) target(%dma_start3A_88 : memref<32x1024xf32, #tpu.memory_space<hbm>>) target_semaphore(%arg6 : memref<!tpu.dma_semaphore, #tpu.memory_space<semaphore_mem>>)
    %dma_start3A_93 = arith.constant 0 : i32
    %dma_start3A_94 = arith.constant 2 : i32
    %dma_start3A_95 = arith.constant 0 : i32
    %dma_start3A_96 = arith.constant 0 : i32
    %dma_start3A_97 = tpu.memref_slice %arg4[%dma_start3A_93, %dma_start3A_95, %dma_start3A_96] : memref<3x32x1024xf32, #tpu.memory_space<vmem>> -> memref<1x32x1024xf32, #tpu.memory_space<vmem>>
    %dma_start3A_98 = tpu.memref_squeeze %dma_start3A_97 : memref<1x32x1024xf32, #tpu.memory_space<vmem>> -> memref<32x1024xf32, #tpu.memory_space<vmem>>
    %dma_start3A_99 = arith.constant 0 : i32
    %dma_start3A_100 = tpu.memref_slice %arg3[%dma_start3A_94, %add3A_60, %dma_start3A_99] : memref<4x8192x1024xf32, #tpu.memory_space<hbm>> -> memref<1x32x1024xf32, #tpu.memory_space<hbm>>
    %dma_start3A_101 = tpu.memref_squeeze %dma_start3A_100 : memref<1x32x1024xf32, #tpu.memory_space<hbm>> -> memref<32x1024xf32, #tpu.memory_space<hbm>>
    %dma_start3A_102 = arith.constant 0 : i32
    %dma_start3A_103 = tpu.memref_slice %arg3[%dma_start3A_94, %add3A_60, %dma_start3A_102] : memref<4x8192x1024xf32, #tpu.memory_space<hbm>> -> memref<1x32x1024xf32, #tpu.memory_space<hbm>>
    %dma_start3A_104 = tpu.memref_squeeze %dma_start3A_103 : memref<1x32x1024xf32, #tpu.memory_space<hbm>> -> memref<32x1024xf32, #tpu.memory_space<hbm>>
    %dma_start3A_105 = arith.constant 0 : i32
    %dma_start3A_106 = arith.constant 0 : i32
    %dma_start3A_107 = tpu.memref_slice %arg4[%dma_start3A_93, %dma_start3A_105, %dma_start3A_106] : memref<3x32x1024xf32, #tpu.memory_space<vmem>> -> memref<1x32x1024xf32, #tpu.memory_space<vmem>>
    %dma_start3A_108 = tpu.memref_squeeze %dma_start3A_107 : memref<1x32x1024xf32, #tpu.memory_space<vmem>> -> memref<32x1024xf32, #tpu.memory_space<vmem>>
    tpu.enqueue_dma source(%dma_start3A_108 : memref<32x1024xf32, #tpu.memory_space<vmem>>) target(%dma_start3A_104 : memref<32x1024xf32, #tpu.memory_space<hbm>>) target_semaphore(%arg6 : memref<!tpu.dma_semaphore, #tpu.memory_space<semaphore_mem>>)
    %dma_start3A_109 = arith.constant 0 : i32
    %dma_start3A_110 = arith.constant 3 : i32
    %dma_start3A_111 = arith.constant 0 : i32
    %dma_start3A_112 = arith.constant 0 : i32
    %dma_start3A_113 = tpu.memref_slice %arg4[%dma_start3A_109, %dma_start3A_111, %dma_start3A_112] : memref<3x32x1024xf32, #tpu.memory_space<vmem>> -> memref<1x32x1024xf32, #tpu.memory_space<vmem>>
    %dma_start3A_114 = tpu.memref_squeeze %dma_start3A_113 : memref<1x32x1024xf32, #tpu.memory_space<vmem>> -> memref<32x1024xf32, #tpu.memory_space<vmem>>
    %dma_start3A_115 = arith.constant 0 : i32
    %dma_start3A_116 = tpu.memref_slice %arg3[%dma_start3A_110, %add3A_60, %dma_start3A_115] : memref<4x8192x1024xf32, #tpu.memory_space<hbm>> -> memref<1x32x1024xf32, #tpu.memory_space<hbm>>
    %dma_start3A_117 = tpu.memref_squeeze %dma_start3A_116 : memref<1x32x1024xf32, #tpu.memory_space<hbm>> -> memref<32x1024xf32, #tpu.memory_space<hbm>>
    %dma_start3A_118 = arith.constant 0 : i32
    %dma_start3A_119 = tpu.memref_slice %arg3[%dma_start3A_110, %add3A_60, %dma_start3A_118] : memref<4x8192x1024xf32, #tpu.memory_space<hbm>> -> memref<1x32x1024xf32, #tpu.memory_space<hbm>>
    %dma_start3A_120 = tpu.memref_squeeze %dma_start3A_119 : memref<1x32x1024xf32, #tpu.memory_space<hbm>> -> memref<32x1024xf32, #tpu.memory_space<hbm>>
    %dma_start3A_121 = arith.constant 0 : i32
    %dma_start3A_122 = arith.constant 0 : i32
    %dma_start3A_123 = tpu.memref_slice %arg4[%dma_start3A_109, %dma_start3A_121, %dma_start3A_122] : memref<3x32x1024xf32, #tpu.memory_space<vmem>> -> memref<1x32x1024xf32, #tpu.memory_space<vmem>>
    %dma_start3A_124 = tpu.memref_squeeze %dma_start3A_123 : memref<1x32x1024xf32, #tpu.memory_space<vmem>> -> memref<32x1024xf32, #tpu.memory_space<vmem>>
    tpu.enqueue_dma source(%dma_start3A_124 : memref<32x1024xf32, #tpu.memory_space<vmem>>) target(%dma_start3A_120 : memref<32x1024xf32, #tpu.memory_space<hbm>>) target_semaphore(%arg6 : memref<!tpu.dma_semaphore, #tpu.memory_space<semaphore_mem>>)
    %dma_wait3A_125 = arith.constant 1 : i32
    %dma_wait3A_126 = arith.constant 0 : i32
    %dma_wait3A_127 = arith.constant 0 : i32
    %dma_wait3A_128 = tpu.memref_slice %arg4[%dma_wait3A_125, %dma_wait3A_126, %dma_wait3A_127] : memref<3x32x1024xf32, #tpu.memory_space<vmem>> -> memref<1x32x1024xf32, #tpu.memory_space<vmem>>
    %dma_wait3A_129 = tpu.memref_squeeze %dma_wait3A_128 : memref<1x32x1024xf32, #tpu.memory_space<vmem>> -> memref<32x1024xf32, #tpu.memory_space<vmem>>
    %dma_wait3A_130 = arith.constant 0 : i32
    %dma_wait3A_131 = tpu.memref_slice %arg2[%add3A_18, %dma_wait3A_130] : memref<8192x1024xf32, #tpu.memory_space<hbm>> -> memref<32x1024xf32, #tpu.memory_space<hbm>>
    %dma_wait3A_132 = arith.constant 0 : i32
    %dma_wait3A_133 = arith.constant 0 : i32
    %dma_wait3A_134 = tpu.memref_slice %arg4[%dma_wait3A_125, %dma_wait3A_132, %dma_wait3A_133] : memref<3x32x1024xf32, #tpu.memory_space<vmem>> -> memref<1x32x1024xf32, #tpu.memory_space<vmem>>
    %dma_wait3A_135 = tpu.memref_squeeze %dma_wait3A_134 : memref<1x32x1024xf32, #tpu.memory_space<vmem>> -> memref<32x1024xf32, #tpu.memory_space<vmem>>
    %dma_wait3A_136 = arith.constant 0 : i32
    %dma_wait3A_137 = tpu.memref_slice %arg2[%add3A_18, %dma_wait3A_136] : memref<8192x1024xf32, #tpu.memory_space<hbm>> -> memref<32x1024xf32, #tpu.memory_space<hbm>>
    tpu.wait_dma2 semaphore(%arg5 : memref<!tpu.dma_semaphore, #tpu.memory_space<semaphore_mem>>) src(%dma_wait3A_137 : memref<32x1024xf32, #tpu.memory_space<hbm>>) dst(%dma_wait3A_135 : memref<32x1024xf32, #tpu.memory_space<vmem>>)
    %dma_wait3A_138 = arith.constant 0 : i32
    %dma_wait3A_139 = arith.constant 0 : i32
    %dma_wait3A_140 = arith.constant 0 : i32
    %dma_wait3A_141 = arith.constant 0 : i32
    %dma_wait3A_142 = tpu.memref_slice %arg4[%dma_wait3A_138, %dma_wait3A_140, %dma_wait3A_141] : memref<3x32x1024xf32, #tpu.memory_space<vmem>> -> memref<1x32x1024xf32, #tpu.memory_space<vmem>>
    %dma_wait3A_143 = tpu.memref_squeeze %dma_wait3A_142 : memref<1x32x1024xf32, #tpu.memory_space<vmem>> -> memref<32x1024xf32, #tpu.memory_space<vmem>>
    %dma_wait3A_144 = arith.constant 0 : i32
    %dma_wait3A_145 = tpu.memref_slice %arg3[%dma_wait3A_139, %add3A_60, %dma_wait3A_144] : memref<4x8192x1024xf32, #tpu.memory_space<hbm>> -> memref<1x32x1024xf32, #tpu.memory_space<hbm>>
    %dma_wait3A_146 = tpu.memref_squeeze %dma_wait3A_145 : memref<1x32x1024xf32, #tpu.memory_space<hbm>> -> memref<32x1024xf32, #tpu.memory_space<hbm>>
    %dma_wait3A_147 = arith.constant 0 : i32
    %dma_wait3A_148 = tpu.memref_slice %arg3[%dma_wait3A_139, %add3A_60, %dma_wait3A_147] : memref<4x8192x1024xf32, #tpu.memory_space<hbm>> -> memref<1x32x1024xf32, #tpu.memory_space<hbm>>
    %dma_wait3A_149 = tpu.memref_squeeze %dma_wait3A_148 : memref<1x32x1024xf32, #tpu.memory_space<hbm>> -> memref<32x1024xf32, #tpu.memory_space<hbm>>
    %dma_wait3A_150 = arith.constant 0 : i32
    %dma_wait3A_151 = arith.constant 0 : i32
    %dma_wait3A_152 = tpu.memref_slice %arg4[%dma_wait3A_138, %dma_wait3A_150, %dma_wait3A_151] : memref<3x32x1024xf32, #tpu.memory_space<vmem>> -> memref<1x32x1024xf32, #tpu.memory_space<vmem>>
    %dma_wait3A_153 = tpu.memref_squeeze %dma_wait3A_152 : memref<1x32x1024xf32, #tpu.memory_space<vmem>> -> memref<32x1024xf32, #tpu.memory_space<vmem>>
    tpu.wait_dma2 semaphore(%arg6 : memref<!tpu.dma_semaphore, #tpu.memory_space<semaphore_mem>>) src(%dma_wait3A_153 : memref<32x1024xf32, #tpu.memory_space<vmem>>) dst(%dma_wait3A_149 : memref<32x1024xf32, #tpu.memory_space<hbm>>)
    %dma_wait3A_154 = arith.constant 0 : i32
    %dma_wait3A_155 = arith.constant 1 : i32
    %dma_wait3A_156 = arith.constant 0 : i32
    %dma_wait3A_157 = arith.constant 0 : i32
    %dma_wait3A_158 = tpu.memref_slice %arg4[%dma_wait3A_154, %dma_wait3A_156, %dma_wait3A_157] : memref<3x32x1024xf32, #tpu.memory_space<vmem>> -> memref<1x32x1024xf32, #tpu.memory_space<vmem>>
    %dma_wait3A_159 = tpu.memref_squeeze %dma_wait3A_158 : memref<1x32x1024xf32, #tpu.memory_space<vmem>> -> memref<32x1024xf32, #tpu.memory_space<vmem>>
    %dma_wait3A_160 = arith.constant 0 : i32
    %dma_wait3A_161 = tpu.memref_slice %arg3[%dma_wait3A_155, %add3A_60, %dma_wait3A_160] : memref<4x8192x1024xf32, #tpu.memory_space<hbm>> -> memref<1x32x1024xf32, #tpu.memory_space<hbm>>
    %dma_wait3A_162 = tpu.memref_squeeze %dma_wait3A_161 : memref<1x32x1024xf32, #tpu.memory_space<hbm>> -> memref<32x1024xf32, #tpu.memory_space<hbm>>
    %dma_wait3A_163 = arith.constant 0 : i32
    %dma_wait3A_164 = tpu.memref_slice %arg3[%dma_wait3A_155, %add3A_60, %dma_wait3A_163] : memref<4x8192x1024xf32, #tpu.memory_space<hbm>> -> memref<1x32x1024xf32, #tpu.memory_space<hbm>>
    %dma_wait3A_165 = tpu.memref_squeeze %dma_wait3A_164 : memref<1x32x1024xf32, #tpu.memory_space<hbm>> -> memref<32x1024xf32, #tpu.memory_space<hbm>>
    %dma_wait3A_166 = arith.constant 0 : i32
    %dma_wait3A_167 = arith.constant 0 : i32
    %dma_wait3A_168 = tpu.memref_slice %arg4[%dma_wait3A_154, %dma_wait3A_166, %dma_wait3A_167] : memref<3x32x1024xf32, #tpu.memory_space<vmem>> -> memref<1x32x1024xf32, #tpu.memory_space<vmem>>
    %dma_wait3A_169 = tpu.memref_squeeze %dma_wait3A_168 : memref<1x32x1024xf32, #tpu.memory_space<vmem>> -> memref<32x1024xf32, #tpu.memory_space<vmem>>
    tpu.wait_dma2 semaphore(%arg6 : memref<!tpu.dma_semaphore, #tpu.memory_space<semaphore_mem>>) src(%dma_wait3A_169 : memref<32x1024xf32, #tpu.memory_space<vmem>>) dst(%dma_wait3A_165 : memref<32x1024xf32, #tpu.memory_space<hbm>>)
    %dma_wait3A_170 = arith.constant 0 : i32
    %dma_wait3A_171 = arith.constant 2 : i32
    %dma_wait3A_172 = arith.constant 0 : i32
    %dma_wait3A_173 = arith.constant 0 : i32
    %dma_wait3A_174 = tpu.memref_slice %arg4[%dma_wait3A_170, %dma_wait3A_172, %dma_wait3A_173] : memref<3x32x1024xf32, #tpu.memory_space<vmem>> -> memref<1x32x1024xf32, #tpu.memory_space<vmem>>
    %dma_wait3A_175 = tpu.memref_squeeze %dma_wait3A_174 : memref<1x32x1024xf32, #tpu.memory_space<vmem>> -> memref<32x1024xf32, #tpu.memory_space<vmem>>
    %dma_wait3A_176 = arith.constant 0 : i32
    %dma_wait3A_177 = tpu.memref_slice %arg3[%dma_wait3A_171, %add3A_60, %dma_wait3A_176] : memref<4x8192x1024xf32, #tpu.memory_space<hbm>> -> memref<1x32x1024xf32, #tpu.memory_space<hbm>>
    %dma_wait3A_178 = tpu.memref_squeeze %dma_wait3A_177 : memref<1x32x1024xf32, #tpu.memory_space<hbm>> -> memref<32x1024xf32, #tpu.memory_space<hbm>>
    %dma_wait3A_179 = arith.constant 0 : i32
    %dma_wait3A_180 = tpu.memref_slice %arg3[%dma_wait3A_171, %add3A_60, %dma_wait3A_179] : memref<4x8192x1024xf32, #tpu.memory_space<hbm>> -> memref<1x32x1024xf32, #tpu.memory_space<hbm>>
    %dma_wait3A_181 = tpu.memref_squeeze %dma_wait3A_180 : memref<1x32x1024xf32, #tpu.memory_space<hbm>> -> memref<32x1024xf32, #tpu.memory_space<hbm>>
    %dma_wait3A_182 = arith.constant 0 : i32
    %dma_wait3A_183 = arith.constant 0 : i32
    %dma_wait3A_184 = tpu.memref_slice %arg4[%dma_wait3A_170, %dma_wait3A_182, %dma_wait3A_183] : memref<3x32x1024xf32, #tpu.memory_space<vmem>> -> memref<1x32x1024xf32, #tpu.memory_space<vmem>>
    %dma_wait3A_185 = tpu.memref_squeeze %dma_wait3A_184 : memref<1x32x1024xf32, #tpu.memory_space<vmem>> -> memref<32x1024xf32, #tpu.memory_space<vmem>>
    tpu.wait_dma2 semaphore(%arg6 : memref<!tpu.dma_semaphore, #tpu.memory_space<semaphore_mem>>) src(%dma_wait3A_185 : memref<32x1024xf32, #tpu.memory_space<vmem>>) dst(%dma_wait3A_181 : memref<32x1024xf32, #tpu.memory_space<hbm>>)
    %dma_wait3A_186 = arith.constant 0 : i32
    %dma_wait3A_187 = arith.constant 3 : i32
    %dma_wait3A_188 = arith.constant 0 : i32
    %dma_wait3A_189 = arith.constant 0 : i32
    %dma_wait3A_190 = tpu.memref_slice %arg4[%dma_wait3A_186, %dma_wait3A_188, %dma_wait3A_189] : memref<3x32x1024xf32, #tpu.memory_space<vmem>> -> memref<1x32x1024xf32, #tpu.memory_space<vmem>>
    %dma_wait3A_191 = tpu.memref_squeeze %dma_wait3A_190 : memref<1x32x1024xf32, #tpu.memory_space<vmem>> -> memref<32x1024xf32, #tpu.memory_space<vmem>>
    %dma_wait3A_192 = arith.constant 0 : i32
    %dma_wait3A_193 = tpu.memref_slice %arg3[%dma_wait3A_187, %add3A_60, %dma_wait3A_192] : memref<4x8192x1024xf32, #tpu.memory_space<hbm>> -> memref<1x32x1024xf32, #tpu.memory_space<hbm>>
    %dma_wait3A_194 = tpu.memref_squeeze %dma_wait3A_193 : memref<1x32x1024xf32, #tpu.memory_space<hbm>> -> memref<32x1024xf32, #tpu.memory_space<hbm>>
    %dma_wait3A_195 = arith.constant 0 : i32
    %dma_wait3A_196 = tpu.memref_slice %arg3[%dma_wait3A_187, %add3A_60, %dma_wait3A_195] : memref<4x8192x1024xf32, #tpu.memory_space<hbm>> -> memref<1x32x1024xf32, #tpu.memory_space<hbm>>
    %dma_wait3A_197 = tpu.memref_squeeze %dma_wait3A_196 : memref<1x32x1024xf32, #tpu.memory_space<hbm>> -> memref<32x1024xf32, #tpu.memory_space<hbm>>
    %dma_wait3A_198 = arith.constant 0 : i32
    %dma_wait3A_199 = arith.constant 0 : i32
    %dma_wait3A_200 = tpu.memref_slice %arg4[%dma_wait3A_186, %dma_wait3A_198, %dma_wait3A_199] : memref<3x32x1024xf32, #tpu.memory_space<vmem>> -> memref<1x32x1024xf32, #tpu.memory_space<vmem>>
    %dma_wait3A_201 = tpu.memref_squeeze %dma_wait3A_200 : memref<1x32x1024xf32, #tpu.memory_space<vmem>> -> memref<32x1024xf32, #tpu.memory_space<vmem>>
    tpu.wait_dma2 semaphore(%arg6 : memref<!tpu.dma_semaphore, #tpu.memory_space<semaphore_mem>>) src(%dma_wait3A_201 : memref<32x1024xf32, #tpu.memory_space<vmem>>) dst(%dma_wait3A_197 : memref<32x1024xf32, #tpu.memory_space<hbm>>)
    %add3A_202 = arith.constant 96 : i32
    %add3A_203 = arith.addi %mul3A_2, %add3A_202 : i32
    %dma_start3A_204 = arith.constant 0 : i32
    %dma_start3A_205 = arith.constant 0 : i32
    %dma_start3A_206 = arith.constant 0 : i32
    %dma_start3A_207 = tpu.memref_slice %arg4[%dma_start3A_204, %dma_start3A_205, %dma_start3A_206] : memref<3x32x1024xf32, #tpu.memory_space<vmem>> -> memref<1x32x1024xf32, #tpu.memory_space<vmem>>
    %dma_start3A_208 = tpu.memref_squeeze %dma_start3A_207 : memref<1x32x1024xf32, #tpu.memory_space<vmem>> -> memref<32x1024xf32, #tpu.memory_space<vmem>>
    %dma_start3A_209 = arith.constant 0 : i32
    %dma_start3A_210 = tpu.memref_slice %arg2[%add3A_203, %dma_start3A_209] : memref<8192x1024xf32, #tpu.memory_space<hbm>> -> memref<32x1024xf32, #tpu.memory_space<hbm>>
    %dma_start3A_211 = arith.constant 0 : i32
    %dma_start3A_212 = arith.constant 0 : i32
    %dma_start3A_213 = tpu.memref_slice %arg4[%dma_start3A_204, %dma_start3A_211, %dma_start3A_212] : memref<3x32x1024xf32, #tpu.memory_space<vmem>> -> memref<1x32x1024xf32, #tpu.memory_space<vmem>>
    %dma_start3A_214 = tpu.memref_squeeze %dma_start3A_213 : memref<1x32x1024xf32, #tpu.memory_space<vmem>> -> memref<32x1024xf32, #tpu.memory_space<vmem>>
    %dma_start3A_215 = arith.constant 0 : i32
    %dma_start3A_216 = tpu.memref_slice %arg2[%add3A_203, %dma_start3A_215] : memref<8192x1024xf32, #tpu.memory_space<hbm>> -> memref<32x1024xf32, #tpu.memory_space<hbm>>
    tpu.enqueue_dma source(%dma_start3A_216 : memref<32x1024xf32, #tpu.memory_space<hbm>>) target(%dma_start3A_214 : memref<32x1024xf32, #tpu.memory_space<vmem>>) target_semaphore(%arg5 : memref<!tpu.dma_semaphore, #tpu.memory_space<semaphore_mem>>)
    %add3A_217 = arith.constant 32 : i32
    %add3A_218 = arith.addi %mul3A_2, %add3A_217 : i32
    %dma_start3A_219 = arith.constant 1 : i32
    %dma_start3A_220 = arith.constant 1 : i32
    %dma_start3A_221 = arith.constant 0 : i32
    %dma_start3A_222 = arith.constant 0 : i32
    %dma_start3A_223 = tpu.memref_slice %arg4[%dma_start3A_219, %dma_start3A_221, %dma_start3A_222] : memref<3x32x1024xf32, #tpu.memory_space<vmem>> -> memref<1x32x1024xf32, #tpu.memory_space<vmem>>
    %dma_start3A_224 = tpu.memref_squeeze %dma_start3A_223 : memref<1x32x1024xf32, #tpu.memory_space<vmem>> -> memref<32x1024xf32, #tpu.memory_space<vmem>>
    %dma_start3A_225 = arith.constant 0 : i32
    %dma_start3A_226 = tpu.memref_slice %arg3[%dma_start3A_220, %add3A_218, %dma_start3A_225] : memref<4x8192x1024xf32, #tpu.memory_space<hbm>> -> memref<1x32x1024xf32, #tpu.memory_space<hbm>>
    %dma_start3A_227 = tpu.memref_squeeze %dma_start3A_226 : memref<1x32x1024xf32, #tpu.memory_space<hbm>> -> memref<32x1024xf32, #tpu.memory_space<hbm>>
    %dma_start3A_228 = arith.constant 0 : i32
    %dma_start3A_229 = tpu.memref_slice %arg3[%dma_start3A_220, %add3A_218, %dma_start3A_228] : memref<4x8192x1024xf32, #tpu.memory_space<hbm>> -> memref<1x32x1024xf32, #tpu.memory_space<hbm>>
    %dma_start3A_230 = tpu.memref_squeeze %dma_start3A_229 : memref<1x32x1024xf32, #tpu.memory_space<hbm>> -> memref<32x1024xf32, #tpu.memory_space<hbm>>
    %dma_start3A_231 = arith.constant 0 : i32
    %dma_start3A_232 = arith.constant 0 : i32
    %dma_start3A_233 = tpu.memref_slice %arg4[%dma_start3A_219, %dma_start3A_231, %dma_start3A_232] : memref<3x32x1024xf32, #tpu.memory_space<vmem>> -> memref<1x32x1024xf32, #tpu.memory_space<vmem>>
    %dma_start3A_234 = tpu.memref_squeeze %dma_start3A_233 : memref<1x32x1024xf32, #tpu.memory_space<vmem>> -> memref<32x1024xf32, #tpu.memory_space<vmem>>
    tpu.enqueue_dma source(%dma_start3A_234 : memref<32x1024xf32, #tpu.memory_space<vmem>>) target(%dma_start3A_230 : memref<32x1024xf32, #tpu.memory_space<hbm>>) target_semaphore(%arg6 : memref<!tpu.dma_semaphore, #tpu.memory_space<semaphore_mem>>)
    %dma_start3A_235 = arith.constant 1 : i32
    %dma_start3A_236 = arith.constant 2 : i32
    %dma_start3A_237 = arith.constant 0 : i32
    %dma_start3A_238 = arith.constant 0 : i32
    %dma_start3A_239 = tpu.memref_slice %arg4[%dma_start3A_235, %dma_start3A_237, %dma_start3A_238] : memref<3x32x1024xf32, #tpu.memory_space<vmem>> -> memref<1x32x1024xf32, #tpu.memory_space<vmem>>
    %dma_start3A_240 = tpu.memref_squeeze %dma_start3A_239 : memref<1x32x1024xf32, #tpu.memory_space<vmem>> -> memref<32x1024xf32, #tpu.memory_space<vmem>>
    %dma_start3A_241 = arith.constant 0 : i32
    %dma_start3A_242 = tpu.memref_slice %arg3[%dma_start3A_236, %add3A_218, %dma_start3A_241] : memref<4x8192x1024xf32, #tpu.memory_space<hbm>> -> memref<1x32x1024xf32, #tpu.memory_space<hbm>>
    %dma_start3A_243 = tpu.memref_squeeze %dma_start3A_242 : memref<1x32x1024xf32, #tpu.memory_space<hbm>> -> memref<32x1024xf32, #tpu.memory_space<hbm>>
    %dma_start3A_244 = arith.constant 0 : i32
    %dma_start3A_245 = tpu.memref_slice %arg3[%dma_start3A_236, %add3A_218, %dma_start3A_244] : memref<4x8192x1024xf32, #tpu.memory_space<hbm>> -> memref<1x32x1024xf32, #tpu.memory_space<hbm>>
    %dma_start3A_246 = tpu.memref_squeeze %dma_start3A_245 : memref<1x32x1024xf32, #tpu.memory_space<hbm>> -> memref<32x1024xf32, #tpu.memory_space<hbm>>
    %dma_start3A_247 = arith.constant 0 : i32
    %dma_start3A_248 = arith.constant 0 : i32
    %dma_start3A_249 = tpu.memref_slice %arg4[%dma_start3A_235, %dma_start3A_247, %dma_start3A_248] : memref<3x32x1024xf32, #tpu.memory_space<vmem>> -> memref<1x32x1024xf32, #tpu.memory_space<vmem>>
    %dma_start3A_250 = tpu.memref_squeeze %dma_start3A_249 : memref<1x32x1024xf32, #tpu.memory_space<vmem>> -> memref<32x1024xf32, #tpu.memory_space<vmem>>
    tpu.enqueue_dma source(%dma_start3A_250 : memref<32x1024xf32, #tpu.memory_space<vmem>>) target(%dma_start3A_246 : memref<32x1024xf32, #tpu.memory_space<hbm>>) target_semaphore(%arg6 : memref<!tpu.dma_semaphore, #tpu.memory_space<semaphore_mem>>)
    %dma_start3A_251 = arith.constant 1 : i32
    %dma_start3A_252 = arith.constant 3 : i32
    %dma_start3A_253 = arith.constant 0 : i32
    %dma_start3A_254 = arith.constant 0 : i32
    %dma_start3A_255 = tpu.memref_slice %arg4[%dma_start3A_251, %dma_start3A_253, %dma_start3A_254] : memref<3x32x1024xf32, #tpu.memory_space<vmem>> -> memref<1x32x1024xf32, #tpu.memory_space<vmem>>
    %dma_start3A_256 = tpu.memref_squeeze %dma_start3A_255 : memref<1x32x1024xf32, #tpu.memory_space<vmem>> -> memref<32x1024xf32, #tpu.memory_space<vmem>>
    %dma_start3A_257 = arith.constant 0 : i32
    %dma_start3A_258 = tpu.memref_slice %arg3[%dma_start3A_252, %add3A_218, %dma_start3A_257] : memref<4x8192x1024xf32, #tpu.memory_space<hbm>> -> memref<1x32x1024xf32, #tpu.memory_space<hbm>>
    %dma_start3A_259 = tpu.memref_squeeze %dma_start3A_258 : memref<1x32x1024xf32, #tpu.memory_space<hbm>> -> memref<32x1024xf32, #tpu.memory_space<hbm>>
    %dma_start3A_260 = arith.constant 0 : i32
    %dma_start3A_261 = tpu.memref_slice %arg3[%dma_start3A_252, %add3A_218, %dma_start3A_260] : memref<4x8192x1024xf32, #tpu.memory_space<hbm>> -> memref<1x32x1024xf32, #tpu.memory_space<hbm>>
    %dma_start3A_262 = tpu.memref_squeeze %dma_start3A_261 : memref<1x32x1024xf32, #tpu.memory_space<hbm>> -> memref<32x1024xf32, #tpu.memory_space<hbm>>
    %dma_start3A_263 = arith.constant 0 : i32
    %dma_start3A_264 = arith.constant 0 : i32
    %dma_start3A_265 = tpu.memref_slice %arg4[%dma_start3A_251, %dma_start3A_263, %dma_start3A_264] : memref<3x32x1024xf32, #tpu.memory_space<vmem>> -> memref<1x32x1024xf32, #tpu.memory_space<vmem>>
    %dma_start3A_266 = tpu.memref_squeeze %dma_start3A_265 : memref<1x32x1024xf32, #tpu.memory_space<vmem>> -> memref<32x1024xf32, #tpu.memory_space<vmem>>
    tpu.enqueue_dma source(%dma_start3A_266 : memref<32x1024xf32, #tpu.memory_space<vmem>>) target(%dma_start3A_262 : memref<32x1024xf32, #tpu.memory_space<hbm>>) target_semaphore(%arg6 : memref<!tpu.dma_semaphore, #tpu.memory_space<semaphore_mem>>)
    %dma_start3A_267 = arith.constant 1 : i32
    %dma_start3A_268 = arith.constant 0 : i32
    %dma_start3A_269 = arith.constant 0 : i32
    %dma_start3A_270 = arith.constant 0 : i32
    %dma_start3A_271 = tpu.memref_slice %arg4[%dma_start3A_267, %dma_start3A_269, %dma_start3A_270] : memref<3x32x1024xf32, #tpu.memory_space<vmem>> -> memref<1x32x1024xf32, #tpu.memory_space<vmem>>
    %dma_start3A_272 = tpu.memref_squeeze %dma_start3A_271 : memref<1x32x1024xf32, #tpu.memory_space<vmem>> -> memref<32x1024xf32, #tpu.memory_space<vmem>>
    %dma_start3A_273 = arith.constant 0 : i32
    %dma_start3A_274 = tpu.memref_slice %arg3[%dma_start3A_268, %add3A_218, %dma_start3A_273] : memref<4x8192x1024xf32, #tpu.memory_space<hbm>> -> memref<1x32x1024xf32, #tpu.memory_space<hbm>>
    %dma_start3A_275 = tpu.memref_squeeze %dma_start3A_274 : memref<1x32x1024xf32, #tpu.memory_space<hbm>> -> memref<32x1024xf32, #tpu.memory_space<hbm>>
    %dma_start3A_276 = arith.constant 0 : i32
    %dma_start3A_277 = tpu.memref_slice %arg3[%dma_start3A_268, %add3A_218, %dma_start3A_276] : memref<4x8192x1024xf32, #tpu.memory_space<hbm>> -> memref<1x32x1024xf32, #tpu.memory_space<hbm>>
    %dma_start3A_278 = tpu.memref_squeeze %dma_start3A_277 : memref<1x32x1024xf32, #tpu.memory_space<hbm>> -> memref<32x1024xf32, #tpu.memory_space<hbm>>
    %dma_start3A_279 = arith.constant 0 : i32
    %dma_start3A_280 = arith.constant 0 : i32
    %dma_start3A_281 = tpu.memref_slice %arg4[%dma_start3A_267, %dma_start3A_279, %dma_start3A_280] : memref<3x32x1024xf32, #tpu.memory_space<vmem>> -> memref<1x32x1024xf32, #tpu.memory_space<vmem>>
    %dma_start3A_282 = tpu.memref_squeeze %dma_start3A_281 : memref<1x32x1024xf32, #tpu.memory_space<vmem>> -> memref<32x1024xf32, #tpu.memory_space<vmem>>
    tpu.enqueue_dma source(%dma_start3A_282 : memref<32x1024xf32, #tpu.memory_space<vmem>>) target(%dma_start3A_278 : memref<32x1024xf32, #tpu.memory_space<hbm>>) target_semaphore(%arg6 : memref<!tpu.dma_semaphore, #tpu.memory_space<semaphore_mem>>)
    %dma_wait3A_283 = arith.constant 2 : i32
    %dma_wait3A_284 = arith.constant 0 : i32
    %dma_wait3A_285 = arith.constant 0 : i32
    %dma_wait3A_286 = tpu.memref_slice %arg4[%dma_wait3A_283, %dma_wait3A_284, %dma_wait3A_285] : memref<3x32x1024xf32, #tpu.memory_space<vmem>> -> memref<1x32x1024xf32, #tpu.memory_space<vmem>>
    %dma_wait3A_287 = tpu.memref_squeeze %dma_wait3A_286 : memref<1x32x1024xf32, #tpu.memory_space<vmem>> -> memref<32x1024xf32, #tpu.memory_space<vmem>>
    %dma_wait3A_288 = arith.constant 0 : i32
    %dma_wait3A_289 = tpu.memref_slice %arg2[%add3A_45, %dma_wait3A_288] : memref<8192x1024xf32, #tpu.memory_space<hbm>> -> memref<32x1024xf32, #tpu.memory_space<hbm>>
    %dma_wait3A_290 = arith.constant 0 : i32
    %dma_wait3A_291 = arith.constant 0 : i32
    %dma_wait3A_292 = tpu.memref_slice %arg4[%dma_wait3A_283, %dma_wait3A_290, %dma_wait3A_291] : memref<3x32x1024xf32, #tpu.memory_space<vmem>> -> memref<1x32x1024xf32, #tpu.memory_space<vmem>>
    %dma_wait3A_293 = tpu.memref_squeeze %dma_wait3A_292 : memref<1x32x1024xf32, #tpu.memory_space<vmem>> -> memref<32x1024xf32, #tpu.memory_space<vmem>>
    %dma_wait3A_294 = arith.constant 0 : i32
    %dma_wait3A_295 = tpu.memref_slice %arg2[%add3A_45, %dma_wait3A_294] : memref<8192x1024xf32, #tpu.memory_space<hbm>> -> memref<32x1024xf32, #tpu.memory_space<hbm>>
    tpu.wait_dma2 semaphore(%arg5 : memref<!tpu.dma_semaphore, #tpu.memory_space<semaphore_mem>>) src(%dma_wait3A_295 : memref<32x1024xf32, #tpu.memory_space<hbm>>) dst(%dma_wait3A_293 : memref<32x1024xf32, #tpu.memory_space<vmem>>)
    %dma_wait3A_296 = arith.constant 1 : i32
    %dma_wait3A_297 = arith.constant 1 : i32
    %dma_wait3A_298 = arith.constant 0 : i32
    %dma_wait3A_299 = arith.constant 0 : i32
    %dma_wait3A_300 = tpu.memref_slice %arg4[%dma_wait3A_296, %dma_wait3A_298, %dma_wait3A_299] : memref<3x32x1024xf32, #tpu.memory_space<vmem>> -> memref<1x32x1024xf32, #tpu.memory_space<vmem>>
    %dma_wait3A_301 = tpu.memref_squeeze %dma_wait3A_300 : memref<1x32x1024xf32, #tpu.memory_space<vmem>> -> memref<32x1024xf32, #tpu.memory_space<vmem>>
    %dma_wait3A_302 = arith.constant 0 : i32
    %dma_wait3A_303 = tpu.memref_slice %arg3[%dma_wait3A_297, %add3A_218, %dma_wait3A_302] : memref<4x8192x1024xf32, #tpu.memory_space<hbm>> -> memref<1x32x1024xf32, #tpu.memory_space<hbm>>
    %dma_wait3A_304 = tpu.memref_squeeze %dma_wait3A_303 : memref<1x32x1024xf32, #tpu.memory_space<hbm>> -> memref<32x1024xf32, #tpu.memory_space<hbm>>
    %dma_wait3A_305 = arith.constant 0 : i32
    %dma_wait3A_306 = tpu.memref_slice %arg3[%dma_wait3A_297, %add3A_218, %dma_wait3A_305] : memref<4x8192x1024xf32, #tpu.memory_space<hbm>> -> memref<1x32x1024xf32, #tpu.memory_space<hbm>>
    %dma_wait3A_307 = tpu.memref_squeeze %dma_wait3A_306 : memref<1x32x1024xf32, #tpu.memory_space<hbm>> -> memref<32x1024xf32, #tpu.memory_space<hbm>>
    %dma_wait3A_308 = arith.constant 0 : i32
    %dma_wait3A_309 = arith.constant 0 : i32
    %dma_wait3A_310 = tpu.memref_slice %arg4[%dma_wait3A_296, %dma_wait3A_308, %dma_wait3A_309] : memref<3x32x1024xf32, #tpu.memory_space<vmem>> -> memref<1x32x1024xf32, #tpu.memory_space<vmem>>
    %dma_wait3A_311 = tpu.memref_squeeze %dma_wait3A_310 : memref<1x32x1024xf32, #tpu.memory_space<vmem>> -> memref<32x1024xf32, #tpu.memory_space<vmem>>
    tpu.wait_dma2 semaphore(%arg6 : memref<!tpu.dma_semaphore, #tpu.memory_space<semaphore_mem>>) src(%dma_wait3A_311 : memref<32x1024xf32, #tpu.memory_space<vmem>>) dst(%dma_wait3A_307 : memref<32x1024xf32, #tpu.memory_space<hbm>>)
    %dma_wait3A_312 = arith.constant 1 : i32
    %dma_wait3A_313 = arith.constant 2 : i32
    %dma_wait3A_314 = arith.constant 0 : i32
    %dma_wait3A_315 = arith.constant 0 : i32
    %dma_wait3A_316 = tpu.memref_slice %arg4[%dma_wait3A_312, %dma_wait3A_314, %dma_wait3A_315] : memref<3x32x1024xf32, #tpu.memory_space<vmem>> -> memref<1x32x1024xf32, #tpu.memory_space<vmem>>
    %dma_wait3A_317 = tpu.memref_squeeze %dma_wait3A_316 : memref<1x32x1024xf32, #tpu.memory_space<vmem>> -> memref<32x1024xf32, #tpu.memory_space<vmem>>
    %dma_wait3A_318 = arith.constant 0 : i32
    %dma_wait3A_319 = tpu.memref_slice %arg3[%dma_wait3A_313, %add3A_218, %dma_wait3A_318] : memref<4x8192x1024xf32, #tpu.memory_space<hbm>> -> memref<1x32x1024xf32, #tpu.memory_space<hbm>>
    %dma_wait3A_320 = tpu.memref_squeeze %dma_wait3A_319 : memref<1x32x1024xf32, #tpu.memory_space<hbm>> -> memref<32x1024xf32, #tpu.memory_space<hbm>>
    %dma_wait3A_321 = arith.constant 0 : i32
    %dma_wait3A_322 = tpu.memref_slice %arg3[%dma_wait3A_313, %add3A_218, %dma_wait3A_321] : memref<4x8192x1024xf32, #tpu.memory_space<hbm>> -> memref<1x32x1024xf32, #tpu.memory_space<hbm>>
    %dma_wait3A_323 = tpu.memref_squeeze %dma_wait3A_322 : memref<1x32x1024xf32, #tpu.memory_space<hbm>> -> memref<32x1024xf32, #tpu.memory_space<hbm>>
    %dma_wait3A_324 = arith.constant 0 : i32
    %dma_wait3A_325 = arith.constant 0 : i32
    %dma_wait3A_326 = tpu.memref_slice %arg4[%dma_wait3A_312, %dma_wait3A_324, %dma_wait3A_325] : memref<3x32x1024xf32, #tpu.memory_space<vmem>> -> memref<1x32x1024xf32, #tpu.memory_space<vmem>>
    %dma_wait3A_327 = tpu.memref_squeeze %dma_wait3A_326 : memref<1x32x1024xf32, #tpu.memory_space<vmem>> -> memref<32x1024xf32, #tpu.memory_space<vmem>>
    tpu.wait_dma2 semaphore(%arg6 : memref<!tpu.dma_semaphore, #tpu.memory_space<semaphore_mem>>) src(%dma_wait3A_327 : memref<32x1024xf32, #tpu.memory_space<vmem>>) dst(%dma_wait3A_323 : memref<32x1024xf32, #tpu.memory_space<hbm>>)
    %dma_wait3A_328 = arith.constant 1 : i32
    %dma_wait3A_329 = arith.constant 3 : i32
    %dma_wait3A_330 = arith.constant 0 : i32
    %dma_wait3A_331 = arith.constant 0 : i32
    %dma_wait3A_332 = tpu.memref_slice %arg4[%dma_wait3A_328, %dma_wait3A_330, %dma_wait3A_331] : memref<3x32x1024xf32, #tpu.memory_space<vmem>> -> memref<1x32x1024xf32, #tpu.memory_space<vmem>>
    %dma_wait3A_333 = tpu.memref_squeeze %dma_wait3A_332 : memref<1x32x1024xf32, #tpu.memory_space<vmem>> -> memref<32x1024xf32, #tpu.memory_space<vmem>>
    %dma_wait3A_334 = arith.constant 0 : i32
    %dma_wait3A_335 = tpu.memref_slice %arg3[%dma_wait3A_329, %add3A_218, %dma_wait3A_334] : memref<4x8192x1024xf32, #tpu.memory_space<hbm>> -> memref<1x32x1024xf32, #tpu.memory_space<hbm>>
    %dma_wait3A_336 = tpu.memref_squeeze %dma_wait3A_335 : memref<1x32x1024xf32, #tpu.memory_space<hbm>> -> memref<32x1024xf32, #tpu.memory_space<hbm>>
    %dma_wait3A_337 = arith.constant 0 : i32
    %dma_wait3A_338 = tpu.memref_slice %arg3[%dma_wait3A_329, %add3A_218, %dma_wait3A_337] : memref<4x8192x1024xf32, #tpu.memory_space<hbm>> -> memref<1x32x1024xf32, #tpu.memory_space<hbm>>
    %dma_wait3A_339 = tpu.memref_squeeze %dma_wait3A_338 : memref<1x32x1024xf32, #tpu.memory_space<hbm>> -> memref<32x1024xf32, #tpu.memory_space<hbm>>
    %dma_wait3A_340 = arith.constant 0 : i32
    %dma_wait3A_341 = arith.constant 0 : i32
    %dma_wait3A_342 = tpu.memref_slice %arg4[%dma_wait3A_328, %dma_wait3A_340, %dma_wait3A_341] : memref<3x32x1024xf32, #tpu.memory_space<vmem>> -> memref<1x32x1024xf32, #tpu.memory_space<vmem>>
    %dma_wait3A_343 = tpu.memref_squeeze %dma_wait3A_342 : memref<1x32x1024xf32, #tpu.memory_space<vmem>> -> memref<32x1024xf32, #tpu.memory_space<vmem>>
    tpu.wait_dma2 semaphore(%arg6 : memref<!tpu.dma_semaphore, #tpu.memory_space<semaphore_mem>>) src(%dma_wait3A_343 : memref<32x1024xf32, #tpu.memory_space<vmem>>) dst(%dma_wait3A_339 : memref<32x1024xf32, #tpu.memory_space<hbm>>)
    %dma_wait3A_344 = arith.constant 1 : i32
    %dma_wait3A_345 = arith.constant 0 : i32
    %dma_wait3A_346 = arith.constant 0 : i32
    %dma_wait3A_347 = arith.constant 0 : i32
    %dma_wait3A_348 = tpu.memref_slice %arg4[%dma_wait3A_344, %dma_wait3A_346, %dma_wait3A_347] : memref<3x32x1024xf32, #tpu.memory_space<vmem>> -> memref<1x32x1024xf32, #tpu.memory_space<vmem>>
    %dma_wait3A_349 = tpu.memref_squeeze %dma_wait3A_348 : memref<1x32x1024xf32, #tpu.memory_space<vmem>> -> memref<32x1024xf32, #tpu.memory_space<vmem>>
    %dma_wait3A_350 = arith.constant 0 : i32
    %dma_wait3A_351 = tpu.memref_slice %arg3[%dma_wait3A_345, %add3A_218, %dma_wait3A_350] : memref<4x8192x1024xf32, #tpu.memory_space<hbm>> -> memref<1x32x1024xf32, #tpu.memory_space<hbm>>
    %dma_wait3A_352 = tpu.memref_squeeze %dma_wait3A_351 : memref<1x32x1024xf32, #tpu.memory_space<hbm>> -> memref<32x1024xf32, #tpu.memory_space<hbm>>
    %dma_wait3A_353 = arith.constant 0 : i32
    %dma_wait3A_354 = tpu.memref_slice %arg3[%dma_wait3A_345, %add3A_218, %dma_wait3A_353] : memref<4x8192x1024xf32, #tpu.memory_space<hbm>> -> memref<1x32x1024xf32, #tpu.memory_space<hbm>>
    %dma_wait3A_355 = tpu.memref_squeeze %dma_wait3A_354 : memref<1x32x1024xf32, #tpu.memory_space<hbm>> -> memref<32x1024xf32, #tpu.memory_space<hbm>>
    %dma_wait3A_356 = arith.constant 0 : i32
    %dma_wait3A_357 = arith.constant 0 : i32
    %dma_wait3A_358 = tpu.memref_slice %arg4[%dma_wait3A_344, %dma_wait3A_356, %dma_wait3A_357] : memref<3x32x1024xf32, #tpu.memory_space<vmem>> -> memref<1x32x1024xf32, #tpu.memory_space<vmem>>
    %dma_wait3A_359 = tpu.memref_squeeze %dma_wait3A_358 : memref<1x32x1024xf32, #tpu.memory_space<vmem>> -> memref<32x1024xf32, #tpu.memory_space<vmem>>
    tpu.wait_dma2 semaphore(%arg6 : memref<!tpu.dma_semaphore, #tpu.memory_space<semaphore_mem>>) src(%dma_wait3A_359 : memref<32x1024xf32, #tpu.memory_space<vmem>>) dst(%dma_wait3A_355 : memref<32x1024xf32, #tpu.memory_space<hbm>>)
    %add3A_360 = arith.constant 128 : i32
    %add3A_361 = arith.addi %mul3A_2, %add3A_360 : i32
    %dma_start3A_362 = arith.constant 1 : i32
    %dma_start3A_363 = arith.constant 0 : i32
    %dma_start3A_364 = arith.constant 0 : i32
    %dma_start3A_365 = tpu.memref_slice %arg4[%dma_start3A_362, %dma_start3A_363, %dma_start3A_364] : memref<3x32x1024xf32, #tpu.memory_space<vmem>> -> memref<1x32x1024xf32, #tpu.memory_space<vmem>>
    %dma_start3A_366 = tpu.memref_squeeze %dma_start3A_365 : memref<1x32x1024xf32, #tpu.memory_space<vmem>> -> memref<32x1024xf32, #tpu.memory_space<vmem>>
    %dma_start3A_367 = arith.constant 0 : i32
    %dma_start3A_368 = tpu.memref_slice %arg2[%add3A_361, %dma_start3A_367] : memref<8192x1024xf32, #tpu.memory_space<hbm>> -> memref<32x1024xf32, #tpu.memory_space<hbm>>
    %dma_start3A_369 = arith.constant 0 : i32
    %dma_start3A_370 = arith.constant 0 : i32
    %dma_start3A_371 = tpu.memref_slice %arg4[%dma_start3A_362, %dma_start3A_369, %dma_start3A_370] : memref<3x32x1024xf32, #tpu.memory_space<vmem>> -> memref<1x32x1024xf32, #tpu.memory_space<vmem>>
    %dma_start3A_372 = tpu.memref_squeeze %dma_start3A_371 : memref<1x32x1024xf32, #tpu.memory_space<vmem>> -> memref<32x1024xf32, #tpu.memory_space<vmem>>
    %dma_start3A_373 = arith.constant 0 : i32
    %dma_start3A_374 = tpu.memref_slice %arg2[%add3A_361, %dma_start3A_373] : memref<8192x1024xf32, #tpu.memory_space<hbm>> -> memref<32x1024xf32, #tpu.memory_space<hbm>>
    tpu.enqueue_dma source(%dma_start3A_374 : memref<32x1024xf32, #tpu.memory_space<hbm>>) target(%dma_start3A_372 : memref<32x1024xf32, #tpu.memory_space<vmem>>) target_semaphore(%arg5 : memref<!tpu.dma_semaphore, #tpu.memory_space<semaphore_mem>>)
    %add3A_375 = arith.constant 64 : i32
    %add3A_376 = arith.addi %mul3A_2, %add3A_375 : i32
    %dma_start3A_377 = arith.constant 2 : i32
    %dma_start3A_378 = arith.constant 2 : i32
    %dma_start3A_379 = arith.constant 0 : i32
    %dma_start3A_380 = arith.constant 0 : i32
    %dma_start3A_381 = tpu.memref_slice %arg4[%dma_start3A_377, %dma_start3A_379, %dma_start3A_380] : memref<3x32x1024xf32, #tpu.memory_space<vmem>> -> memref<1x32x1024xf32, #tpu.memory_space<vmem>>
    %dma_start3A_382 = tpu.memref_squeeze %dma_start3A_381 : memref<1x32x1024xf32, #tpu.memory_space<vmem>> -> memref<32x1024xf32, #tpu.memory_space<vmem>>
    %dma_start3A_383 = arith.constant 0 : i32
    %dma_start3A_384 = tpu.memref_slice %arg3[%dma_start3A_378, %add3A_376, %dma_start3A_383] : memref<4x8192x1024xf32, #tpu.memory_space<hbm>> -> memref<1x32x1024xf32, #tpu.memory_space<hbm>>
    %dma_start3A_385 = tpu.memref_squeeze %dma_start3A_384 : memref<1x32x1024xf32, #tpu.memory_space<hbm>> -> memref<32x1024xf32, #tpu.memory_space<hbm>>
    %dma_start3A_386 = arith.constant 0 : i32
    %dma_start3A_387 = tpu.memref_slice %arg3[%dma_start3A_378, %add3A_376, %dma_start3A_386] : memref<4x8192x1024xf32, #tpu.memory_space<hbm>> -> memref<1x32x1024xf32, #tpu.memory_space<hbm>>
    %dma_start3A_388 = tpu.memref_squeeze %dma_start3A_387 : memref<1x32x1024xf32, #tpu.memory_space<hbm>> -> memref<32x1024xf32, #tpu.memory_space<hbm>>
    %dma_start3A_389 = arith.constant 0 : i32
    %dma_start3A_390 = arith.constant 0 : i32
    %dma_start3A_391 = tpu.memref_slice %arg4[%dma_start3A_377, %dma_start3A_389, %dma_start3A_390] : memref<3x32x1024xf32, #tpu.memory_space<vmem>> -> memref<1x32x1024xf32, #tpu.memory_space<vmem>>
    %dma_start3A_392 = tpu.memref_squeeze %dma_start3A_391 : memref<1x32x1024xf32, #tpu.memory_space<vmem>> -> memref<32x1024xf32, #tpu.memory_space<vmem>>
    tpu.enqueue_dma source(%dma_start3A_392 : memref<32x1024xf32, #tpu.memory_space<vmem>>) target(%dma_start3A_388 : memref<32x1024xf32, #tpu.memory_space<hbm>>) target_semaphore(%arg6 : memref<!tpu.dma_semaphore, #tpu.memory_space<semaphore_mem>>)
    %dma_start3A_393 = arith.constant 2 : i32
    %dma_start3A_394 = arith.constant 3 : i32
    %dma_start3A_395 = arith.constant 0 : i32
    %dma_start3A_396 = arith.constant 0 : i32
    %dma_start3A_397 = tpu.memref_slice %arg4[%dma_start3A_393, %dma_start3A_395, %dma_start3A_396] : memref<3x32x1024xf32, #tpu.memory_space<vmem>> -> memref<1x32x1024xf32, #tpu.memory_space<vmem>>
    %dma_start3A_398 = tpu.memref_squeeze %dma_start3A_397 : memref<1x32x1024xf32, #tpu.memory_space<vmem>> -> memref<32x1024xf32, #tpu.memory_space<vmem>>
    %dma_start3A_399 = arith.constant 0 : i32
    %dma_start3A_400 = tpu.memref_slice %arg3[%dma_start3A_394, %add3A_376, %dma_start3A_399] : memref<4x8192x1024xf32, #tpu.memory_space<hbm>> -> memref<1x32x1024xf32, #tpu.memory_space<hbm>>
    %dma_start3A_401 = tpu.memref_squeeze %dma_start3A_400 : memref<1x32x1024xf32, #tpu.memory_space<hbm>> -> memref<32x1024xf32, #tpu.memory_space<hbm>>
    %dma_start3A_402 = arith.constant 0 : i32
    %dma_start3A_403 = tpu.memref_slice %arg3[%dma_start3A_394, %add3A_376, %dma_start3A_402] : memref<4x8192x1024xf32, #tpu.memory_space<hbm>> -> memref<1x32x1024xf32, #tpu.memory_space<hbm>>
    %dma_start3A_404 = tpu.memref_squeeze %dma_start3A_403 : memref<1x32x1024xf32, #tpu.memory_space<hbm>> -> memref<32x1024xf32, #tpu.memory_space<hbm>>
    %dma_start3A_405 = arith.constant 0 : i32
    %dma_start3A_406 = arith.constant 0 : i32
    %dma_start3A_407 = tpu.memref_slice %arg4[%dma_start3A_393, %dma_start3A_405, %dma_start3A_406] : memref<3x32x1024xf32, #tpu.memory_space<vmem>> -> memref<1x32x1024xf32, #tpu.memory_space<vmem>>
    %dma_start3A_408 = tpu.memref_squeeze %dma_start3A_407 : memref<1x32x1024xf32, #tpu.memory_space<vmem>> -> memref<32x1024xf32, #tpu.memory_space<vmem>>
    tpu.enqueue_dma source(%dma_start3A_408 : memref<32x1024xf32, #tpu.memory_space<vmem>>) target(%dma_start3A_404 : memref<32x1024xf32, #tpu.memory_space<hbm>>) target_semaphore(%arg6 : memref<!tpu.dma_semaphore, #tpu.memory_space<semaphore_mem>>)
    %dma_start3A_409 = arith.constant 2 : i32
    %dma_start3A_410 = arith.constant 0 : i32
    %dma_start3A_411 = arith.constant 0 : i32
    %dma_start3A_412 = arith.constant 0 : i32
    %dma_start3A_413 = tpu.memref_slice %arg4[%dma_start3A_409, %dma_start3A_411, %dma_start3A_412] : memref<3x32x1024xf32, #tpu.memory_space<vmem>> -> memref<1x32x1024xf32, #tpu.memory_space<vmem>>
    %dma_start3A_414 = tpu.memref_squeeze %dma_start3A_413 : memref<1x32x1024xf32, #tpu.memory_space<vmem>> -> memref<32x1024xf32, #tpu.memory_space<vmem>>
    %dma_start3A_415 = arith.constant 0 : i32
    %dma_start3A_416 = tpu.memref_slice %arg3[%dma_start3A_410, %add3A_376, %dma_start3A_415] : memref<4x8192x1024xf32, #tpu.memory_space<hbm>> -> memref<1x32x1024xf32, #tpu.memory_space<hbm>>
    %dma_start3A_417 = tpu.memref_squeeze %dma_start3A_416 : memref<1x32x1024xf32, #tpu.memory_space<hbm>> -> memref<32x1024xf32, #tpu.memory_space<hbm>>
    %dma_start3A_418 = arith.constant 0 : i32
    %dma_start3A_419 = tpu.memref_slice %arg3[%dma_start3A_410, %add3A_376, %dma_start3A_418] : memref<4x8192x1024xf32, #tpu.memory_space<hbm>> -> memref<1x32x1024xf32, #tpu.memory_space<hbm>>
    %dma_start3A_420 = tpu.memref_squeeze %dma_start3A_419 : memref<1x32x1024xf32, #tpu.memory_space<hbm>> -> memref<32x1024xf32, #tpu.memory_space<hbm>>
    %dma_start3A_421 = arith.constant 0 : i32
    %dma_start3A_422 = arith.constant 0 : i32
    %dma_start3A_423 = tpu.memref_slice %arg4[%dma_start3A_409, %dma_start3A_421, %dma_start3A_422] : memref<3x32x1024xf32, #tpu.memory_space<vmem>> -> memref<1x32x1024xf32, #tpu.memory_space<vmem>>
    %dma_start3A_424 = tpu.memref_squeeze %dma_start3A_423 : memref<1x32x1024xf32, #tpu.memory_space<vmem>> -> memref<32x1024xf32, #tpu.memory_space<vmem>>
    tpu.enqueue_dma source(%dma_start3A_424 : memref<32x1024xf32, #tpu.memory_space<vmem>>) target(%dma_start3A_420 : memref<32x1024xf32, #tpu.memory_space<hbm>>) target_semaphore(%arg6 : memref<!tpu.dma_semaphore, #tpu.memory_space<semaphore_mem>>)
    %dma_start3A_425 = arith.constant 2 : i32
    %dma_start3A_426 = arith.constant 1 : i32
    %dma_start3A_427 = arith.constant 0 : i32
    %dma_start3A_428 = arith.constant 0 : i32
    %dma_start3A_429 = tpu.memref_slice %arg4[%dma_start3A_425, %dma_start3A_427, %dma_start3A_428] : memref<3x32x1024xf32, #tpu.memory_space<vmem>> -> memref<1x32x1024xf32, #tpu.memory_space<vmem>>
    %dma_start3A_430 = tpu.memref_squeeze %dma_start3A_429 : memref<1x32x1024xf32, #tpu.memory_space<vmem>> -> memref<32x1024xf32, #tpu.memory_space<vmem>>
    %dma_start3A_431 = arith.constant 0 : i32
    %dma_start3A_432 = tpu.memref_slice %arg3[%dma_start3A_426, %add3A_376, %dma_start3A_431] : memref<4x8192x1024xf32, #tpu.memory_space<hbm>> -> memref<1x32x1024xf32, #tpu.memory_space<hbm>>
    %dma_start3A_433 = tpu.memref_squeeze %dma_start3A_432 : memref<1x32x1024xf32, #tpu.memory_space<hbm>> -> memref<32x1024xf32, #tpu.memory_space<hbm>>
    %dma_start3A_434 = arith.constant 0 : i32
    %dma_start3A_435 = tpu.memref_slice %arg3[%dma_start3A_426, %add3A_376, %dma_start3A_434] : memref<4x8192x1024xf32, #tpu.memory_space<hbm>> -> memref<1x32x1024xf32, #tpu.memory_space<hbm>>
    %dma_start3A_436 = tpu.memref_squeeze %dma_start3A_435 : memref<1x32x1024xf32, #tpu.memory_space<hbm>> -> memref<32x1024xf32, #tpu.memory_space<hbm>>
    %dma_start3A_437 = arith.constant 0 : i32
    %dma_start3A_438 = arith.constant 0 : i32
    %dma_start3A_439 = tpu.memref_slice %arg4[%dma_start3A_425, %dma_start3A_437, %dma_start3A_438] : memref<3x32x1024xf32, #tpu.memory_space<vmem>> -> memref<1x32x1024xf32, #tpu.memory_space<vmem>>
    %dma_start3A_440 = tpu.memref_squeeze %dma_start3A_439 : memref<1x32x1024xf32, #tpu.memory_space<vmem>> -> memref<32x1024xf32, #tpu.memory_space<vmem>>
    tpu.enqueue_dma source(%dma_start3A_440 : memref<32x1024xf32, #tpu.memory_space<vmem>>) target(%dma_start3A_436 : memref<32x1024xf32, #tpu.memory_space<hbm>>) target_semaphore(%arg6 : memref<!tpu.dma_semaphore, #tpu.memory_space<semaphore_mem>>)
    %dma_wait3A_441 = arith.constant 0 : i32
    %dma_wait3A_442 = arith.constant 0 : i32
    %dma_wait3A_443 = arith.constant 0 : i32
    %dma_wait3A_444 = tpu.memref_slice %arg4[%dma_wait3A_441, %dma_wait3A_442, %dma_wait3A_443] : memref<3x32x1024xf32, #tpu.memory_space<vmem>> -> memref<1x32x1024xf32, #tpu.memory_space<vmem>>
    %dma_wait3A_445 = tpu.memref_squeeze %dma_wait3A_444 : memref<1x32x1024xf32, #tpu.memory_space<vmem>> -> memref<32x1024xf32, #tpu.memory_space<vmem>>
    %dma_wait3A_446 = arith.constant 0 : i32
    %dma_wait3A_447 = tpu.memref_slice %arg2[%add3A_203, %dma_wait3A_446] : memref<8192x1024xf32, #tpu.memory_space<hbm>> -> memref<32x1024xf32, #tpu.memory_space<hbm>>
    %dma_wait3A_448 = arith.constant 0 : i32
    %dma_wait3A_449 = arith.constant 0 : i32
    %dma_wait3A_450 = tpu.memref_slice %arg4[%dma_wait3A_441, %dma_wait3A_448, %dma_wait3A_449] : memref<3x32x1024xf32, #tpu.memory_space<vmem>> -> memref<1x32x1024xf32, #tpu.memory_space<vmem>>
    %dma_wait3A_451 = tpu.memref_squeeze %dma_wait3A_450 : memref<1x32x1024xf32, #tpu.memory_space<vmem>> -> memref<32x1024xf32, #tpu.memory_space<vmem>>
    %dma_wait3A_452 = arith.constant 0 : i32
    %dma_wait3A_453 = tpu.memref_slice %arg2[%add3A_203, %dma_wait3A_452] : memref<8192x1024xf32, #tpu.memory_space<hbm>> -> memref<32x1024xf32, #tpu.memory_space<hbm>>
    tpu.wait_dma2 semaphore(%arg5 : memref<!tpu.dma_semaphore, #tpu.memory_space<semaphore_mem>>) src(%dma_wait3A_453 : memref<32x1024xf32, #tpu.memory_space<hbm>>) dst(%dma_wait3A_451 : memref<32x1024xf32, #tpu.memory_space<vmem>>)
    %dma_wait3A_454 = arith.constant 2 : i32
    %dma_wait3A_455 = arith.constant 2 : i32
    %dma_wait3A_456 = arith.constant 0 : i32
    %dma_wait3A_457 = arith.constant 0 : i32
    %dma_wait3A_458 = tpu.memref_slice %arg4[%dma_wait3A_454, %dma_wait3A_456, %dma_wait3A_457] : memref<3x32x1024xf32, #tpu.memory_space<vmem>> -> memref<1x32x1024xf32, #tpu.memory_space<vmem>>
    %dma_wait3A_459 = tpu.memref_squeeze %dma_wait3A_458 : memref<1x32x1024xf32, #tpu.memory_space<vmem>> -> memref<32x1024xf32, #tpu.memory_space<vmem>>
    %dma_wait3A_460 = arith.constant 0 : i32
    %dma_wait3A_461 = tpu.memref_slice %arg3[%dma_wait3A_455, %add3A_376, %dma_wait3A_460] : memref<4x8192x1024xf32, #tpu.memory_space<hbm>> -> memref<1x32x1024xf32, #tpu.memory_space<hbm>>
    %dma_wait3A_462 = tpu.memref_squeeze %dma_wait3A_461 : memref<1x32x1024xf32, #tpu.memory_space<hbm>> -> memref<32x1024xf32, #tpu.memory_space<hbm>>
    %dma_wait3A_463 = arith.constant 0 : i32
    %dma_wait3A_464 = tpu.memref_slice %arg3[%dma_wait3A_455, %add3A_376, %dma_wait3A_463] : memref<4x8192x1024xf32, #tpu.memory_space<hbm>> -> memref<1x32x1024xf32, #tpu.memory_space<hbm>>
    %dma_wait3A_465 = tpu.memref_squeeze %dma_wait3A_464 : memref<1x32x1024xf32, #tpu.memory_space<hbm>> -> memref<32x1024xf32, #tpu.memory_space<hbm>>
    %dma_wait3A_466 = arith.constant 0 : i32
    %dma_wait3A_467 = arith.constant 0 : i32
    %dma_wait3A_468 = tpu.memref_slice %arg4[%dma_wait3A_454, %dma_wait3A_466, %dma_wait3A_467] : memref<3x32x1024xf32, #tpu.memory_space<vmem>> -> memref<1x32x1024xf32, #tpu.memory_space<vmem>>
    %dma_wait3A_469 = tpu.memref_squeeze %dma_wait3A_468 : memref<1x32x1024xf32, #tpu.memory_space<vmem>> -> memref<32x1024xf32, #tpu.memory_space<vmem>>
    tpu.wait_dma2 semaphore(%arg6 : memref<!tpu.dma_semaphore, #tpu.memory_space<semaphore_mem>>) src(%dma_wait3A_469 : memref<32x1024xf32, #tpu.memory_space<vmem>>) dst(%dma_wait3A_465 : memref<32x1024xf32, #tpu.memory_space<hbm>>)
    %dma_wait3A_470 = arith.constant 2 : i32
    %dma_wait3A_471 = arith.constant 3 : i32
    %dma_wait3A_472 = arith.constant 0 : i32
    %dma_wait3A_473 = arith.constant 0 : i32
    %dma_wait3A_474 = tpu.memref_slice %arg4[%dma_wait3A_470, %dma_wait3A_472, %dma_wait3A_473] : memref<3x32x1024xf32, #tpu.memory_space<vmem>> -> memref<1x32x1024xf32, #tpu.memory_space<vmem>>
    %dma_wait3A_475 = tpu.memref_squeeze %dma_wait3A_474 : memref<1x32x1024xf32, #tpu.memory_space<vmem>> -> memref<32x1024xf32, #tpu.memory_space<vmem>>
    %dma_wait3A_476 = arith.constant 0 : i32
    %dma_wait3A_477 = tpu.memref_slice %arg3[%dma_wait3A_471, %add3A_376, %dma_wait3A_476] : memref<4x8192x1024xf32, #tpu.memory_space<hbm>> -> memref<1x32x1024xf32, #tpu.memory_space<hbm>>
    %dma_wait3A_478 = tpu.memref_squeeze %dma_wait3A_477 : memref<1x32x1024xf32, #tpu.memory_space<hbm>> -> memref<32x1024xf32, #tpu.memory_space<hbm>>
    %dma_wait3A_479 = arith.constant 0 : i32
    %dma_wait3A_480 = tpu.memref_slice %arg3[%dma_wait3A_471, %add3A_376, %dma_wait3A_479] : memref<4x8192x1024xf32, #tpu.memory_space<hbm>> -> memref<1x32x1024xf32, #tpu.memory_space<hbm>>
    %dma_wait3A_481 = tpu.memref_squeeze %dma_wait3A_480 : memref<1x32x1024xf32, #tpu.memory_space<hbm>> -> memref<32x1024xf32, #tpu.memory_space<hbm>>
    %dma_wait3A_482 = arith.constant 0 : i32
    %dma_wait3A_483 = arith.constant 0 : i32
    %dma_wait3A_484 = tpu.memref_slice %arg4[%dma_wait3A_470, %dma_wait3A_482, %dma_wait3A_483] : memref<3x32x1024xf32, #tpu.memory_space<vmem>> -> memref<1x32x1024xf32, #tpu.memory_space<vmem>>
    %dma_wait3A_485 = tpu.memref_squeeze %dma_wait3A_484 : memref<1x32x1024xf32, #tpu.memory_space<vmem>> -> memref<32x1024xf32, #tpu.memory_space<vmem>>
    tpu.wait_dma2 semaphore(%arg6 : memref<!tpu.dma_semaphore, #tpu.memory_space<semaphore_mem>>) src(%dma_wait3A_485 : memref<32x1024xf32, #tpu.memory_space<vmem>>) dst(%dma_wait3A_481 : memref<32x1024xf32, #tpu.memory_space<hbm>>)
    %dma_wait3A_486 = arith.constant 2 : i32
    %dma_wait3A_487 = arith.constant 0 : i32
    %dma_wait3A_488 = arith.constant 0 : i32
    %dma_wait3A_489 = arith.constant 0 : i32
    %dma_wait3A_490 = tpu.memref_slice %arg4[%dma_wait3A_486, %dma_wait3A_488, %dma_wait3A_489] : memref<3x32x1024xf32, #tpu.memory_space<vmem>> -> memref<1x32x1024xf32, #tpu.memory_space<vmem>>
    %dma_wait3A_491 = tpu.memref_squeeze %dma_wait3A_490 : memref<1x32x1024xf32, #tpu.memory_space<vmem>> -> memref<32x1024xf32, #tpu.memory_space<vmem>>
    %dma_wait3A_492 = arith.constant 0 : i32
    %dma_wait3A_493 = tpu.memref_slice %arg3[%dma_wait3A_487, %add3A_376, %dma_wait3A_492] : memref<4x8192x1024xf32, #tpu.memory_space<hbm>> -> memref<1x32x1024xf32, #tpu.memory_space<hbm>>
    %dma_wait3A_494 = tpu.memref_squeeze %dma_wait3A_493 : memref<1x32x1024xf32, #tpu.memory_space<hbm>> -> memref<32x1024xf32, #tpu.memory_space<hbm>>
    %dma_wait3A_495 = arith.constant 0 : i32
    %dma_wait3A_496 = tpu.memref_slice %arg3[%dma_wait3A_487, %add3A_376, %dma_wait3A_495] : memref<4x8192x1024xf32, #tpu.memory_space<hbm>> -> memref<1x32x1024xf32, #tpu.memory_space<hbm>>
    %dma_wait3A_497 = tpu.memref_squeeze %dma_wait3A_496 : memref<1x32x1024xf32, #tpu.memory_space<hbm>> -> memref<32x1024xf32, #tpu.memory_space<hbm>>
    %dma_wait3A_498 = arith.constant 0 : i32
    %dma_wait3A_499 = arith.constant 0 : i32
    %dma_wait3A_500 = tpu.memref_slice %arg4[%dma_wait3A_486, %dma_wait3A_498, %dma_wait3A_499] : memref<3x32x1024xf32, #tpu.memory_space<vmem>> -> memref<1x32x1024xf32, #tpu.memory_space<vmem>>
    %dma_wait3A_501 = tpu.memref_squeeze %dma_wait3A_500 : memref<1x32x1024xf32, #tpu.memory_space<vmem>> -> memref<32x1024xf32, #tpu.memory_space<vmem>>
    tpu.wait_dma2 semaphore(%arg6 : memref<!tpu.dma_semaphore, #tpu.memory_space<semaphore_mem>>) src(%dma_wait3A_501 : memref<32x1024xf32, #tpu.memory_space<vmem>>) dst(%dma_wait3A_497 : memref<32x1024xf32, #tpu.memory_space<hbm>>)
    %dma_wait3A_502 = arith.constant 2 : i32
    %dma_wait3A_503 = arith.constant 1 : i32
    %dma_wait3A_504 = arith.constant 0 : i32
    %dma_wait3A_505 = arith.constant 0 : i32
    %dma_wait3A_506 = tpu.memref_slice %arg4[%dma_wait3A_502, %dma_wait3A_504, %dma_wait3A_505] : memref<3x32x1024xf32, #tpu.memory_space<vmem>> -> memref<1x32x1024xf32, #tpu.memory_space<vmem>>
    %dma_wait3A_507 = tpu.memref_squeeze %dma_wait3A_506 : memref<1x32x1024xf32, #tpu.memory_space<vmem>> -> memref<32x1024xf32, #tpu.memory_space<vmem>>
    %dma_wait3A_508 = arith.constant 0 : i32
    %dma_wait3A_509 = tpu.memref_slice %arg3[%dma_wait3A_503, %add3A_376, %dma_wait3A_508] : memref<4x8192x1024xf32, #tpu.memory_space<hbm>> -> memref<1x32x1024xf32, #tpu.memory_space<hbm>>
    %dma_wait3A_510 = tpu.memref_squeeze %dma_wait3A_509 : memref<1x32x1024xf32, #tpu.memory_space<hbm>> -> memref<32x1024xf32, #tpu.memory_space<hbm>>
    %dma_wait3A_511 = arith.constant 0 : i32
    %dma_wait3A_512 = tpu.memref_slice %arg3[%dma_wait3A_503, %add3A_376, %dma_wait3A_511] : memref<4x8192x1024xf32, #tpu.memory_space<hbm>> -> memref<1x32x1024xf32, #tpu.memory_space<hbm>>
    %dma_wait3A_513 = tpu.memref_squeeze %dma_wait3A_512 : memref<1x32x1024xf32, #tpu.memory_space<hbm>> -> memref<32x1024xf32, #tpu.memory_space<hbm>>
    %dma_wait3A_514 = arith.constant 0 : i32
    %dma_wait3A_515 = arith.constant 0 : i32
    %dma_wait3A_516 = tpu.memref_slice %arg4[%dma_wait3A_502, %dma_wait3A_514, %dma_wait3A_515] : memref<3x32x1024xf32, #tpu.memory_space<vmem>> -> memref<1x32x1024xf32, #tpu.memory_space<vmem>>
    %dma_wait3A_517 = tpu.memref_squeeze %dma_wait3A_516 : memref<1x32x1024xf32, #tpu.memory_space<vmem>> -> memref<32x1024xf32, #tpu.memory_space<vmem>>
    tpu.wait_dma2 semaphore(%arg6 : memref<!tpu.dma_semaphore, #tpu.memory_space<semaphore_mem>>) src(%dma_wait3A_517 : memref<32x1024xf32, #tpu.memory_space<vmem>>) dst(%dma_wait3A_513 : memref<32x1024xf32, #tpu.memory_space<hbm>>)
    %add3A_518 = arith.constant 160 : i32
    %add3A_519 = arith.addi %mul3A_2, %add3A_518 : i32
    %dma_start3A_520 = arith.constant 2 : i32
    %dma_start3A_521 = arith.constant 0 : i32
    %dma_start3A_522 = arith.constant 0 : i32
    %dma_start3A_523 = tpu.memref_slice %arg4[%dma_start3A_520, %dma_start3A_521, %dma_start3A_522] : memref<3x32x1024xf32, #tpu.memory_space<vmem>> -> memref<1x32x1024xf32, #tpu.memory_space<vmem>>
    %dma_start3A_524 = tpu.memref_squeeze %dma_start3A_523 : memref<1x32x1024xf32, #tpu.memory_space<vmem>> -> memref<32x1024xf32, #tpu.memory_space<vmem>>
    %dma_start3A_525 = arith.constant 0 : i32
    %dma_start3A_526 = tpu.memref_slice %arg2[%add3A_519, %dma_start3A_525] : memref<8192x1024xf32, #tpu.memory_space<hbm>> -> memref<32x1024xf32, #tpu.memory_space<hbm>>
    %dma_start3A_527 = arith.constant 0 : i32
    %dma_start3A_528 = arith.constant 0 : i32
    %dma_start3A_529 = tpu.memref_slice %arg4[%dma_start3A_520, %dma_start3A_527, %dma_start3A_528] : memref<3x32x1024xf32, #tpu.memory_space<vmem>> -> memref<1x32x1024xf32, #tpu.memory_space<vmem>>
    %dma_start3A_530 = tpu.memref_squeeze %dma_start3A_529 : memref<1x32x1024xf32, #tpu.memory_space<vmem>> -> memref<32x1024xf32, #tpu.memory_space<vmem>>
    %dma_start3A_531 = arith.constant 0 : i32
    %dma_start3A_532 = tpu.memref_slice %arg2[%add3A_519, %dma_start3A_531] : memref<8192x1024xf32, #tpu.memory_space<hbm>> -> memref<32x1024xf32, #tpu.memory_space<hbm>>
    tpu.enqueue_dma source(%dma_start3A_532 : memref<32x1024xf32, #tpu.memory_space<hbm>>) target(%dma_start3A_530 : memref<32x1024xf32, #tpu.memory_space<vmem>>) target_semaphore(%arg5 : memref<!tpu.dma_semaphore, #tpu.memory_space<semaphore_mem>>)
    %add3A_533 = arith.constant 96 : i32
    %add3A_534 = arith.addi %mul3A_2, %add3A_533 : i32
    %dma_start3A_535 = arith.constant 0 : i32
    %dma_start3A_536 = arith.constant 3 : i32
    %dma_start3A_537 = arith.constant 0 : i32
    %dma_start3A_538 = arith.constant 0 : i32
    %dma_start3A_539 = tpu.memref_slice %arg4[%dma_start3A_535, %dma_start3A_537, %dma_start3A_538] : memref<3x32x1024xf32, #tpu.memory_space<vmem>> -> memref<1x32x1024xf32, #tpu.memory_space<vmem>>
    %dma_start3A_540 = tpu.memref_squeeze %dma_start3A_539 : memref<1x32x1024xf32, #tpu.memory_space<vmem>> -> memref<32x1024xf32, #tpu.memory_space<vmem>>
    %dma_start3A_541 = arith.constant 0 : i32
    %dma_start3A_542 = tpu.memref_slice %arg3[%dma_start3A_536, %add3A_534, %dma_start3A_541] : memref<4x8192x1024xf32, #tpu.memory_space<hbm>> -> memref<1x32x1024xf32, #tpu.memory_space<hbm>>
    %dma_start3A_543 = tpu.memref_squeeze %dma_start3A_542 : memref<1x32x1024xf32, #tpu.memory_space<hbm>> -> memref<32x1024xf32, #tpu.memory_space<hbm>>
    %dma_start3A_544 = arith.constant 0 : i32
    %dma_start3A_545 = tpu.memref_slice %arg3[%dma_start3A_536, %add3A_534, %dma_start3A_544] : memref<4x8192x1024xf32, #tpu.memory_space<hbm>> -> memref<1x32x1024xf32, #tpu.memory_space<hbm>>
    %dma_start3A_546 = tpu.memref_squeeze %dma_start3A_545 : memref<1x32x1024xf32, #tpu.memory_space<hbm>> -> memref<32x1024xf32, #tpu.memory_space<hbm>>
    %dma_start3A_547 = arith.constant 0 : i32
    %dma_start3A_548 = arith.constant 0 : i32
    %dma_start3A_549 = tpu.memref_slice %arg4[%dma_start3A_535, %dma_start3A_547, %dma_start3A_548] : memref<3x32x1024xf32, #tpu.memory_space<vmem>> -> memref<1x32x1024xf32, #tpu.memory_space<vmem>>
    %dma_start3A_550 = tpu.memref_squeeze %dma_start3A_549 : memref<1x32x1024xf32, #tpu.memory_space<vmem>> -> memref<32x1024xf32, #tpu.memory_space<vmem>>
    tpu.enqueue_dma source(%dma_start3A_550 : memref<32x1024xf32, #tpu.memory_space<vmem>>) target(%dma_start3A_546 : memref<32x1024xf32, #tpu.memory_space<hbm>>) target_semaphore(%arg6 : memref<!tpu.dma_semaphore, #tpu.memory_space<semaphore_mem>>)
    %dma_start3A_551 = arith.constant 0 : i32
    %dma_start3A_552 = arith.constant 0 : i32
    %dma_start3A_553 = arith.constant 0 : i32
    %dma_start3A_554 = arith.constant 0 : i32
    %dma_start3A_555 = tpu.memref_slice %arg4[%dma_start3A_551, %dma_start3A_553, %dma_start3A_554] : memref<3x32x1024xf32, #tpu.memory_space<vmem>> -> memref<1x32x1024xf32, #tpu.memory_space<vmem>>
    %dma_start3A_556 = tpu.memref_squeeze %dma_start3A_555 : memref<1x32x1024xf32, #tpu.memory_space<vmem>> -> memref<32x1024xf32, #tpu.memory_space<vmem>>
    %dma_start3A_557 = arith.constant 0 : i32
    %dma_start3A_558 = tpu.memref_slice %arg3[%dma_start3A_552, %add3A_534, %dma_start3A_557] : memref<4x8192x1024xf32, #tpu.memory_space<hbm>> -> memref<1x32x1024xf32, #tpu.memory_space<hbm>>
    %dma_start3A_559 = tpu.memref_squeeze %dma_start3A_558 : memref<1x32x1024xf32, #tpu.memory_space<hbm>> -> memref<32x1024xf32, #tpu.memory_space<hbm>>
    %dma_start3A_560 = arith.constant 0 : i32
    %dma_start3A_561 = tpu.memref_slice %arg3[%dma_start3A_552, %add3A_534, %dma_start3A_560] : memref<4x8192x1024xf32, #tpu.memory_space<hbm>> -> memref<1x32x1024xf32, #tpu.memory_space<hbm>>
    %dma_start3A_562 = tpu.memref_squeeze %dma_start3A_561 : memref<1x32x1024xf32, #tpu.memory_space<hbm>> -> memref<32x1024xf32, #tpu.memory_space<hbm>>
    %dma_start3A_563 = arith.constant 0 : i32
    %dma_start3A_564 = arith.constant 0 : i32
    %dma_start3A_565 = tpu.memref_slice %arg4[%dma_start3A_551, %dma_start3A_563, %dma_start3A_564] : memref<3x32x1024xf32, #tpu.memory_space<vmem>> -> memref<1x32x1024xf32, #tpu.memory_space<vmem>>
    %dma_start3A_566 = tpu.memref_squeeze %dma_start3A_565 : memref<1x32x1024xf32, #tpu.memory_space<vmem>> -> memref<32x1024xf32, #tpu.memory_space<vmem>>
    tpu.enqueue_dma source(%dma_start3A_566 : memref<32x1024xf32, #tpu.memory_space<vmem>>) target(%dma_start3A_562 : memref<32x1024xf32, #tpu.memory_space<hbm>>) target_semaphore(%arg6 : memref<!tpu.dma_semaphore, #tpu.memory_space<semaphore_mem>>)
    %dma_start3A_567 = arith.constant 0 : i32
    %dma_start3A_568 = arith.constant 1 : i32
    %dma_start3A_569 = arith.constant 0 : i32
    %dma_start3A_570 = arith.constant 0 : i32
    %dma_start3A_571 = tpu.memref_slice %arg4[%dma_start3A_567, %dma_start3A_569, %dma_start3A_570] : memref<3x32x1024xf32, #tpu.memory_space<vmem>> -> memref<1x32x1024xf32, #tpu.memory_space<vmem>>
    %dma_start3A_572 = tpu.memref_squeeze %dma_start3A_571 : memref<1x32x1024xf32, #tpu.memory_space<vmem>> -> memref<32x1024xf32, #tpu.memory_space<vmem>>
    %dma_start3A_573 = arith.constant 0 : i32
    %dma_start3A_574 = tpu.memref_slice %arg3[%dma_start3A_568, %add3A_534, %dma_start3A_573] : memref<4x8192x1024xf32, #tpu.memory_space<hbm>> -> memref<1x32x1024xf32, #tpu.memory_space<hbm>>
    %dma_start3A_575 = tpu.memref_squeeze %dma_start3A_574 : memref<1x32x1024xf32, #tpu.memory_space<hbm>> -> memref<32x1024xf32, #tpu.memory_space<hbm>>
    %dma_start3A_576 = arith.constant 0 : i32
    %dma_start3A_577 = tpu.memref_slice %arg3[%dma_start3A_568, %add3A_534, %dma_start3A_576] : memref<4x8192x1024xf32, #tpu.memory_space<hbm>> -> memref<1x32x1024xf32, #tpu.memory_space<hbm>>
    %dma_start3A_578 = tpu.memref_squeeze %dma_start3A_577 : memref<1x32x1024xf32, #tpu.memory_space<hbm>> -> memref<32x1024xf32, #tpu.memory_space<hbm>>
    %dma_start3A_579 = arith.constant 0 : i32
    %dma_start3A_580 = arith.constant 0 : i32
    %dma_start3A_581 = tpu.memref_slice %arg4[%dma_start3A_567, %dma_start3A_579, %dma_start3A_580] : memref<3x32x1024xf32, #tpu.memory_space<vmem>> -> memref<1x32x1024xf32, #tpu.memory_space<vmem>>
    %dma_start3A_582 = tpu.memref_squeeze %dma_start3A_581 : memref<1x32x1024xf32, #tpu.memory_space<vmem>> -> memref<32x1024xf32, #tpu.memory_space<vmem>>
    tpu.enqueue_dma source(%dma_start3A_582 : memref<32x1024xf32, #tpu.memory_space<vmem>>) target(%dma_start3A_578 : memref<32x1024xf32, #tpu.memory_space<hbm>>) target_semaphore(%arg6 : memref<!tpu.dma_semaphore, #tpu.memory_space<semaphore_mem>>)
    %dma_start3A_583 = arith.constant 0 : i32
    %dma_start3A_584 = arith.constant 2 : i32
    %dma_start3A_585 = arith.constant 0 : i32
    %dma_start3A_586 = arith.constant 0 : i32
    %dma_start3A_587 = tpu.memref_slice %arg4[%dma_start3A_583, %dma_start3A_585, %dma_start3A_586] : memref<3x32x1024xf32, #tpu.memory_space<vmem>> -> memref<1x32x1024xf32, #tpu.memory_space<vmem>>
    %dma_start3A_588 = tpu.memref_squeeze %dma_start3A_587 : memref<1x32x1024xf32, #tpu.memory_space<vmem>> -> memref<32x1024xf32, #tpu.memory_space<vmem>>
    %dma_start3A_589 = arith.constant 0 : i32
    %dma_start3A_590 = tpu.memref_slice %arg3[%dma_start3A_584, %add3A_534, %dma_start3A_589] : memref<4x8192x1024xf32, #tpu.memory_space<hbm>> -> memref<1x32x1024xf32, #tpu.memory_space<hbm>>
    %dma_start3A_591 = tpu.memref_squeeze %dma_start3A_590 : memref<1x32x1024xf32, #tpu.memory_space<hbm>> -> memref<32x1024xf32, #tpu.memory_space<hbm>>
    %dma_start3A_592 = arith.constant 0 : i32
    %dma_start3A_593 = tpu.memref_slice %arg3[%dma_start3A_584, %add3A_534, %dma_start3A_592] : memref<4x8192x1024xf32, #tpu.memory_space<hbm>> -> memref<1x32x1024xf32, #tpu.memory_space<hbm>>
    %dma_start3A_594 = tpu.memref_squeeze %dma_start3A_593 : memref<1x32x1024xf32, #tpu.memory_space<hbm>> -> memref<32x1024xf32, #tpu.memory_space<hbm>>
    %dma_start3A_595 = arith.constant 0 : i32
    %dma_start3A_596 = arith.constant 0 : i32
    %dma_start3A_597 = tpu.memref_slice %arg4[%dma_start3A_583, %dma_start3A_595, %dma_start3A_596] : memref<3x32x1024xf32, #tpu.memory_space<vmem>> -> memref<1x32x1024xf32, #tpu.memory_space<vmem>>
    %dma_start3A_598 = tpu.memref_squeeze %dma_start3A_597 : memref<1x32x1024xf32, #tpu.memory_space<vmem>> -> memref<32x1024xf32, #tpu.memory_space<vmem>>
    tpu.enqueue_dma source(%dma_start3A_598 : memref<32x1024xf32, #tpu.memory_space<vmem>>) target(%dma_start3A_594 : memref<32x1024xf32, #tpu.memory_space<hbm>>) target_semaphore(%arg6 : memref<!tpu.dma_semaphore, #tpu.memory_space<semaphore_mem>>)
    %dma_wait3A_599 = arith.constant 1 : i32
    %dma_wait3A_600 = arith.constant 0 : i32
    %dma_wait3A_601 = arith.constant 0 : i32
    %dma_wait3A_602 = tpu.memref_slice %arg4[%dma_wait3A_599, %dma_wait3A_600, %dma_wait3A_601] : memref<3x32x1024xf32, #tpu.memory_space<vmem>> -> memref<1x32x1024xf32, #tpu.memory_space<vmem>>
    %dma_wait3A_603 = tpu.memref_squeeze %dma_wait3A_602 : memref<1x32x1024xf32, #tpu.memory_space<vmem>> -> memref<32x1024xf32, #tpu.memory_space<vmem>>
    %dma_wait3A_604 = arith.constant 0 : i32
    %dma_wait3A_605 = tpu.memref_slice %arg2[%add3A_361, %dma_wait3A_604] : memref<8192x1024xf32, #tpu.memory_space<hbm>> -> memref<32x1024xf32, #tpu.memory_space<hbm>>
    %dma_wait3A_606 = arith.constant 0 : i32
    %dma_wait3A_607 = arith.constant 0 : i32
    %dma_wait3A_608 = tpu.memref_slice %arg4[%dma_wait3A_599, %dma_wait3A_606, %dma_wait3A_607] : memref<3x32x1024xf32, #tpu.memory_space<vmem>> -> memref<1x32x1024xf32, #tpu.memory_space<vmem>>
    %dma_wait3A_609 = tpu.memref_squeeze %dma_wait3A_608 : memref<1x32x1024xf32, #tpu.memory_space<vmem>> -> memref<32x1024xf32, #tpu.memory_space<vmem>>
    %dma_wait3A_610 = arith.constant 0 : i32
    %dma_wait3A_611 = tpu.memref_slice %arg2[%add3A_361, %dma_wait3A_610] : memref<8192x1024xf32, #tpu.memory_space<hbm>> -> memref<32x1024xf32, #tpu.memory_space<hbm>>
    tpu.wait_dma2 semaphore(%arg5 : memref<!tpu.dma_semaphore, #tpu.memory_space<semaphore_mem>>) src(%dma_wait3A_611 : memref<32x1024xf32, #tpu.memory_space<hbm>>) dst(%dma_wait3A_609 : memref<32x1024xf32, #tpu.memory_space<vmem>>)
    %dma_wait3A_612 = arith.constant 0 : i32
    %dma_wait3A_613 = arith.constant 3 : i32
    %dma_wait3A_614 = arith.constant 0 : i32
    %dma_wait3A_615 = arith.constant 0 : i32
    %dma_wait3A_616 = tpu.memref_slice %arg4[%dma_wait3A_612, %dma_wait3A_614, %dma_wait3A_615] : memref<3x32x1024xf32, #tpu.memory_space<vmem>> -> memref<1x32x1024xf32, #tpu.memory_space<vmem>>
    %dma_wait3A_617 = tpu.memref_squeeze %dma_wait3A_616 : memref<1x32x1024xf32, #tpu.memory_space<vmem>> -> memref<32x1024xf32, #tpu.memory_space<vmem>>
    %dma_wait3A_618 = arith.constant 0 : i32
    %dma_wait3A_619 = tpu.memref_slice %arg3[%dma_wait3A_613, %add3A_534, %dma_wait3A_618] : memref<4x8192x1024xf32, #tpu.memory_space<hbm>> -> memref<1x32x1024xf32, #tpu.memory_space<hbm>>
    %dma_wait3A_620 = tpu.memref_squeeze %dma_wait3A_619 : memref<1x32x1024xf32, #tpu.memory_space<hbm>> -> memref<32x1024xf32, #tpu.memory_space<hbm>>
    %dma_wait3A_621 = arith.constant 0 : i32
    %dma_wait3A_622 = tpu.memref_slice %arg3[%dma_wait3A_613, %add3A_534, %dma_wait3A_621] : memref<4x8192x1024xf32, #tpu.memory_space<hbm>> -> memref<1x32x1024xf32, #tpu.memory_space<hbm>>
    %dma_wait3A_623 = tpu.memref_squeeze %dma_wait3A_622 : memref<1x32x1024xf32, #tpu.memory_space<hbm>> -> memref<32x1024xf32, #tpu.memory_space<hbm>>
    %dma_wait3A_624 = arith.constant 0 : i32
    %dma_wait3A_625 = arith.constant 0 : i32
    %dma_wait3A_626 = tpu.memref_slice %arg4[%dma_wait3A_612, %dma_wait3A_624, %dma_wait3A_625] : memref<3x32x1024xf32, #tpu.memory_space<vmem>> -> memref<1x32x1024xf32, #tpu.memory_space<vmem>>
    %dma_wait3A_627 = tpu.memref_squeeze %dma_wait3A_626 : memref<1x32x1024xf32, #tpu.memory_space<vmem>> -> memref<32x1024xf32, #tpu.memory_space<vmem>>
    tpu.wait_dma2 semaphore(%arg6 : memref<!tpu.dma_semaphore, #tpu.memory_space<semaphore_mem>>) src(%dma_wait3A_627 : memref<32x1024xf32, #tpu.memory_space<vmem>>) dst(%dma_wait3A_623 : memref<32x1024xf32, #tpu.memory_space<hbm>>)
    %dma_wait3A_628 = arith.constant 0 : i32
    %dma_wait3A_629 = arith.constant 0 : i32
    %dma_wait3A_630 = arith.constant 0 : i32
    %dma_wait3A_631 = arith.constant 0 : i32
    %dma_wait3A_632 = tpu.memref_slice %arg4[%dma_wait3A_628, %dma_wait3A_630, %dma_wait3A_631] : memref<3x32x1024xf32, #tpu.memory_space<vmem>> -> memref<1x32x1024xf32, #tpu.memory_space<vmem>>
    %dma_wait3A_633 = tpu.memref_squeeze %dma_wait3A_632 : memref<1x32x1024xf32, #tpu.memory_space<vmem>> -> memref<32x1024xf32, #tpu.memory_space<vmem>>
    %dma_wait3A_634 = arith.constant 0 : i32
    %dma_wait3A_635 = tpu.memref_slice %arg3[%dma_wait3A_629, %add3A_534, %dma_wait3A_634] : memref<4x8192x1024xf32, #tpu.memory_space<hbm>> -> memref<1x32x1024xf32, #tpu.memory_space<hbm>>
    %dma_wait3A_636 = tpu.memref_squeeze %dma_wait3A_635 : memref<1x32x1024xf32, #tpu.memory_space<hbm>> -> memref<32x1024xf32, #tpu.memory_space<hbm>>
    %dma_wait3A_637 = arith.constant 0 : i32
    %dma_wait3A_638 = tpu.memref_slice %arg3[%dma_wait3A_629, %add3A_534, %dma_wait3A_637] : memref<4x8192x1024xf32, #tpu.memory_space<hbm>> -> memref<1x32x1024xf32, #tpu.memory_space<hbm>>
    %dma_wait3A_639 = tpu.memref_squeeze %dma_wait3A_638 : memref<1x32x1024xf32, #tpu.memory_space<hbm>> -> memref<32x1024xf32, #tpu.memory_space<hbm>>
    %dma_wait3A_640 = arith.constant 0 : i32
    %dma_wait3A_641 = arith.constant 0 : i32
    %dma_wait3A_642 = tpu.memref_slice %arg4[%dma_wait3A_628, %dma_wait3A_640, %dma_wait3A_641] : memref<3x32x1024xf32, #tpu.memory_space<vmem>> -> memref<1x32x1024xf32, #tpu.memory_space<vmem>>
    %dma_wait3A_643 = tpu.memref_squeeze %dma_wait3A_642 : memref<1x32x1024xf32, #tpu.memory_space<vmem>> -> memref<32x1024xf32, #tpu.memory_space<vmem>>
    tpu.wait_dma2 semaphore(%arg6 : memref<!tpu.dma_semaphore, #tpu.memory_space<semaphore_mem>>) src(%dma_wait3A_643 : memref<32x1024xf32, #tpu.memory_space<vmem>>) dst(%dma_wait3A_639 : memref<32x1024xf32, #tpu.memory_space<hbm>>)
    %dma_wait3A_644 = arith.constant 0 : i32
    %dma_wait3A_645 = arith.constant 1 : i32
    %dma_wait3A_646 = arith.constant 0 : i32
    %dma_wait3A_647 = arith.constant 0 : i32
    %dma_wait3A_648 = tpu.memref_slice %arg4[%dma_wait3A_644, %dma_wait3A_646, %dma_wait3A_647] : memref<3x32x1024xf32, #tpu.memory_space<vmem>> -> memref<1x32x1024xf32, #tpu.memory_space<vmem>>
    %dma_wait3A_649 = tpu.memref_squeeze %dma_wait3A_648 : memref<1x32x1024xf32, #tpu.memory_space<vmem>> -> memref<32x1024xf32, #tpu.memory_space<vmem>>
    %dma_wait3A_650 = arith.constant 0 : i32
    %dma_wait3A_651 = tpu.memref_slice %arg3[%dma_wait3A_645, %add3A_534, %dma_wait3A_650] : memref<4x8192x1024xf32, #tpu.memory_space<hbm>> -> memref<1x32x1024xf32, #tpu.memory_space<hbm>>
    %dma_wait3A_652 = tpu.memref_squeeze %dma_wait3A_651 : memref<1x32x1024xf32, #tpu.memory_space<hbm>> -> memref<32x1024xf32, #tpu.memory_space<hbm>>
    %dma_wait3A_653 = arith.constant 0 : i32
    %dma_wait3A_654 = tpu.memref_slice %arg3[%dma_wait3A_645, %add3A_534, %dma_wait3A_653] : memref<4x8192x1024xf32, #tpu.memory_space<hbm>> -> memref<1x32x1024xf32, #tpu.memory_space<hbm>>
    %dma_wait3A_655 = tpu.memref_squeeze %dma_wait3A_654 : memref<1x32x1024xf32, #tpu.memory_space<hbm>> -> memref<32x1024xf32, #tpu.memory_space<hbm>>
    %dma_wait3A_656 = arith.constant 0 : i32
    %dma_wait3A_657 = arith.constant 0 : i32
    %dma_wait3A_658 = tpu.memref_slice %arg4[%dma_wait3A_644, %dma_wait3A_656, %dma_wait3A_657] : memref<3x32x1024xf32, #tpu.memory_space<vmem>> -> memref<1x32x1024xf32, #tpu.memory_space<vmem>>
    %dma_wait3A_659 = tpu.memref_squeeze %dma_wait3A_658 : memref<1x32x1024xf32, #tpu.memory_space<vmem>> -> memref<32x1024xf32, #tpu.memory_space<vmem>>
    tpu.wait_dma2 semaphore(%arg6 : memref<!tpu.dma_semaphore, #tpu.memory_space<semaphore_mem>>) src(%dma_wait3A_659 : memref<32x1024xf32, #tpu.memory_space<vmem>>) dst(%dma_wait3A_655 : memref<32x1024xf32, #tpu.memory_space<hbm>>)
    %dma_wait3A_660 = arith.constant 0 : i32
    %dma_wait3A_661 = arith.constant 2 : i32
    %dma_wait3A_662 = arith.constant 0 : i32
    %dma_wait3A_663 = arith.constant 0 : i32
    %dma_wait3A_664 = tpu.memref_slice %arg4[%dma_wait3A_660, %dma_wait3A_662, %dma_wait3A_663] : memref<3x32x1024xf32, #tpu.memory_space<vmem>> -> memref<1x32x1024xf32, #tpu.memory_space<vmem>>
    %dma_wait3A_665 = tpu.memref_squeeze %dma_wait3A_664 : memref<1x32x1024xf32, #tpu.memory_space<vmem>> -> memref<32x1024xf32, #tpu.memory_space<vmem>>
    %dma_wait3A_666 = arith.constant 0 : i32
    %dma_wait3A_667 = tpu.memref_slice %arg3[%dma_wait3A_661, %add3A_534, %dma_wait3A_666] : memref<4x8192x1024xf32, #tpu.memory_space<hbm>> -> memref<1x32x1024xf32, #tpu.memory_space<hbm>>
    %dma_wait3A_668 = tpu.memref_squeeze %dma_wait3A_667 : memref<1x32x1024xf32, #tpu.memory_space<hbm>> -> memref<32x1024xf32, #tpu.memory_space<hbm>>
    %dma_wait3A_669 = arith.constant 0 : i32
    %dma_wait3A_670 = tpu.memref_slice %arg3[%dma_wait3A_661, %add3A_534, %dma_wait3A_669] : memref<4x8192x1024xf32, #tpu.memory_space<hbm>> -> memref<1x32x1024xf32, #tpu.memory_space<hbm>>
    %dma_wait3A_671 = tpu.memref_squeeze %dma_wait3A_670 : memref<1x32x1024xf32, #tpu.memory_space<hbm>> -> memref<32x1024xf32, #tpu.memory_space<hbm>>
    %dma_wait3A_672 = arith.constant 0 : i32
    %dma_wait3A_673 = arith.constant 0 : i32
    %dma_wait3A_674 = tpu.memref_slice %arg4[%dma_wait3A_660, %dma_wait3A_672, %dma_wait3A_673] : memref<3x32x1024xf32, #tpu.memory_space<vmem>> -> memref<1x32x1024xf32, #tpu.memory_space<vmem>>
    %dma_wait3A_675 = tpu.memref_squeeze %dma_wait3A_674 : memref<1x32x1024xf32, #tpu.memory_space<vmem>> -> memref<32x1024xf32, #tpu.memory_space<vmem>>
    tpu.wait_dma2 semaphore(%arg6 : memref<!tpu.dma_semaphore, #tpu.memory_space<semaphore_mem>>) src(%dma_wait3A_675 : memref<32x1024xf32, #tpu.memory_space<vmem>>) dst(%dma_wait3A_671 : memref<32x1024xf32, #tpu.memory_space<hbm>>)
    %add3A_676 = arith.constant 192 : i32
    %add3A_677 = arith.addi %mul3A_2, %add3A_676 : i32
    %dma_start3A_678 = arith.constant 0 : i32
    %dma_start3A_679 = arith.constant 0 : i32
    %dma_start3A_680 = arith.constant 0 : i32
    %dma_start3A_681 = tpu.memref_slice %arg4[%dma_start3A_678, %dma_start3A_679, %dma_start3A_680] : memref<3x32x1024xf32, #tpu.memory_space<vmem>> -> memref<1x32x1024xf32, #tpu.memory_space<vmem>>
    %dma_start3A_682 = tpu.memref_squeeze %dma_start3A_681 : memref<1x32x1024xf32, #tpu.memory_space<vmem>> -> memref<32x1024xf32, #tpu.memory_space<vmem>>
    %dma_start3A_683 = arith.constant 0 : i32
    %dma_start3A_684 = tpu.memref_slice %arg2[%add3A_677, %dma_start3A_683] : memref<8192x1024xf32, #tpu.memory_space<hbm>> -> memref<32x1024xf32, #tpu.memory_space<hbm>>
    %dma_start3A_685 = arith.constant 0 : i32
    %dma_start3A_686 = arith.constant 0 : i32
    %dma_start3A_687 = tpu.memref_slice %arg4[%dma_start3A_678, %dma_start3A_685, %dma_start3A_686] : memref<3x32x1024xf32, #tpu.memory_space<vmem>> -> memref<1x32x1024xf32, #tpu.memory_space<vmem>>
    %dma_start3A_688 = tpu.memref_squeeze %dma_start3A_687 : memref<1x32x1024xf32, #tpu.memory_space<vmem>> -> memref<32x1024xf32, #tpu.memory_space<vmem>>
    %dma_start3A_689 = arith.constant 0 : i32
    %dma_start3A_690 = tpu.memref_slice %arg2[%add3A_677, %dma_start3A_689] : memref<8192x1024xf32, #tpu.memory_space<hbm>> -> memref<32x1024xf32, #tpu.memory_space<hbm>>
    tpu.enqueue_dma source(%dma_start3A_690 : memref<32x1024xf32, #tpu.memory_space<hbm>>) target(%dma_start3A_688 : memref<32x1024xf32, #tpu.memory_space<vmem>>) target_semaphore(%arg5 : memref<!tpu.dma_semaphore, #tpu.memory_space<semaphore_mem>>)
    %add3A_691 = arith.constant 128 : i32
    %add3A_692 = arith.addi %mul3A_2, %add3A_691 : i32
    %dma_start3A_693 = arith.constant 1 : i32
    %dma_start3A_694 = arith.constant 0 : i32
    %dma_start3A_695 = arith.constant 0 : i32
    %dma_start3A_696 = arith.constant 0 : i32
    %dma_start3A_697 = tpu.memref_slice %arg4[%dma_start3A_693, %dma_start3A_695, %dma_start3A_696] : memref<3x32x1024xf32, #tpu.memory_space<vmem>> -> memref<1x32x1024xf32, #tpu.memory_space<vmem>>
    %dma_start3A_698 = tpu.memref_squeeze %dma_start3A_697 : memref<1x32x1024xf32, #tpu.memory_space<vmem>> -> memref<32x1024xf32, #tpu.memory_space<vmem>>
    %dma_start3A_699 = arith.constant 0 : i32
    %dma_start3A_700 = tpu.memref_slice %arg3[%dma_start3A_694, %add3A_692, %dma_start3A_699] : memref<4x8192x1024xf32, #tpu.memory_space<hbm>> -> memref<1x32x1024xf32, #tpu.memory_space<hbm>>
    %dma_start3A_701 = tpu.memref_squeeze %dma_start3A_700 : memref<1x32x1024xf32, #tpu.memory_space<hbm>> -> memref<32x1024xf32, #tpu.memory_space<hbm>>
    %dma_start3A_702 = arith.constant 0 : i32
    %dma_start3A_703 = tpu.memref_slice %arg3[%dma_start3A_694, %add3A_692, %dma_start3A_702] : memref<4x8192x1024xf32, #tpu.memory_space<hbm>> -> memref<1x32x1024xf32, #tpu.memory_space<hbm>>
    %dma_start3A_704 = tpu.memref_squeeze %dma_start3A_703 : memref<1x32x1024xf32, #tpu.memory_space<hbm>> -> memref<32x1024xf32, #tpu.memory_space<hbm>>
    %dma_start3A_705 = arith.constant 0 : i32
    %dma_start3A_706 = arith.constant 0 : i32
    %dma_start3A_707 = tpu.memref_slice %arg4[%dma_start3A_693, %dma_start3A_705, %dma_start3A_706] : memref<3x32x1024xf32, #tpu.memory_space<vmem>> -> memref<1x32x1024xf32, #tpu.memory_space<vmem>>
    %dma_start3A_708 = tpu.memref_squeeze %dma_start3A_707 : memref<1x32x1024xf32, #tpu.memory_space<vmem>> -> memref<32x1024xf32, #tpu.memory_space<vmem>>
    tpu.enqueue_dma source(%dma_start3A_708 : memref<32x1024xf32, #tpu.memory_space<vmem>>) target(%dma_start3A_704 : memref<32x1024xf32, #tpu.memory_space<hbm>>) target_semaphore(%arg6 : memref<!tpu.dma_semaphore, #tpu.memory_space<semaphore_mem>>)
    %dma_start3A_709 = arith.constant 1 : i32
    %dma_start3A_710 = arith.constant 1 : i32
    %dma_start3A_711 = arith.constant 0 : i32
    %dma_start3A_712 = arith.constant 0 : i32
    %dma_start3A_713 = tpu.memref_slice %arg4[%dma_start3A_709, %dma_start3A_711, %dma_start3A_712] : memref<3x32x1024xf32, #tpu.memory_space<vmem>> -> memref<1x32x1024xf32, #tpu.memory_space<vmem>>
    %dma_start3A_714 = tpu.memref_squeeze %dma_start3A_713 : memref<1x32x1024xf32, #tpu.memory_space<vmem>> -> memref<32x1024xf32, #tpu.memory_space<vmem>>
    %dma_start3A_715 = arith.constant 0 : i32
    %dma_start3A_716 = tpu.memref_slice %arg3[%dma_start3A_710, %add3A_692, %dma_start3A_715] : memref<4x8192x1024xf32, #tpu.memory_space<hbm>> -> memref<1x32x1024xf32, #tpu.memory_space<hbm>>
    %dma_start3A_717 = tpu.memref_squeeze %dma_start3A_716 : memref<1x32x1024xf32, #tpu.memory_space<hbm>> -> memref<32x1024xf32, #tpu.memory_space<hbm>>
    %dma_start3A_718 = arith.constant 0 : i32
    %dma_start3A_719 = tpu.memref_slice %arg3[%dma_start3A_710, %add3A_692, %dma_start3A_718] : memref<4x8192x1024xf32, #tpu.memory_space<hbm>> -> memref<1x32x1024xf32, #tpu.memory_space<hbm>>
    %dma_start3A_720 = tpu.memref_squeeze %dma_start3A_719 : memref<1x32x1024xf32, #tpu.memory_space<hbm>> -> memref<32x1024xf32, #tpu.memory_space<hbm>>
    %dma_start3A_721 = arith.constant 0 : i32
    %dma_start3A_722 = arith.constant 0 : i32
    %dma_start3A_723 = tpu.memref_slice %arg4[%dma_start3A_709, %dma_start3A_721, %dma_start3A_722] : memref<3x32x1024xf32, #tpu.memory_space<vmem>> -> memref<1x32x1024xf32, #tpu.memory_space<vmem>>
    %dma_start3A_724 = tpu.memref_squeeze %dma_start3A_723 : memref<1x32x1024xf32, #tpu.memory_space<vmem>> -> memref<32x1024xf32, #tpu.memory_space<vmem>>
    tpu.enqueue_dma source(%dma_start3A_724 : memref<32x1024xf32, #tpu.memory_space<vmem>>) target(%dma_start3A_720 : memref<32x1024xf32, #tpu.memory_space<hbm>>) target_semaphore(%arg6 : memref<!tpu.dma_semaphore, #tpu.memory_space<semaphore_mem>>)
    %dma_start3A_725 = arith.constant 1 : i32
    %dma_start3A_726 = arith.constant 2 : i32
    %dma_start3A_727 = arith.constant 0 : i32
    %dma_start3A_728 = arith.constant 0 : i32
    %dma_start3A_729 = tpu.memref_slice %arg4[%dma_start3A_725, %dma_start3A_727, %dma_start3A_728] : memref<3x32x1024xf32, #tpu.memory_space<vmem>> -> memref<1x32x1024xf32, #tpu.memory_space<vmem>>
    %dma_start3A_730 = tpu.memref_squeeze %dma_start3A_729 : memref<1x32x1024xf32, #tpu.memory_space<vmem>> -> memref<32x1024xf32, #tpu.memory_space<vmem>>
    %dma_start3A_731 = arith.constant 0 : i32
    %dma_start3A_732 = tpu.memref_slice %arg3[%dma_start3A_726, %add3A_692, %dma_start3A_731] : memref<4x8192x1024xf32, #tpu.memory_space<hbm>> -> memref<1x32x1024xf32, #tpu.memory_space<hbm>>
    %dma_start3A_733 = tpu.memref_squeeze %dma_start3A_732 : memref<1x32x1024xf32, #tpu.memory_space<hbm>> -> memref<32x1024xf32, #tpu.memory_space<hbm>>
    %dma_start3A_734 = arith.constant 0 : i32
    %dma_start3A_735 = tpu.memref_slice %arg3[%dma_start3A_726, %add3A_692, %dma_start3A_734] : memref<4x8192x1024xf32, #tpu.memory_space<hbm>> -> memref<1x32x1024xf32, #tpu.memory_space<hbm>>
    %dma_start3A_736 = tpu.memref_squeeze %dma_start3A_735 : memref<1x32x1024xf32, #tpu.memory_space<hbm>> -> memref<32x1024xf32, #tpu.memory_space<hbm>>
    %dma_start3A_737 = arith.constant 0 : i32
    %dma_start3A_738 = arith.constant 0 : i32
    %dma_start3A_739 = tpu.memref_slice %arg4[%dma_start3A_725, %dma_start3A_737, %dma_start3A_738] : memref<3x32x1024xf32, #tpu.memory_space<vmem>> -> memref<1x32x1024xf32, #tpu.memory_space<vmem>>
    %dma_start3A_740 = tpu.memref_squeeze %dma_start3A_739 : memref<1x32x1024xf32, #tpu.memory_space<vmem>> -> memref<32x1024xf32, #tpu.memory_space<vmem>>
    tpu.enqueue_dma source(%dma_start3A_740 : memref<32x1024xf32, #tpu.memory_space<vmem>>) target(%dma_start3A_736 : memref<32x1024xf32, #tpu.memory_space<hbm>>) target_semaphore(%arg6 : memref<!tpu.dma_semaphore, #tpu.memory_space<semaphore_mem>>)
    %dma_start3A_741 = arith.constant 1 : i32
    %dma_start3A_742 = arith.constant 3 : i32
    %dma_start3A_743 = arith.constant 0 : i32
    %dma_start3A_744 = arith.constant 0 : i32
    %dma_start3A_745 = tpu.memref_slice %arg4[%dma_start3A_741, %dma_start3A_743, %dma_start3A_744] : memref<3x32x1024xf32, #tpu.memory_space<vmem>> -> memref<1x32x1024xf32, #tpu.memory_space<vmem>>
    %dma_start3A_746 = tpu.memref_squeeze %dma_start3A_745 : memref<1x32x1024xf32, #tpu.memory_space<vmem>> -> memref<32x1024xf32, #tpu.memory_space<vmem>>
    %dma_start3A_747 = arith.constant 0 : i32
    %dma_start3A_748 = tpu.memref_slice %arg3[%dma_start3A_742, %add3A_692, %dma_start3A_747] : memref<4x8192x1024xf32, #tpu.memory_space<hbm>> -> memref<1x32x1024xf32, #tpu.memory_space<hbm>>
    %dma_start3A_749 = tpu.memref_squeeze %dma_start3A_748 : memref<1x32x1024xf32, #tpu.memory_space<hbm>> -> memref<32x1024xf32, #tpu.memory_space<hbm>>
    %dma_start3A_750 = arith.constant 0 : i32
    %dma_start3A_751 = tpu.memref_slice %arg3[%dma_start3A_742, %add3A_692, %dma_start3A_750] : memref<4x8192x1024xf32, #tpu.memory_space<hbm>> -> memref<1x32x1024xf32, #tpu.memory_space<hbm>>
    %dma_start3A_752 = tpu.memref_squeeze %dma_start3A_751 : memref<1x32x1024xf32, #tpu.memory_space<hbm>> -> memref<32x1024xf32, #tpu.memory_space<hbm>>
    %dma_start3A_753 = arith.constant 0 : i32
    %dma_start3A_754 = arith.constant 0 : i32
    %dma_start3A_755 = tpu.memref_slice %arg4[%dma_start3A_741, %dma_start3A_753, %dma_start3A_754] : memref<3x32x1024xf32, #tpu.memory_space<vmem>> -> memref<1x32x1024xf32, #tpu.memory_space<vmem>>
    %dma_start3A_756 = tpu.memref_squeeze %dma_start3A_755 : memref<1x32x1024xf32, #tpu.memory_space<vmem>> -> memref<32x1024xf32, #tpu.memory_space<vmem>>
    tpu.enqueue_dma source(%dma_start3A_756 : memref<32x1024xf32, #tpu.memory_space<vmem>>) target(%dma_start3A_752 : memref<32x1024xf32, #tpu.memory_space<hbm>>) target_semaphore(%arg6 : memref<!tpu.dma_semaphore, #tpu.memory_space<semaphore_mem>>)
    %dma_wait3A_757 = arith.constant 2 : i32
    %dma_wait3A_758 = arith.constant 0 : i32
    %dma_wait3A_759 = arith.constant 0 : i32
    %dma_wait3A_760 = tpu.memref_slice %arg4[%dma_wait3A_757, %dma_wait3A_758, %dma_wait3A_759] : memref<3x32x1024xf32, #tpu.memory_space<vmem>> -> memref<1x32x1024xf32, #tpu.memory_space<vmem>>
    %dma_wait3A_761 = tpu.memref_squeeze %dma_wait3A_760 : memref<1x32x1024xf32, #tpu.memory_space<vmem>> -> memref<32x1024xf32, #tpu.memory_space<vmem>>
    %dma_wait3A_762 = arith.constant 0 : i32
    %dma_wait3A_763 = tpu.memref_slice %arg2[%add3A_519, %dma_wait3A_762] : memref<8192x1024xf32, #tpu.memory_space<hbm>> -> memref<32x1024xf32, #tpu.memory_space<hbm>>
    %dma_wait3A_764 = arith.constant 0 : i32
    %dma_wait3A_765 = arith.constant 0 : i32
    %dma_wait3A_766 = tpu.memref_slice %arg4[%dma_wait3A_757, %dma_wait3A_764, %dma_wait3A_765] : memref<3x32x1024xf32, #tpu.memory_space<vmem>> -> memref<1x32x1024xf32, #tpu.memory_space<vmem>>
    %dma_wait3A_767 = tpu.memref_squeeze %dma_wait3A_766 : memref<1x32x1024xf32, #tpu.memory_space<vmem>> -> memref<32x1024xf32, #tpu.memory_space<vmem>>
    %dma_wait3A_768 = arith.constant 0 : i32
    %dma_wait3A_769 = tpu.memref_slice %arg2[%add3A_519, %dma_wait3A_768] : memref<8192x1024xf32, #tpu.memory_space<hbm>> -> memref<32x1024xf32, #tpu.memory_space<hbm>>
    tpu.wait_dma2 semaphore(%arg5 : memref<!tpu.dma_semaphore, #tpu.memory_space<semaphore_mem>>) src(%dma_wait3A_769 : memref<32x1024xf32, #tpu.memory_space<hbm>>) dst(%dma_wait3A_767 : memref<32x1024xf32, #tpu.memory_space<vmem>>)
    %dma_wait3A_770 = arith.constant 1 : i32
    %dma_wait3A_771 = arith.constant 0 : i32
    %dma_wait3A_772 = arith.constant 0 : i32
    %dma_wait3A_773 = arith.constant 0 : i32
    %dma_wait3A_774 = tpu.memref_slice %arg4[%dma_wait3A_770, %dma_wait3A_772, %dma_wait3A_773] : memref<3x32x1024xf32, #tpu.memory_space<vmem>> -> memref<1x32x1024xf32, #tpu.memory_space<vmem>>
    %dma_wait3A_775 = tpu.memref_squeeze %dma_wait3A_774 : memref<1x32x1024xf32, #tpu.memory_space<vmem>> -> memref<32x1024xf32, #tpu.memory_space<vmem>>
    %dma_wait3A_776 = arith.constant 0 : i32
    %dma_wait3A_777 = tpu.memref_slice %arg3[%dma_wait3A_771, %add3A_692, %dma_wait3A_776] : memref<4x8192x1024xf32, #tpu.memory_space<hbm>> -> memref<1x32x1024xf32, #tpu.memory_space<hbm>>
    %dma_wait3A_778 = tpu.memref_squeeze %dma_wait3A_777 : memref<1x32x1024xf32, #tpu.memory_space<hbm>> -> memref<32x1024xf32, #tpu.memory_space<hbm>>
    %dma_wait3A_779 = arith.constant 0 : i32
    %dma_wait3A_780 = tpu.memref_slice %arg3[%dma_wait3A_771, %add3A_692, %dma_wait3A_779] : memref<4x8192x1024xf32, #tpu.memory_space<hbm>> -> memref<1x32x1024xf32, #tpu.memory_space<hbm>>
    %dma_wait3A_781 = tpu.memref_squeeze %dma_wait3A_780 : memref<1x32x1024xf32, #tpu.memory_space<hbm>> -> memref<32x1024xf32, #tpu.memory_space<hbm>>
    %dma_wait3A_782 = arith.constant 0 : i32
    %dma_wait3A_783 = arith.constant 0 : i32
    %dma_wait3A_784 = tpu.memref_slice %arg4[%dma_wait3A_770, %dma_wait3A_782, %dma_wait3A_783] : memref<3x32x1024xf32, #tpu.memory_space<vmem>> -> memref<1x32x1024xf32, #tpu.memory_space<vmem>>
    %dma_wait3A_785 = tpu.memref_squeeze %dma_wait3A_784 : memref<1x32x1024xf32, #tpu.memory_space<vmem>> -> memref<32x1024xf32, #tpu.memory_space<vmem>>
    tpu.wait_dma2 semaphore(%arg6 : memref<!tpu.dma_semaphore, #tpu.memory_space<semaphore_mem>>) src(%dma_wait3A_785 : memref<32x1024xf32, #tpu.memory_space<vmem>>) dst(%dma_wait3A_781 : memref<32x1024xf32, #tpu.memory_space<hbm>>)
    %dma_wait3A_786 = arith.constant 1 : i32
    %dma_wait3A_787 = arith.constant 1 : i32
    %dma_wait3A_788 = arith.constant 0 : i32
    %dma_wait3A_789 = arith.constant 0 : i32
    %dma_wait3A_790 = tpu.memref_slice %arg4[%dma_wait3A_786, %dma_wait3A_788, %dma_wait3A_789] : memref<3x32x1024xf32, #tpu.memory_space<vmem>> -> memref<1x32x1024xf32, #tpu.memory_space<vmem>>
    %dma_wait3A_791 = tpu.memref_squeeze %dma_wait3A_790 : memref<1x32x1024xf32, #tpu.memory_space<vmem>> -> memref<32x1024xf32, #tpu.memory_space<vmem>>
    %dma_wait3A_792 = arith.constant 0 : i32
    %dma_wait3A_793 = tpu.memref_slice %arg3[%dma_wait3A_787, %add3A_692, %dma_wait3A_792] : memref<4x8192x1024xf32, #tpu.memory_space<hbm>> -> memref<1x32x1024xf32, #tpu.memory_space<hbm>>
    %dma_wait3A_794 = tpu.memref_squeeze %dma_wait3A_793 : memref<1x32x1024xf32, #tpu.memory_space<hbm>> -> memref<32x1024xf32, #tpu.memory_space<hbm>>
    %dma_wait3A_795 = arith.constant 0 : i32
    %dma_wait3A_796 = tpu.memref_slice %arg3[%dma_wait3A_787, %add3A_692, %dma_wait3A_795] : memref<4x8192x1024xf32, #tpu.memory_space<hbm>> -> memref<1x32x1024xf32, #tpu.memory_space<hbm>>
    %dma_wait3A_797 = tpu.memref_squeeze %dma_wait3A_796 : memref<1x32x1024xf32, #tpu.memory_space<hbm>> -> memref<32x1024xf32, #tpu.memory_space<hbm>>
    %dma_wait3A_798 = arith.constant 0 : i32
    %dma_wait3A_799 = arith.constant 0 : i32
    %dma_wait3A_800 = tpu.memref_slice %arg4[%dma_wait3A_786, %dma_wait3A_798, %dma_wait3A_799] : memref<3x32x1024xf32, #tpu.memory_space<vmem>> -> memref<1x32x1024xf32, #tpu.memory_space<vmem>>
    %dma_wait3A_801 = tpu.memref_squeeze %dma_wait3A_800 : memref<1x32x1024xf32, #tpu.memory_space<vmem>> -> memref<32x1024xf32, #tpu.memory_space<vmem>>
    tpu.wait_dma2 semaphore(%arg6 : memref<!tpu.dma_semaphore, #tpu.memory_space<semaphore_mem>>) src(%dma_wait3A_801 : memref<32x1024xf32, #tpu.memory_space<vmem>>) dst(%dma_wait3A_797 : memref<32x1024xf32, #tpu.memory_space<hbm>>)
    %dma_wait3A_802 = arith.constant 1 : i32
    %dma_wait3A_803 = arith.constant 2 : i32
    %dma_wait3A_804 = arith.constant 0 : i32
    %dma_wait3A_805 = arith.constant 0 : i32
    %dma_wait3A_806 = tpu.memref_slice %arg4[%dma_wait3A_802, %dma_wait3A_804, %dma_wait3A_805] : memref<3x32x1024xf32, #tpu.memory_space<vmem>> -> memref<1x32x1024xf32, #tpu.memory_space<vmem>>
    %dma_wait3A_807 = tpu.memref_squeeze %dma_wait3A_806 : memref<1x32x1024xf32, #tpu.memory_space<vmem>> -> memref<32x1024xf32, #tpu.memory_space<vmem>>
    %dma_wait3A_808 = arith.constant 0 : i32
    %dma_wait3A_809 = tpu.memref_slice %arg3[%dma_wait3A_803, %add3A_692, %dma_wait3A_808] : memref<4x8192x1024xf32, #tpu.memory_space<hbm>> -> memref<1x32x1024xf32, #tpu.memory_space<hbm>>
    %dma_wait3A_810 = tpu.memref_squeeze %dma_wait3A_809 : memref<1x32x1024xf32, #tpu.memory_space<hbm>> -> memref<32x1024xf32, #tpu.memory_space<hbm>>
    %dma_wait3A_811 = arith.constant 0 : i32
    %dma_wait3A_812 = tpu.memref_slice %arg3[%dma_wait3A_803, %add3A_692, %dma_wait3A_811] : memref<4x8192x1024xf32, #tpu.memory_space<hbm>> -> memref<1x32x1024xf32, #tpu.memory_space<hbm>>
    %dma_wait3A_813 = tpu.memref_squeeze %dma_wait3A_812 : memref<1x32x1024xf32, #tpu.memory_space<hbm>> -> memref<32x1024xf32, #tpu.memory_space<hbm>>
    %dma_wait3A_814 = arith.constant 0 : i32
    %dma_wait3A_815 = arith.constant 0 : i32
    %dma_wait3A_816 = tpu.memref_slice %arg4[%dma_wait3A_802, %dma_wait3A_814, %dma_wait3A_815] : memref<3x32x1024xf32, #tpu.memory_space<vmem>> -> memref<1x32x1024xf32, #tpu.memory_space<vmem>>
    %dma_wait3A_817 = tpu.memref_squeeze %dma_wait3A_816 : memref<1x32x1024xf32, #tpu.memory_space<vmem>> -> memref<32x1024xf32, #tpu.memory_space<vmem>>
    tpu.wait_dma2 semaphore(%arg6 : memref<!tpu.dma_semaphore, #tpu.memory_space<semaphore_mem>>) src(%dma_wait3A_817 : memref<32x1024xf32, #tpu.memory_space<vmem>>) dst(%dma_wait3A_813 : memref<32x1024xf32, #tpu.memory_space<hbm>>)
    %dma_wait3A_818 = arith.constant 1 : i32
    %dma_wait3A_819 = arith.constant 3 : i32
    %dma_wait3A_820 = arith.constant 0 : i32
    %dma_wait3A_821 = arith.constant 0 : i32
    %dma_wait3A_822 = tpu.memref_slice %arg4[%dma_wait3A_818, %dma_wait3A_820, %dma_wait3A_821] : memref<3x32x1024xf32, #tpu.memory_space<vmem>> -> memref<1x32x1024xf32, #tpu.memory_space<vmem>>
    %dma_wait3A_823 = tpu.memref_squeeze %dma_wait3A_822 : memref<1x32x1024xf32, #tpu.memory_space<vmem>> -> memref<32x1024xf32, #tpu.memory_space<vmem>>
    %dma_wait3A_824 = arith.constant 0 : i32
    %dma_wait3A_825 = tpu.memref_slice %arg3[%dma_wait3A_819, %add3A_692, %dma_wait3A_824] : memref<4x8192x1024xf32, #tpu.memory_space<hbm>> -> memref<1x32x1024xf32, #tpu.memory_space<hbm>>
    %dma_wait3A_826 = tpu.memref_squeeze %dma_wait3A_825 : memref<1x32x1024xf32, #tpu.memory_space<hbm>> -> memref<32x1024xf32, #tpu.memory_space<hbm>>
    %dma_wait3A_827 = arith.constant 0 : i32
    %dma_wait3A_828 = tpu.memref_slice %arg3[%dma_wait3A_819, %add3A_692, %dma_wait3A_827] : memref<4x8192x1024xf32, #tpu.memory_space<hbm>> -> memref<1x32x1024xf32, #tpu.memory_space<hbm>>
    %dma_wait3A_829 = tpu.memref_squeeze %dma_wait3A_828 : memref<1x32x1024xf32, #tpu.memory_space<hbm>> -> memref<32x1024xf32, #tpu.memory_space<hbm>>
    %dma_wait3A_830 = arith.constant 0 : i32
    %dma_wait3A_831 = arith.constant 0 : i32
    %dma_wait3A_832 = tpu.memref_slice %arg4[%dma_wait3A_818, %dma_wait3A_830, %dma_wait3A_831] : memref<3x32x1024xf32, #tpu.memory_space<vmem>> -> memref<1x32x1024xf32, #tpu.memory_space<vmem>>
    %dma_wait3A_833 = tpu.memref_squeeze %dma_wait3A_832 : memref<1x32x1024xf32, #tpu.memory_space<vmem>> -> memref<32x1024xf32, #tpu.memory_space<vmem>>
    tpu.wait_dma2 semaphore(%arg6 : memref<!tpu.dma_semaphore, #tpu.memory_space<semaphore_mem>>) src(%dma_wait3A_833 : memref<32x1024xf32, #tpu.memory_space<vmem>>) dst(%dma_wait3A_829 : memref<32x1024xf32, #tpu.memory_space<hbm>>)
    %add3A_834 = arith.constant 224 : i32
    %add3A_835 = arith.addi %mul3A_2, %add3A_834 : i32
    %dma_start3A_836 = arith.constant 1 : i32
    %dma_start3A_837 = arith.constant 0 : i32
    %dma_start3A_838 = arith.constant 0 : i32
    %dma_start3A_839 = tpu.memref_slice %arg4[%dma_start3A_836, %dma_start3A_837, %dma_start3A_838] : memref<3x32x1024xf32, #tpu.memory_space<vmem>> -> memref<1x32x1024xf32, #tpu.memory_space<vmem>>
    %dma_start3A_840 = tpu.memref_squeeze %dma_start3A_839 : memref<1x32x1024xf32, #tpu.memory_space<vmem>> -> memref<32x1024xf32, #tpu.memory_space<vmem>>
    %dma_start3A_841 = arith.constant 0 : i32
    %dma_start3A_842 = tpu.memref_slice %arg2[%add3A_835, %dma_start3A_841] : memref<8192x1024xf32, #tpu.memory_space<hbm>> -> memref<32x1024xf32, #tpu.memory_space<hbm>>
    %dma_start3A_843 = arith.constant 0 : i32
    %dma_start3A_844 = arith.constant 0 : i32
    %dma_start3A_845 = tpu.memref_slice %arg4[%dma_start3A_836, %dma_start3A_843, %dma_start3A_844] : memref<3x32x1024xf32, #tpu.memory_space<vmem>> -> memref<1x32x1024xf32, #tpu.memory_space<vmem>>
    %dma_start3A_846 = tpu.memref_squeeze %dma_start3A_845 : memref<1x32x1024xf32, #tpu.memory_space<vmem>> -> memref<32x1024xf32, #tpu.memory_space<vmem>>
    %dma_start3A_847 = arith.constant 0 : i32
    %dma_start3A_848 = tpu.memref_slice %arg2[%add3A_835, %dma_start3A_847] : memref<8192x1024xf32, #tpu.memory_space<hbm>> -> memref<32x1024xf32, #tpu.memory_space<hbm>>
    tpu.enqueue_dma source(%dma_start3A_848 : memref<32x1024xf32, #tpu.memory_space<hbm>>) target(%dma_start3A_846 : memref<32x1024xf32, #tpu.memory_space<vmem>>) target_semaphore(%arg5 : memref<!tpu.dma_semaphore, #tpu.memory_space<semaphore_mem>>)
    %add3A_849 = arith.constant 160 : i32
    %add3A_850 = arith.addi %mul3A_2, %add3A_849 : i32
    %dma_start3A_851 = arith.constant 2 : i32
    %dma_start3A_852 = arith.constant 1 : i32
    %dma_start3A_853 = arith.constant 0 : i32
    %dma_start3A_854 = arith.constant 0 : i32
    %dma_start3A_855 = tpu.memref_slice %arg4[%dma_start3A_851, %dma_start3A_853, %dma_start3A_854] : memref<3x32x1024xf32, #tpu.memory_space<vmem>> -> memref<1x32x1024xf32, #tpu.memory_space<vmem>>
    %dma_start3A_856 = tpu.memref_squeeze %dma_start3A_855 : memref<1x32x1024xf32, #tpu.memory_space<vmem>> -> memref<32x1024xf32, #tpu.memory_space<vmem>>
    %dma_start3A_857 = arith.constant 0 : i32
    %dma_start3A_858 = tpu.memref_slice %arg3[%dma_start3A_852, %add3A_850, %dma_start3A_857] : memref<4x8192x1024xf32, #tpu.memory_space<hbm>> -> memref<1x32x1024xf32, #tpu.memory_space<hbm>>
    %dma_start3A_859 = tpu.memref_squeeze %dma_start3A_858 : memref<1x32x1024xf32, #tpu.memory_space<hbm>> -> memref<32x1024xf32, #tpu.memory_space<hbm>>
    %dma_start3A_860 = arith.constant 0 : i32
    %dma_start3A_861 = tpu.memref_slice %arg3[%dma_start3A_852, %add3A_850, %dma_start3A_860] : memref<4x8192x1024xf32, #tpu.memory_space<hbm>> -> memref<1x32x1024xf32, #tpu.memory_space<hbm>>
    %dma_start3A_862 = tpu.memref_squeeze %dma_start3A_861 : memref<1x32x1024xf32, #tpu.memory_space<hbm>> -> memref<32x1024xf32, #tpu.memory_space<hbm>>
    %dma_start3A_863 = arith.constant 0 : i32
    %dma_start3A_864 = arith.constant 0 : i32
    %dma_start3A_865 = tpu.memref_slice %arg4[%dma_start3A_851, %dma_start3A_863, %dma_start3A_864] : memref<3x32x1024xf32, #tpu.memory_space<vmem>> -> memref<1x32x1024xf32, #tpu.memory_space<vmem>>
    %dma_start3A_866 = tpu.memref_squeeze %dma_start3A_865 : memref<1x32x1024xf32, #tpu.memory_space<vmem>> -> memref<32x1024xf32, #tpu.memory_space<vmem>>
    tpu.enqueue_dma source(%dma_start3A_866 : memref<32x1024xf32, #tpu.memory_space<vmem>>) target(%dma_start3A_862 : memref<32x1024xf32, #tpu.memory_space<hbm>>) target_semaphore(%arg6 : memref<!tpu.dma_semaphore, #tpu.memory_space<semaphore_mem>>)
    %dma_start3A_867 = arith.constant 2 : i32
    %dma_start3A_868 = arith.constant 2 : i32
    %dma_start3A_869 = arith.constant 0 : i32
    %dma_start3A_870 = arith.constant 0 : i32
    %dma_start3A_871 = tpu.memref_slice %arg4[%dma_start3A_867, %dma_start3A_869, %dma_start3A_870] : memref<3x32x1024xf32, #tpu.memory_space<vmem>> -> memref<1x32x1024xf32, #tpu.memory_space<vmem>>
    %dma_start3A_872 = tpu.memref_squeeze %dma_start3A_871 : memref<1x32x1024xf32, #tpu.memory_space<vmem>> -> memref<32x1024xf32, #tpu.memory_space<vmem>>
    %dma_start3A_873 = arith.constant 0 : i32
    %dma_start3A_874 = tpu.memref_slice %arg3[%dma_start3A_868, %add3A_850, %dma_start3A_873] : memref<4x8192x1024xf32, #tpu.memory_space<hbm>> -> memref<1x32x1024xf32, #tpu.memory_space<hbm>>
    %dma_start3A_875 = tpu.memref_squeeze %dma_start3A_874 : memref<1x32x1024xf32, #tpu.memory_space<hbm>> -> memref<32x1024xf32, #tpu.memory_space<hbm>>
    %dma_start3A_876 = arith.constant 0 : i32
    %dma_start3A_877 = tpu.memref_slice %arg3[%dma_start3A_868, %add3A_850, %dma_start3A_876] : memref<4x8192x1024xf32, #tpu.memory_space<hbm>> -> memref<1x32x1024xf32, #tpu.memory_space<hbm>>
    %dma_start3A_878 = tpu.memref_squeeze %dma_start3A_877 : memref<1x32x1024xf32, #tpu.memory_space<hbm>> -> memref<32x1024xf32, #tpu.memory_space<hbm>>
    %dma_start3A_879 = arith.constant 0 : i32
    %dma_start3A_880 = arith.constant 0 : i32
    %dma_start3A_881 = tpu.memref_slice %arg4[%dma_start3A_867, %dma_start3A_879, %dma_start3A_880] : memref<3x32x1024xf32, #tpu.memory_space<vmem>> -> memref<1x32x1024xf32, #tpu.memory_space<vmem>>
    %dma_start3A_882 = tpu.memref_squeeze %dma_start3A_881 : memref<1x32x1024xf32, #tpu.memory_space<vmem>> -> memref<32x1024xf32, #tpu.memory_space<vmem>>
    tpu.enqueue_dma source(%dma_start3A_882 : memref<32x1024xf32, #tpu.memory_space<vmem>>) target(%dma_start3A_878 : memref<32x1024xf32, #tpu.memory_space<hbm>>) target_semaphore(%arg6 : memref<!tpu.dma_semaphore, #tpu.memory_space<semaphore_mem>>)
    %dma_start3A_883 = arith.constant 2 : i32
    %dma_start3A_884 = arith.constant 3 : i32
    %dma_start3A_885 = arith.constant 0 : i32
    %dma_start3A_886 = arith.constant 0 : i32
    %dma_start3A_887 = tpu.memref_slice %arg4[%dma_start3A_883, %dma_start3A_885, %dma_start3A_886] : memref<3x32x1024xf32, #tpu.memory_space<vmem>> -> memref<1x32x1024xf32, #tpu.memory_space<vmem>>
    %dma_start3A_888 = tpu.memref_squeeze %dma_start3A_887 : memref<1x32x1024xf32, #tpu.memory_space<vmem>> -> memref<32x1024xf32, #tpu.memory_space<vmem>>
    %dma_start3A_889 = arith.constant 0 : i32
    %dma_start3A_890 = tpu.memref_slice %arg3[%dma_start3A_884, %add3A_850, %dma_start3A_889] : memref<4x8192x1024xf32, #tpu.memory_space<hbm>> -> memref<1x32x1024xf32, #tpu.memory_space<hbm>>
    %dma_start3A_891 = tpu.memref_squeeze %dma_start3A_890 : memref<1x32x1024xf32, #tpu.memory_space<hbm>> -> memref<32x1024xf32, #tpu.memory_space<hbm>>
    %dma_start3A_892 = arith.constant 0 : i32
    %dma_start3A_893 = tpu.memref_slice %arg3[%dma_start3A_884, %add3A_850, %dma_start3A_892] : memref<4x8192x1024xf32, #tpu.memory_space<hbm>> -> memref<1x32x1024xf32, #tpu.memory_space<hbm>>
    %dma_start3A_894 = tpu.memref_squeeze %dma_start3A_893 : memref<1x32x1024xf32, #tpu.memory_space<hbm>> -> memref<32x1024xf32, #tpu.memory_space<hbm>>
    %dma_start3A_895 = arith.constant 0 : i32
    %dma_start3A_896 = arith.constant 0 : i32
    %dma_start3A_897 = tpu.memref_slice %arg4[%dma_start3A_883, %dma_start3A_895, %dma_start3A_896] : memref<3x32x1024xf32, #tpu.memory_space<vmem>> -> memref<1x32x1024xf32, #tpu.memory_space<vmem>>
    %dma_start3A_898 = tpu.memref_squeeze %dma_start3A_897 : memref<1x32x1024xf32, #tpu.memory_space<vmem>> -> memref<32x1024xf32, #tpu.memory_space<vmem>>
    tpu.enqueue_dma source(%dma_start3A_898 : memref<32x1024xf32, #tpu.memory_space<vmem>>) target(%dma_start3A_894 : memref<32x1024xf32, #tpu.memory_space<hbm>>) target_semaphore(%arg6 : memref<!tpu.dma_semaphore, #tpu.memory_space<semaphore_mem>>)
    %dma_start3A_899 = arith.constant 2 : i32
    %dma_start3A_900 = arith.constant 0 : i32
    %dma_start3A_901 = arith.constant 0 : i32
    %dma_start3A_902 = arith.constant 0 : i32
    %dma_start3A_903 = tpu.memref_slice %arg4[%dma_start3A_899, %dma_start3A_901, %dma_start3A_902] : memref<3x32x1024xf32, #tpu.memory_space<vmem>> -> memref<1x32x1024xf32, #tpu.memory_space<vmem>>
    %dma_start3A_904 = tpu.memref_squeeze %dma_start3A_903 : memref<1x32x1024xf32, #tpu.memory_space<vmem>> -> memref<32x1024xf32, #tpu.memory_space<vmem>>
    %dma_start3A_905 = arith.constant 0 : i32
    %dma_start3A_906 = tpu.memref_slice %arg3[%dma_start3A_900, %add3A_850, %dma_start3A_905] : memref<4x8192x1024xf32, #tpu.memory_space<hbm>> -> memref<1x32x1024xf32, #tpu.memory_space<hbm>>
    %dma_start3A_907 = tpu.memref_squeeze %dma_start3A_906 : memref<1x32x1024xf32, #tpu.memory_space<hbm>> -> memref<32x1024xf32, #tpu.memory_space<hbm>>
    %dma_start3A_908 = arith.constant 0 : i32
    %dma_start3A_909 = tpu.memref_slice %arg3[%dma_start3A_900, %add3A_850, %dma_start3A_908] : memref<4x8192x1024xf32, #tpu.memory_space<hbm>> -> memref<1x32x1024xf32, #tpu.memory_space<hbm>>
    %dma_start3A_910 = tpu.memref_squeeze %dma_start3A_909 : memref<1x32x1024xf32, #tpu.memory_space<hbm>> -> memref<32x1024xf32, #tpu.memory_space<hbm>>
    %dma_start3A_911 = arith.constant 0 : i32
    %dma_start3A_912 = arith.constant 0 : i32
    %dma_start3A_913 = tpu.memref_slice %arg4[%dma_start3A_899, %dma_start3A_911, %dma_start3A_912] : memref<3x32x1024xf32, #tpu.memory_space<vmem>> -> memref<1x32x1024xf32, #tpu.memory_space<vmem>>
    %dma_start3A_914 = tpu.memref_squeeze %dma_start3A_913 : memref<1x32x1024xf32, #tpu.memory_space<vmem>> -> memref<32x1024xf32, #tpu.memory_space<vmem>>
    tpu.enqueue_dma source(%dma_start3A_914 : memref<32x1024xf32, #tpu.memory_space<vmem>>) target(%dma_start3A_910 : memref<32x1024xf32, #tpu.memory_space<hbm>>) target_semaphore(%arg6 : memref<!tpu.dma_semaphore, #tpu.memory_space<semaphore_mem>>)
    %dma_wait3A_915 = arith.constant 0 : i32
    %dma_wait3A_916 = arith.constant 0 : i32
    %dma_wait3A_917 = arith.constant 0 : i32
    %dma_wait3A_918 = tpu.memref_slice %arg4[%dma_wait3A_915, %dma_wait3A_916, %dma_wait3A_917] : memref<3x32x1024xf32, #tpu.memory_space<vmem>> -> memref<1x32x1024xf32, #tpu.memory_space<vmem>>
    %dma_wait3A_919 = tpu.memref_squeeze %dma_wait3A_918 : memref<1x32x1024xf32, #tpu.memory_space<vmem>> -> memref<32x1024xf32, #tpu.memory_space<vmem>>
    %dma_wait3A_920 = arith.constant 0 : i32
    %dma_wait3A_921 = tpu.memref_slice %arg2[%add3A_677, %dma_wait3A_920] : memref<8192x1024xf32, #tpu.memory_space<hbm>> -> memref<32x1024xf32, #tpu.memory_space<hbm>>
    %dma_wait3A_922 = arith.constant 0 : i32
    %dma_wait3A_923 = arith.constant 0 : i32
    %dma_wait3A_924 = tpu.memref_slice %arg4[%dma_wait3A_915, %dma_wait3A_922, %dma_wait3A_923] : memref<3x32x1024xf32, #tpu.memory_space<vmem>> -> memref<1x32x1024xf32, #tpu.memory_space<vmem>>
    %dma_wait3A_925 = tpu.memref_squeeze %dma_wait3A_924 : memref<1x32x1024xf32, #tpu.memory_space<vmem>> -> memref<32x1024xf32, #tpu.memory_space<vmem>>
    %dma_wait3A_926 = arith.constant 0 : i32
    %dma_wait3A_927 = tpu.memref_slice %arg2[%add3A_677, %dma_wait3A_926] : memref<8192x1024xf32, #tpu.memory_space<hbm>> -> memref<32x1024xf32, #tpu.memory_space<hbm>>
    tpu.wait_dma2 semaphore(%arg5 : memref<!tpu.dma_semaphore, #tpu.memory_space<semaphore_mem>>) src(%dma_wait3A_927 : memref<32x1024xf32, #tpu.memory_space<hbm>>) dst(%dma_wait3A_925 : memref<32x1024xf32, #tpu.memory_space<vmem>>)
    %add3A_928 = arith.constant 192 : i32
    %add3A_929 = arith.addi %mul3A_2, %add3A_928 : i32
    %dma_start3A_930 = arith.constant 0 : i32
    %dma_start3A_931 = arith.constant 2 : i32
    %dma_start3A_932 = arith.constant 0 : i32
    %dma_start3A_933 = arith.constant 0 : i32
    %dma_start3A_934 = tpu.memref_slice %arg4[%dma_start3A_930, %dma_start3A_932, %dma_start3A_933] : memref<3x32x1024xf32, #tpu.memory_space<vmem>> -> memref<1x32x1024xf32, #tpu.memory_space<vmem>>
    %dma_start3A_935 = tpu.memref_squeeze %dma_start3A_934 : memref<1x32x1024xf32, #tpu.memory_space<vmem>> -> memref<32x1024xf32, #tpu.memory_space<vmem>>
    %dma_start3A_936 = arith.constant 0 : i32
    %dma_start3A_937 = tpu.memref_slice %arg3[%dma_start3A_931, %add3A_929, %dma_start3A_936] : memref<4x8192x1024xf32, #tpu.memory_space<hbm>> -> memref<1x32x1024xf32, #tpu.memory_space<hbm>>
    %dma_start3A_938 = tpu.memref_squeeze %dma_start3A_937 : memref<1x32x1024xf32, #tpu.memory_space<hbm>> -> memref<32x1024xf32, #tpu.memory_space<hbm>>
    %dma_start3A_939 = arith.constant 0 : i32
    %dma_start3A_940 = tpu.memref_slice %arg3[%dma_start3A_931, %add3A_929, %dma_start3A_939] : memref<4x8192x1024xf32, #tpu.memory_space<hbm>> -> memref<1x32x1024xf32, #tpu.memory_space<hbm>>
    %dma_start3A_941 = tpu.memref_squeeze %dma_start3A_940 : memref<1x32x1024xf32, #tpu.memory_space<hbm>> -> memref<32x1024xf32, #tpu.memory_space<hbm>>
    %dma_start3A_942 = arith.constant 0 : i32
    %dma_start3A_943 = arith.constant 0 : i32
    %dma_start3A_944 = tpu.memref_slice %arg4[%dma_start3A_930, %dma_start3A_942, %dma_start3A_943] : memref<3x32x1024xf32, #tpu.memory_space<vmem>> -> memref<1x32x1024xf32, #tpu.memory_space<vmem>>
    %dma_start3A_945 = tpu.memref_squeeze %dma_start3A_944 : memref<1x32x1024xf32, #tpu.memory_space<vmem>> -> memref<32x1024xf32, #tpu.memory_space<vmem>>
    tpu.enqueue_dma source(%dma_start3A_945 : memref<32x1024xf32, #tpu.memory_space<vmem>>) target(%dma_start3A_941 : memref<32x1024xf32, #tpu.memory_space<hbm>>) target_semaphore(%arg6 : memref<!tpu.dma_semaphore, #tpu.memory_space<semaphore_mem>>)
    %dma_start3A_946 = arith.constant 0 : i32
    %dma_start3A_947 = arith.constant 3 : i32
    %dma_start3A_948 = arith.constant 0 : i32
    %dma_start3A_949 = arith.constant 0 : i32
    %dma_start3A_950 = tpu.memref_slice %arg4[%dma_start3A_946, %dma_start3A_948, %dma_start3A_949] : memref<3x32x1024xf32, #tpu.memory_space<vmem>> -> memref<1x32x1024xf32, #tpu.memory_space<vmem>>
    %dma_start3A_951 = tpu.memref_squeeze %dma_start3A_950 : memref<1x32x1024xf32, #tpu.memory_space<vmem>> -> memref<32x1024xf32, #tpu.memory_space<vmem>>
    %dma_start3A_952 = arith.constant 0 : i32
    %dma_start3A_953 = tpu.memref_slice %arg3[%dma_start3A_947, %add3A_929, %dma_start3A_952] : memref<4x8192x1024xf32, #tpu.memory_space<hbm>> -> memref<1x32x1024xf32, #tpu.memory_space<hbm>>
    %dma_start3A_954 = tpu.memref_squeeze %dma_start3A_953 : memref<1x32x1024xf32, #tpu.memory_space<hbm>> -> memref<32x1024xf32, #tpu.memory_space<hbm>>
    %dma_start3A_955 = arith.constant 0 : i32
    %dma_start3A_956 = tpu.memref_slice %arg3[%dma_start3A_947, %add3A_929, %dma_start3A_955] : memref<4x8192x1024xf32, #tpu.memory_space<hbm>> -> memref<1x32x1024xf32, #tpu.memory_space<hbm>>
    %dma_start3A_957 = tpu.memref_squeeze %dma_start3A_956 : memref<1x32x1024xf32, #tpu.memory_space<hbm>> -> memref<32x1024xf32, #tpu.memory_space<hbm>>
    %dma_start3A_958 = arith.constant 0 : i32
    %dma_start3A_959 = arith.constant 0 : i32
    %dma_start3A_960 = tpu.memref_slice %arg4[%dma_start3A_946, %dma_start3A_958, %dma_start3A_959] : memref<3x32x1024xf32, #tpu.memory_space<vmem>> -> memref<1x32x1024xf32, #tpu.memory_space<vmem>>
    %dma_start3A_961 = tpu.memref_squeeze %dma_start3A_960 : memref<1x32x1024xf32, #tpu.memory_space<vmem>> -> memref<32x1024xf32, #tpu.memory_space<vmem>>
    tpu.enqueue_dma source(%dma_start3A_961 : memref<32x1024xf32, #tpu.memory_space<vmem>>) target(%dma_start3A_957 : memref<32x1024xf32, #tpu.memory_space<hbm>>) target_semaphore(%arg6 : memref<!tpu.dma_semaphore, #tpu.memory_space<semaphore_mem>>)
    %dma_start3A_962 = arith.constant 0 : i32
    %dma_start3A_963 = arith.constant 0 : i32
    %dma_start3A_964 = arith.constant 0 : i32
    %dma_start3A_965 = arith.constant 0 : i32
    %dma_start3A_966 = tpu.memref_slice %arg4[%dma_start3A_962, %dma_start3A_964, %dma_start3A_965] : memref<3x32x1024xf32, #tpu.memory_space<vmem>> -> memref<1x32x1024xf32, #tpu.memory_space<vmem>>
    %dma_start3A_967 = tpu.memref_squeeze %dma_start3A_966 : memref<1x32x1024xf32, #tpu.memory_space<vmem>> -> memref<32x1024xf32, #tpu.memory_space<vmem>>
    %dma_start3A_968 = arith.constant 0 : i32
    %dma_start3A_969 = tpu.memref_slice %arg3[%dma_start3A_963, %add3A_929, %dma_start3A_968] : memref<4x8192x1024xf32, #tpu.memory_space<hbm>> -> memref<1x32x1024xf32, #tpu.memory_space<hbm>>
    %dma_start3A_970 = tpu.memref_squeeze %dma_start3A_969 : memref<1x32x1024xf32, #tpu.memory_space<hbm>> -> memref<32x1024xf32, #tpu.memory_space<hbm>>
    %dma_start3A_971 = arith.constant 0 : i32
    %dma_start3A_972 = tpu.memref_slice %arg3[%dma_start3A_963, %add3A_929, %dma_start3A_971] : memref<4x8192x1024xf32, #tpu.memory_space<hbm>> -> memref<1x32x1024xf32, #tpu.memory_space<hbm>>
    %dma_start3A_973 = tpu.memref_squeeze %dma_start3A_972 : memref<1x32x1024xf32, #tpu.memory_space<hbm>> -> memref<32x1024xf32, #tpu.memory_space<hbm>>
    %dma_start3A_974 = arith.constant 0 : i32
    %dma_start3A_975 = arith.constant 0 : i32
    %dma_start3A_976 = tpu.memref_slice %arg4[%dma_start3A_962, %dma_start3A_974, %dma_start3A_975] : memref<3x32x1024xf32, #tpu.memory_space<vmem>> -> memref<1x32x1024xf32, #tpu.memory_space<vmem>>
    %dma_start3A_977 = tpu.memref_squeeze %dma_start3A_976 : memref<1x32x1024xf32, #tpu.memory_space<vmem>> -> memref<32x1024xf32, #tpu.memory_space<vmem>>
    tpu.enqueue_dma source(%dma_start3A_977 : memref<32x1024xf32, #tpu.memory_space<vmem>>) target(%dma_start3A_973 : memref<32x1024xf32, #tpu.memory_space<hbm>>) target_semaphore(%arg6 : memref<!tpu.dma_semaphore, #tpu.memory_space<semaphore_mem>>)
    %dma_start3A_978 = arith.constant 0 : i32
    %dma_start3A_979 = arith.constant 1 : i32
    %dma_start3A_980 = arith.constant 0 : i32
    %dma_start3A_981 = arith.constant 0 : i32
    %dma_start3A_982 = tpu.memref_slice %arg4[%dma_start3A_978, %dma_start3A_980, %dma_start3A_981] : memref<3x32x1024xf32, #tpu.memory_space<vmem>> -> memref<1x32x1024xf32, #tpu.memory_space<vmem>>
    %dma_start3A_983 = tpu.memref_squeeze %dma_start3A_982 : memref<1x32x1024xf32, #tpu.memory_space<vmem>> -> memref<32x1024xf32, #tpu.memory_space<vmem>>
    %dma_start3A_984 = arith.constant 0 : i32
    %dma_start3A_985 = tpu.memref_slice %arg3[%dma_start3A_979, %add3A_929, %dma_start3A_984] : memref<4x8192x1024xf32, #tpu.memory_space<hbm>> -> memref<1x32x1024xf32, #tpu.memory_space<hbm>>
    %dma_start3A_986 = tpu.memref_squeeze %dma_start3A_985 : memref<1x32x1024xf32, #tpu.memory_space<hbm>> -> memref<32x1024xf32, #tpu.memory_space<hbm>>
    %dma_start3A_987 = arith.constant 0 : i32
    %dma_start3A_988 = tpu.memref_slice %arg3[%dma_start3A_979, %add3A_929, %dma_start3A_987] : memref<4x8192x1024xf32, #tpu.memory_space<hbm>> -> memref<1x32x1024xf32, #tpu.memory_space<hbm>>
    %dma_start3A_989 = tpu.memref_squeeze %dma_start3A_988 : memref<1x32x1024xf32, #tpu.memory_space<hbm>> -> memref<32x1024xf32, #tpu.memory_space<hbm>>
    %dma_start3A_990 = arith.constant 0 : i32
    %dma_start3A_991 = arith.constant 0 : i32
    %dma_start3A_992 = tpu.memref_slice %arg4[%dma_start3A_978, %dma_start3A_990, %dma_start3A_991] : memref<3x32x1024xf32, #tpu.memory_space<vmem>> -> memref<1x32x1024xf32, #tpu.memory_space<vmem>>
    %dma_start3A_993 = tpu.memref_squeeze %dma_start3A_992 : memref<1x32x1024xf32, #tpu.memory_space<vmem>> -> memref<32x1024xf32, #tpu.memory_space<vmem>>
    tpu.enqueue_dma source(%dma_start3A_993 : memref<32x1024xf32, #tpu.memory_space<vmem>>) target(%dma_start3A_989 : memref<32x1024xf32, #tpu.memory_space<hbm>>) target_semaphore(%arg6 : memref<!tpu.dma_semaphore, #tpu.memory_space<semaphore_mem>>)
    %dma_wait3A_994 = arith.constant 1 : i32
    %dma_wait3A_995 = arith.constant 0 : i32
    %dma_wait3A_996 = arith.constant 0 : i32
    %dma_wait3A_997 = tpu.memref_slice %arg4[%dma_wait3A_994, %dma_wait3A_995, %dma_wait3A_996] : memref<3x32x1024xf32, #tpu.memory_space<vmem>> -> memref<1x32x1024xf32, #tpu.memory_space<vmem>>
    %dma_wait3A_998 = tpu.memref_squeeze %dma_wait3A_997 : memref<1x32x1024xf32, #tpu.memory_space<vmem>> -> memref<32x1024xf32, #tpu.memory_space<vmem>>
    %dma_wait3A_999 = arith.constant 0 : i32
    %dma_wait3A_1000 = tpu.memref_slice %arg2[%add3A_835, %dma_wait3A_999] : memref<8192x1024xf32, #tpu.memory_space<hbm>> -> memref<32x1024xf32, #tpu.memory_space<hbm>>
    %dma_wait3A_1001 = arith.constant 0 : i32
    %dma_wait3A_1002 = arith.constant 0 : i32
    %dma_wait3A_1003 = tpu.memref_slice %arg4[%dma_wait3A_994, %dma_wait3A_1001, %dma_wait3A_1002] : memref<3x32x1024xf32, #tpu.memory_space<vmem>> -> memref<1x32x1024xf32, #tpu.memory_space<vmem>>
    %dma_wait3A_1004 = tpu.memref_squeeze %dma_wait3A_1003 : memref<1x32x1024xf32, #tpu.memory_space<vmem>> -> memref<32x1024xf32, #tpu.memory_space<vmem>>
    %dma_wait3A_1005 = arith.constant 0 : i32
    %dma_wait3A_1006 = tpu.memref_slice %arg2[%add3A_835, %dma_wait3A_1005] : memref<8192x1024xf32, #tpu.memory_space<hbm>> -> memref<32x1024xf32, #tpu.memory_space<hbm>>
    tpu.wait_dma2 semaphore(%arg5 : memref<!tpu.dma_semaphore, #tpu.memory_space<semaphore_mem>>) src(%dma_wait3A_1006 : memref<32x1024xf32, #tpu.memory_space<hbm>>) dst(%dma_wait3A_1004 : memref<32x1024xf32, #tpu.memory_space<vmem>>)
    %add3A_1007 = arith.constant 224 : i32
    %add3A_1008 = arith.addi %mul3A_2, %add3A_1007 : i32
    %dma_start3A_1009 = arith.constant 1 : i32
    %dma_start3A_1010 = arith.constant 3 : i32
    %dma_start3A_1011 = arith.constant 0 : i32
    %dma_start3A_1012 = arith.constant 0 : i32
    %dma_start3A_1013 = tpu.memref_slice %arg4[%dma_start3A_1009, %dma_start3A_1011, %dma_start3A_1012] : memref<3x32x1024xf32, #tpu.memory_space<vmem>> -> memref<1x32x1024xf32, #tpu.memory_space<vmem>>
    %dma_start3A_1014 = tpu.memref_squeeze %dma_start3A_1013 : memref<1x32x1024xf32, #tpu.memory_space<vmem>> -> memref<32x1024xf32, #tpu.memory_space<vmem>>
    %dma_start3A_1015 = arith.constant 0 : i32
    %dma_start3A_1016 = tpu.memref_slice %arg3[%dma_start3A_1010, %add3A_1008, %dma_start3A_1015] : memref<4x8192x1024xf32, #tpu.memory_space<hbm>> -> memref<1x32x1024xf32, #tpu.memory_space<hbm>>
    %dma_start3A_1017 = tpu.memref_squeeze %dma_start3A_1016 : memref<1x32x1024xf32, #tpu.memory_space<hbm>> -> memref<32x1024xf32, #tpu.memory_space<hbm>>
    %dma_start3A_1018 = arith.constant 0 : i32
    %dma_start3A_1019 = tpu.memref_slice %arg3[%dma_start3A_1010, %add3A_1008, %dma_start3A_1018] : memref<4x8192x1024xf32, #tpu.memory_space<hbm>> -> memref<1x32x1024xf32, #tpu.memory_space<hbm>>
    %dma_start3A_1020 = tpu.memref_squeeze %dma_start3A_1019 : memref<1x32x1024xf32, #tpu.memory_space<hbm>> -> memref<32x1024xf32, #tpu.memory_space<hbm>>
    %dma_start3A_1021 = arith.constant 0 : i32
    %dma_start3A_1022 = arith.constant 0 : i32
    %dma_start3A_1023 = tpu.memref_slice %arg4[%dma_start3A_1009, %dma_start3A_1021, %dma_start3A_1022] : memref<3x32x1024xf32, #tpu.memory_space<vmem>> -> memref<1x32x1024xf32, #tpu.memory_space<vmem>>
    %dma_start3A_1024 = tpu.memref_squeeze %dma_start3A_1023 : memref<1x32x1024xf32, #tpu.memory_space<vmem>> -> memref<32x1024xf32, #tpu.memory_space<vmem>>
    tpu.enqueue_dma source(%dma_start3A_1024 : memref<32x1024xf32, #tpu.memory_space<vmem>>) target(%dma_start3A_1020 : memref<32x1024xf32, #tpu.memory_space<hbm>>) target_semaphore(%arg6 : memref<!tpu.dma_semaphore, #tpu.memory_space<semaphore_mem>>)
    %dma_start3A_1025 = arith.constant 1 : i32
    %dma_start3A_1026 = arith.constant 0 : i32
    %dma_start3A_1027 = arith.constant 0 : i32
    %dma_start3A_1028 = arith.constant 0 : i32
    %dma_start3A_1029 = tpu.memref_slice %arg4[%dma_start3A_1025, %dma_start3A_1027, %dma_start3A_1028] : memref<3x32x1024xf32, #tpu.memory_space<vmem>> -> memref<1x32x1024xf32, #tpu.memory_space<vmem>>
    %dma_start3A_1030 = tpu.memref_squeeze %dma_start3A_1029 : memref<1x32x1024xf32, #tpu.memory_space<vmem>> -> memref<32x1024xf32, #tpu.memory_space<vmem>>
    %dma_start3A_1031 = arith.constant 0 : i32
    %dma_start3A_1032 = tpu.memref_slice %arg3[%dma_start3A_1026, %add3A_1008, %dma_start3A_1031] : memref<4x8192x1024xf32, #tpu.memory_space<hbm>> -> memref<1x32x1024xf32, #tpu.memory_space<hbm>>
    %dma_start3A_1033 = tpu.memref_squeeze %dma_start3A_1032 : memref<1x32x1024xf32, #tpu.memory_space<hbm>> -> memref<32x1024xf32, #tpu.memory_space<hbm>>
    %dma_start3A_1034 = arith.constant 0 : i32
    %dma_start3A_1035 = tpu.memref_slice %arg3[%dma_start3A_1026, %add3A_1008, %dma_start3A_1034] : memref<4x8192x1024xf32, #tpu.memory_space<hbm>> -> memref<1x32x1024xf32, #tpu.memory_space<hbm>>
    %dma_start3A_1036 = tpu.memref_squeeze %dma_start3A_1035 : memref<1x32x1024xf32, #tpu.memory_space<hbm>> -> memref<32x1024xf32, #tpu.memory_space<hbm>>
    %dma_start3A_1037 = arith.constant 0 : i32
    %dma_start3A_1038 = arith.constant 0 : i32
    %dma_start3A_1039 = tpu.memref_slice %arg4[%dma_start3A_1025, %dma_start3A_1037, %dma_start3A_1038] : memref<3x32x1024xf32, #tpu.memory_space<vmem>> -> memref<1x32x1024xf32, #tpu.memory_space<vmem>>
    %dma_start3A_1040 = tpu.memref_squeeze %dma_start3A_1039 : memref<1x32x1024xf32, #tpu.memory_space<vmem>> -> memref<32x1024xf32, #tpu.memory_space<vmem>>
    tpu.enqueue_dma source(%dma_start3A_1040 : memref<32x1024xf32, #tpu.memory_space<vmem>>) target(%dma_start3A_1036 : memref<32x1024xf32, #tpu.memory_space<hbm>>) target_semaphore(%arg6 : memref<!tpu.dma_semaphore, #tpu.memory_space<semaphore_mem>>)
    %dma_start3A_1041 = arith.constant 1 : i32
    %dma_start3A_1042 = arith.constant 1 : i32
    %dma_start3A_1043 = arith.constant 0 : i32
    %dma_start3A_1044 = arith.constant 0 : i32
    %dma_start3A_1045 = tpu.memref_slice %arg4[%dma_start3A_1041, %dma_start3A_1043, %dma_start3A_1044] : memref<3x32x1024xf32, #tpu.memory_space<vmem>> -> memref<1x32x1024xf32, #tpu.memory_space<vmem>>
    %dma_start3A_1046 = tpu.memref_squeeze %dma_start3A_1045 : memref<1x32x1024xf32, #tpu.memory_space<vmem>> -> memref<32x1024xf32, #tpu.memory_space<vmem>>
    %dma_start3A_1047 = arith.constant 0 : i32
    %dma_start3A_1048 = tpu.memref_slice %arg3[%dma_start3A_1042, %add3A_1008, %dma_start3A_1047] : memref<4x8192x1024xf32, #tpu.memory_space<hbm>> -> memref<1x32x1024xf32, #tpu.memory_space<hbm>>
    %dma_start3A_1049 = tpu.memref_squeeze %dma_start3A_1048 : memref<1x32x1024xf32, #tpu.memory_space<hbm>> -> memref<32x1024xf32, #tpu.memory_space<hbm>>
    %dma_start3A_1050 = arith.constant 0 : i32
    %dma_start3A_1051 = tpu.memref_slice %arg3[%dma_start3A_1042, %add3A_1008, %dma_start3A_1050] : memref<4x8192x1024xf32, #tpu.memory_space<hbm>> -> memref<1x32x1024xf32, #tpu.memory_space<hbm>>
    %dma_start3A_1052 = tpu.memref_squeeze %dma_start3A_1051 : memref<1x32x1024xf32, #tpu.memory_space<hbm>> -> memref<32x1024xf32, #tpu.memory_space<hbm>>
    %dma_start3A_1053 = arith.constant 0 : i32
    %dma_start3A_1054 = arith.constant 0 : i32
    %dma_start3A_1055 = tpu.memref_slice %arg4[%dma_start3A_1041, %dma_start3A_1053, %dma_start3A_1054] : memref<3x32x1024xf32, #tpu.memory_space<vmem>> -> memref<1x32x1024xf32, #tpu.memory_space<vmem>>
    %dma_start3A_1056 = tpu.memref_squeeze %dma_start3A_1055 : memref<1x32x1024xf32, #tpu.memory_space<vmem>> -> memref<32x1024xf32, #tpu.memory_space<vmem>>
    tpu.enqueue_dma source(%dma_start3A_1056 : memref<32x1024xf32, #tpu.memory_space<vmem>>) target(%dma_start3A_1052 : memref<32x1024xf32, #tpu.memory_space<hbm>>) target_semaphore(%arg6 : memref<!tpu.dma_semaphore, #tpu.memory_space<semaphore_mem>>)
    %dma_start3A_1057 = arith.constant 1 : i32
    %dma_start3A_1058 = arith.constant 2 : i32
    %dma_start3A_1059 = arith.constant 0 : i32
    %dma_start3A_1060 = arith.constant 0 : i32
    %dma_start3A_1061 = tpu.memref_slice %arg4[%dma_start3A_1057, %dma_start3A_1059, %dma_start3A_1060] : memref<3x32x1024xf32, #tpu.memory_space<vmem>> -> memref<1x32x1024xf32, #tpu.memory_space<vmem>>
    %dma_start3A_1062 = tpu.memref_squeeze %dma_start3A_1061 : memref<1x32x1024xf32, #tpu.memory_space<vmem>> -> memref<32x1024xf32, #tpu.memory_space<vmem>>
    %dma_start3A_1063 = arith.constant 0 : i32
    %dma_start3A_1064 = tpu.memref_slice %arg3[%dma_start3A_1058, %add3A_1008, %dma_start3A_1063] : memref<4x8192x1024xf32, #tpu.memory_space<hbm>> -> memref<1x32x1024xf32, #tpu.memory_space<hbm>>
    %dma_start3A_1065 = tpu.memref_squeeze %dma_start3A_1064 : memref<1x32x1024xf32, #tpu.memory_space<hbm>> -> memref<32x1024xf32, #tpu.memory_space<hbm>>
    %dma_start3A_1066 = arith.constant 0 : i32
    %dma_start3A_1067 = tpu.memref_slice %arg3[%dma_start3A_1058, %add3A_1008, %dma_start3A_1066] : memref<4x8192x1024xf32, #tpu.memory_space<hbm>> -> memref<1x32x1024xf32, #tpu.memory_space<hbm>>
    %dma_start3A_1068 = tpu.memref_squeeze %dma_start3A_1067 : memref<1x32x1024xf32, #tpu.memory_space<hbm>> -> memref<32x1024xf32, #tpu.memory_space<hbm>>
    %dma_start3A_1069 = arith.constant 0 : i32
    %dma_start3A_1070 = arith.constant 0 : i32
    %dma_start3A_1071 = tpu.memref_slice %arg4[%dma_start3A_1057, %dma_start3A_1069, %dma_start3A_1070] : memref<3x32x1024xf32, #tpu.memory_space<vmem>> -> memref<1x32x1024xf32, #tpu.memory_space<vmem>>
    %dma_start3A_1072 = tpu.memref_squeeze %dma_start3A_1071 : memref<1x32x1024xf32, #tpu.memory_space<vmem>> -> memref<32x1024xf32, #tpu.memory_space<vmem>>
    tpu.enqueue_dma source(%dma_start3A_1072 : memref<32x1024xf32, #tpu.memory_space<vmem>>) target(%dma_start3A_1068 : memref<32x1024xf32, #tpu.memory_space<hbm>>) target_semaphore(%arg6 : memref<!tpu.dma_semaphore, #tpu.memory_space<semaphore_mem>>)
    %dma_wait3A_1073 = arith.constant 0 : i32
    %dma_wait3A_1074 = arith.constant 2 : i32
    %dma_wait3A_1075 = arith.constant 0 : i32
    %dma_wait3A_1076 = arith.constant 0 : i32
    %dma_wait3A_1077 = tpu.memref_slice %arg4[%dma_wait3A_1073, %dma_wait3A_1075, %dma_wait3A_1076] : memref<3x32x1024xf32, #tpu.memory_space<vmem>> -> memref<1x32x1024xf32, #tpu.memory_space<vmem>>
    %dma_wait3A_1078 = tpu.memref_squeeze %dma_wait3A_1077 : memref<1x32x1024xf32, #tpu.memory_space<vmem>> -> memref<32x1024xf32, #tpu.memory_space<vmem>>
    %dma_wait3A_1079 = arith.constant 0 : i32
    %dma_wait3A_1080 = tpu.memref_slice %arg3[%dma_wait3A_1074, %add3A_929, %dma_wait3A_1079] : memref<4x8192x1024xf32, #tpu.memory_space<hbm>> -> memref<1x32x1024xf32, #tpu.memory_space<hbm>>
    %dma_wait3A_1081 = tpu.memref_squeeze %dma_wait3A_1080 : memref<1x32x1024xf32, #tpu.memory_space<hbm>> -> memref<32x1024xf32, #tpu.memory_space<hbm>>
    %dma_wait3A_1082 = arith.constant 0 : i32
    %dma_wait3A_1083 = tpu.memref_slice %arg3[%dma_wait3A_1074, %add3A_929, %dma_wait3A_1082] : memref<4x8192x1024xf32, #tpu.memory_space<hbm>> -> memref<1x32x1024xf32, #tpu.memory_space<hbm>>
    %dma_wait3A_1084 = tpu.memref_squeeze %dma_wait3A_1083 : memref<1x32x1024xf32, #tpu.memory_space<hbm>> -> memref<32x1024xf32, #tpu.memory_space<hbm>>
    %dma_wait3A_1085 = arith.constant 0 : i32
    %dma_wait3A_1086 = arith.constant 0 : i32
    %dma_wait3A_1087 = tpu.memref_slice %arg4[%dma_wait3A_1073, %dma_wait3A_1085, %dma_wait3A_1086] : memref<3x32x1024xf32, #tpu.memory_space<vmem>> -> memref<1x32x1024xf32, #tpu.memory_space<vmem>>
    %dma_wait3A_1088 = tpu.memref_squeeze %dma_wait3A_1087 : memref<1x32x1024xf32, #tpu.memory_space<vmem>> -> memref<32x1024xf32, #tpu.memory_space<vmem>>
    tpu.wait_dma2 semaphore(%arg6 : memref<!tpu.dma_semaphore, #tpu.memory_space<semaphore_mem>>) src(%dma_wait3A_1088 : memref<32x1024xf32, #tpu.memory_space<vmem>>) dst(%dma_wait3A_1084 : memref<32x1024xf32, #tpu.memory_space<hbm>>)
    %dma_wait3A_1089 = arith.constant 0 : i32
    %dma_wait3A_1090 = arith.constant 3 : i32
    %dma_wait3A_1091 = arith.constant 0 : i32
    %dma_wait3A_1092 = arith.constant 0 : i32
    %dma_wait3A_1093 = tpu.memref_slice %arg4[%dma_wait3A_1089, %dma_wait3A_1091, %dma_wait3A_1092] : memref<3x32x1024xf32, #tpu.memory_space<vmem>> -> memref<1x32x1024xf32, #tpu.memory_space<vmem>>
    %dma_wait3A_1094 = tpu.memref_squeeze %dma_wait3A_1093 : memref<1x32x1024xf32, #tpu.memory_space<vmem>> -> memref<32x1024xf32, #tpu.memory_space<vmem>>
    %dma_wait3A_1095 = arith.constant 0 : i32
    %dma_wait3A_1096 = tpu.memref_slice %arg3[%dma_wait3A_1090, %add3A_929, %dma_wait3A_1095] : memref<4x8192x1024xf32, #tpu.memory_space<hbm>> -> memref<1x32x1024xf32, #tpu.memory_space<hbm>>
    %dma_wait3A_1097 = tpu.memref_squeeze %dma_wait3A_1096 : memref<1x32x1024xf32, #tpu.memory_space<hbm>> -> memref<32x1024xf32, #tpu.memory_space<hbm>>
    %dma_wait3A_1098 = arith.constant 0 : i32
    %dma_wait3A_1099 = tpu.memref_slice %arg3[%dma_wait3A_1090, %add3A_929, %dma_wait3A_1098] : memref<4x8192x1024xf32, #tpu.memory_space<hbm>> -> memref<1x32x1024xf32, #tpu.memory_space<hbm>>
    %dma_wait3A_1100 = tpu.memref_squeeze %dma_wait3A_1099 : memref<1x32x1024xf32, #tpu.memory_space<hbm>> -> memref<32x1024xf32, #tpu.memory_space<hbm>>
    %dma_wait3A_1101 = arith.constant 0 : i32
    %dma_wait3A_1102 = arith.constant 0 : i32
    %dma_wait3A_1103 = tpu.memref_slice %arg4[%dma_wait3A_1089, %dma_wait3A_1101, %dma_wait3A_1102] : memref<3x32x1024xf32, #tpu.memory_space<vmem>> -> memref<1x32x1024xf32, #tpu.memory_space<vmem>>
    %dma_wait3A_1104 = tpu.memref_squeeze %dma_wait3A_1103 : memref<1x32x1024xf32, #tpu.memory_space<vmem>> -> memref<32x1024xf32, #tpu.memory_space<vmem>>
    tpu.wait_dma2 semaphore(%arg6 : memref<!tpu.dma_semaphore, #tpu.memory_space<semaphore_mem>>) src(%dma_wait3A_1104 : memref<32x1024xf32, #tpu.memory_space<vmem>>) dst(%dma_wait3A_1100 : memref<32x1024xf32, #tpu.memory_space<hbm>>)
    %dma_wait3A_1105 = arith.constant 0 : i32
    %dma_wait3A_1106 = arith.constant 0 : i32
    %dma_wait3A_1107 = arith.constant 0 : i32
    %dma_wait3A_1108 = arith.constant 0 : i32
    %dma_wait3A_1109 = tpu.memref_slice %arg4[%dma_wait3A_1105, %dma_wait3A_1107, %dma_wait3A_1108] : memref<3x32x1024xf32, #tpu.memory_space<vmem>> -> memref<1x32x1024xf32, #tpu.memory_space<vmem>>
    %dma_wait3A_1110 = tpu.memref_squeeze %dma_wait3A_1109 : memref<1x32x1024xf32, #tpu.memory_space<vmem>> -> memref<32x1024xf32, #tpu.memory_space<vmem>>
    %dma_wait3A_1111 = arith.constant 0 : i32
    %dma_wait3A_1112 = tpu.memref_slice %arg3[%dma_wait3A_1106, %add3A_929, %dma_wait3A_1111] : memref<4x8192x1024xf32, #tpu.memory_space<hbm>> -> memref<1x32x1024xf32, #tpu.memory_space<hbm>>
    %dma_wait3A_1113 = tpu.memref_squeeze %dma_wait3A_1112 : memref<1x32x1024xf32, #tpu.memory_space<hbm>> -> memref<32x1024xf32, #tpu.memory_space<hbm>>
    %dma_wait3A_1114 = arith.constant 0 : i32
    %dma_wait3A_1115 = tpu.memref_slice %arg3[%dma_wait3A_1106, %add3A_929, %dma_wait3A_1114] : memref<4x8192x1024xf32, #tpu.memory_space<hbm>> -> memref<1x32x1024xf32, #tpu.memory_space<hbm>>
    %dma_wait3A_1116 = tpu.memref_squeeze %dma_wait3A_1115 : memref<1x32x1024xf32, #tpu.memory_space<hbm>> -> memref<32x1024xf32, #tpu.memory_space<hbm>>
    %dma_wait3A_1117 = arith.constant 0 : i32
    %dma_wait3A_1118 = arith.constant 0 : i32
    %dma_wait3A_1119 = tpu.memref_slice %arg4[%dma_wait3A_1105, %dma_wait3A_1117, %dma_wait3A_1118] : memref<3x32x1024xf32, #tpu.memory_space<vmem>> -> memref<1x32x1024xf32, #tpu.memory_space<vmem>>
    %dma_wait3A_1120 = tpu.memref_squeeze %dma_wait3A_1119 : memref<1x32x1024xf32, #tpu.memory_space<vmem>> -> memref<32x1024xf32, #tpu.memory_space<vmem>>
    tpu.wait_dma2 semaphore(%arg6 : memref<!tpu.dma_semaphore, #tpu.memory_space<semaphore_mem>>) src(%dma_wait3A_1120 : memref<32x1024xf32, #tpu.memory_space<vmem>>) dst(%dma_wait3A_1116 : memref<32x1024xf32, #tpu.memory_space<hbm>>)
    %dma_wait3A_1121 = arith.constant 0 : i32
    %dma_wait3A_1122 = arith.constant 1 : i32
    %dma_wait3A_1123 = arith.constant 0 : i32
    %dma_wait3A_1124 = arith.constant 0 : i32
    %dma_wait3A_1125 = tpu.memref_slice %arg4[%dma_wait3A_1121, %dma_wait3A_1123, %dma_wait3A_1124] : memref<3x32x1024xf32, #tpu.memory_space<vmem>> -> memref<1x32x1024xf32, #tpu.memory_space<vmem>>
    %dma_wait3A_1126 = tpu.memref_squeeze %dma_wait3A_1125 : memref<1x32x1024xf32, #tpu.memory_space<vmem>> -> memref<32x1024xf32, #tpu.memory_space<vmem>>
    %dma_wait3A_1127 = arith.constant 0 : i32
    %dma_wait3A_1128 = tpu.memref_slice %arg3[%dma_wait3A_1122, %add3A_929, %dma_wait3A_1127] : memref<4x8192x1024xf32, #tpu.memory_space<hbm>> -> memref<1x32x1024xf32, #tpu.memory_space<hbm>>
    %dma_wait3A_1129 = tpu.memref_squeeze %dma_wait3A_1128 : memref<1x32x1024xf32, #tpu.memory_space<hbm>> -> memref<32x1024xf32, #tpu.memory_space<hbm>>
    %dma_wait3A_1130 = arith.constant 0 : i32
    %dma_wait3A_1131 = tpu.memref_slice %arg3[%dma_wait3A_1122, %add3A_929, %dma_wait3A_1130] : memref<4x8192x1024xf32, #tpu.memory_space<hbm>> -> memref<1x32x1024xf32, #tpu.memory_space<hbm>>
    %dma_wait3A_1132 = tpu.memref_squeeze %dma_wait3A_1131 : memref<1x32x1024xf32, #tpu.memory_space<hbm>> -> memref<32x1024xf32, #tpu.memory_space<hbm>>
    %dma_wait3A_1133 = arith.constant 0 : i32
    %dma_wait3A_1134 = arith.constant 0 : i32
    %dma_wait3A_1135 = tpu.memref_slice %arg4[%dma_wait3A_1121, %dma_wait3A_1133, %dma_wait3A_1134] : memref<3x32x1024xf32, #tpu.memory_space<vmem>> -> memref<1x32x1024xf32, #tpu.memory_space<vmem>>
    %dma_wait3A_1136 = tpu.memref_squeeze %dma_wait3A_1135 : memref<1x32x1024xf32, #tpu.memory_space<vmem>> -> memref<32x1024xf32, #tpu.memory_space<vmem>>
    tpu.wait_dma2 semaphore(%arg6 : memref<!tpu.dma_semaphore, #tpu.memory_space<semaphore_mem>>) src(%dma_wait3A_1136 : memref<32x1024xf32, #tpu.memory_space<vmem>>) dst(%dma_wait3A_1132 : memref<32x1024xf32, #tpu.memory_space<hbm>>)
    %dma_wait3A_1137 = arith.constant 1 : i32
    %dma_wait3A_1138 = arith.constant 3 : i32
    %dma_wait3A_1139 = arith.constant 0 : i32
    %dma_wait3A_1140 = arith.constant 0 : i32
    %dma_wait3A_1141 = tpu.memref_slice %arg4[%dma_wait3A_1137, %dma_wait3A_1139, %dma_wait3A_1140] : memref<3x32x1024xf32, #tpu.memory_space<vmem>> -> memref<1x32x1024xf32, #tpu.memory_space<vmem>>
    %dma_wait3A_1142 = tpu.memref_squeeze %dma_wait3A_1141 : memref<1x32x1024xf32, #tpu.memory_space<vmem>> -> memref<32x1024xf32, #tpu.memory_space<vmem>>
    %dma_wait3A_1143 = arith.constant 0 : i32
    %dma_wait3A_1144 = tpu.memref_slice %arg3[%dma_wait3A_1138, %add3A_1008, %dma_wait3A_1143] : memref<4x8192x1024xf32, #tpu.memory_space<hbm>> -> memref<1x32x1024xf32, #tpu.memory_space<hbm>>
    %dma_wait3A_1145 = tpu.memref_squeeze %dma_wait3A_1144 : memref<1x32x1024xf32, #tpu.memory_space<hbm>> -> memref<32x1024xf32, #tpu.memory_space<hbm>>
    %dma_wait3A_1146 = arith.constant 0 : i32
    %dma_wait3A_1147 = tpu.memref_slice %arg3[%dma_wait3A_1138, %add3A_1008, %dma_wait3A_1146] : memref<4x8192x1024xf32, #tpu.memory_space<hbm>> -> memref<1x32x1024xf32, #tpu.memory_space<hbm>>
    %dma_wait3A_1148 = tpu.memref_squeeze %dma_wait3A_1147 : memref<1x32x1024xf32, #tpu.memory_space<hbm>> -> memref<32x1024xf32, #tpu.memory_space<hbm>>
    %dma_wait3A_1149 = arith.constant 0 : i32
    %dma_wait3A_1150 = arith.constant 0 : i32
    %dma_wait3A_1151 = tpu.memref_slice %arg4[%dma_wait3A_1137, %dma_wait3A_1149, %dma_wait3A_1150] : memref<3x32x1024xf32, #tpu.memory_space<vmem>> -> memref<1x32x1024xf32, #tpu.memory_space<vmem>>
    %dma_wait3A_1152 = tpu.memref_squeeze %dma_wait3A_1151 : memref<1x32x1024xf32, #tpu.memory_space<vmem>> -> memref<32x1024xf32, #tpu.memory_space<vmem>>
    tpu.wait_dma2 semaphore(%arg6 : memref<!tpu.dma_semaphore, #tpu.memory_space<semaphore_mem>>) src(%dma_wait3A_1152 : memref<32x1024xf32, #tpu.memory_space<vmem>>) dst(%dma_wait3A_1148 : memref<32x1024xf32, #tpu.memory_space<hbm>>)
    %dma_wait3A_1153 = arith.constant 1 : i32
    %dma_wait3A_1154 = arith.constant 0 : i32
    %dma_wait3A_1155 = arith.constant 0 : i32
    %dma_wait3A_1156 = arith.constant 0 : i32
    %dma_wait3A_1157 = tpu.memref_slice %arg4[%dma_wait3A_1153, %dma_wait3A_1155, %dma_wait3A_1156] : memref<3x32x1024xf32, #tpu.memory_space<vmem>> -> memref<1x32x1024xf32, #tpu.memory_space<vmem>>
    %dma_wait3A_1158 = tpu.memref_squeeze %dma_wait3A_1157 : memref<1x32x1024xf32, #tpu.memory_space<vmem>> -> memref<32x1024xf32, #tpu.memory_space<vmem>>
    %dma_wait3A_1159 = arith.constant 0 : i32
    %dma_wait3A_1160 = tpu.memref_slice %arg3[%dma_wait3A_1154, %add3A_1008, %dma_wait3A_1159] : memref<4x8192x1024xf32, #tpu.memory_space<hbm>> -> memref<1x32x1024xf32, #tpu.memory_space<hbm>>
    %dma_wait3A_1161 = tpu.memref_squeeze %dma_wait3A_1160 : memref<1x32x1024xf32, #tpu.memory_space<hbm>> -> memref<32x1024xf32, #tpu.memory_space<hbm>>
    %dma_wait3A_1162 = arith.constant 0 : i32
    %dma_wait3A_1163 = tpu.memref_slice %arg3[%dma_wait3A_1154, %add3A_1008, %dma_wait3A_1162] : memref<4x8192x1024xf32, #tpu.memory_space<hbm>> -> memref<1x32x1024xf32, #tpu.memory_space<hbm>>
    %dma_wait3A_1164 = tpu.memref_squeeze %dma_wait3A_1163 : memref<1x32x1024xf32, #tpu.memory_space<hbm>> -> memref<32x1024xf32, #tpu.memory_space<hbm>>
    %dma_wait3A_1165 = arith.constant 0 : i32
    %dma_wait3A_1166 = arith.constant 0 : i32
    %dma_wait3A_1167 = tpu.memref_slice %arg4[%dma_wait3A_1153, %dma_wait3A_1165, %dma_wait3A_1166] : memref<3x32x1024xf32, #tpu.memory_space<vmem>> -> memref<1x32x1024xf32, #tpu.memory_space<vmem>>
    %dma_wait3A_1168 = tpu.memref_squeeze %dma_wait3A_1167 : memref<1x32x1024xf32, #tpu.memory_space<vmem>> -> memref<32x1024xf32, #tpu.memory_space<vmem>>
    tpu.wait_dma2 semaphore(%arg6 : memref<!tpu.dma_semaphore, #tpu.memory_space<semaphore_mem>>) src(%dma_wait3A_1168 : memref<32x1024xf32, #tpu.memory_space<vmem>>) dst(%dma_wait3A_1164 : memref<32x1024xf32, #tpu.memory_space<hbm>>)
    %dma_wait3A_1169 = arith.constant 1 : i32
    %dma_wait3A_1170 = arith.constant 1 : i32
    %dma_wait3A_1171 = arith.constant 0 : i32
    %dma_wait3A_1172 = arith.constant 0 : i32
    %dma_wait3A_1173 = tpu.memref_slice %arg4[%dma_wait3A_1169, %dma_wait3A_1171, %dma_wait3A_1172] : memref<3x32x1024xf32, #tpu.memory_space<vmem>> -> memref<1x32x1024xf32, #tpu.memory_space<vmem>>
    %dma_wait3A_1174 = tpu.memref_squeeze %dma_wait3A_1173 : memref<1x32x1024xf32, #tpu.memory_space<vmem>> -> memref<32x1024xf32, #tpu.memory_space<vmem>>
    %dma_wait3A_1175 = arith.constant 0 : i32
    %dma_wait3A_1176 = tpu.memref_slice %arg3[%dma_wait3A_1170, %add3A_1008, %dma_wait3A_1175] : memref<4x8192x1024xf32, #tpu.memory_space<hbm>> -> memref<1x32x1024xf32, #tpu.memory_space<hbm>>
    %dma_wait3A_1177 = tpu.memref_squeeze %dma_wait3A_1176 : memref<1x32x1024xf32, #tpu.memory_space<hbm>> -> memref<32x1024xf32, #tpu.memory_space<hbm>>
    %dma_wait3A_1178 = arith.constant 0 : i32
    %dma_wait3A_1179 = tpu.memref_slice %arg3[%dma_wait3A_1170, %add3A_1008, %dma_wait3A_1178] : memref<4x8192x1024xf32, #tpu.memory_space<hbm>> -> memref<1x32x1024xf32, #tpu.memory_space<hbm>>
    %dma_wait3A_1180 = tpu.memref_squeeze %dma_wait3A_1179 : memref<1x32x1024xf32, #tpu.memory_space<hbm>> -> memref<32x1024xf32, #tpu.memory_space<hbm>>
    %dma_wait3A_1181 = arith.constant 0 : i32
    %dma_wait3A_1182 = arith.constant 0 : i32
    %dma_wait3A_1183 = tpu.memref_slice %arg4[%dma_wait3A_1169, %dma_wait3A_1181, %dma_wait3A_1182] : memref<3x32x1024xf32, #tpu.memory_space<vmem>> -> memref<1x32x1024xf32, #tpu.memory_space<vmem>>
    %dma_wait3A_1184 = tpu.memref_squeeze %dma_wait3A_1183 : memref<1x32x1024xf32, #tpu.memory_space<vmem>> -> memref<32x1024xf32, #tpu.memory_space<vmem>>
    tpu.wait_dma2 semaphore(%arg6 : memref<!tpu.dma_semaphore, #tpu.memory_space<semaphore_mem>>) src(%dma_wait3A_1184 : memref<32x1024xf32, #tpu.memory_space<vmem>>) dst(%dma_wait3A_1180 : memref<32x1024xf32, #tpu.memory_space<hbm>>)
    %dma_wait3A_1185 = arith.constant 1 : i32
    %dma_wait3A_1186 = arith.constant 2 : i32
    %dma_wait3A_1187 = arith.constant 0 : i32
    %dma_wait3A_1188 = arith.constant 0 : i32
    %dma_wait3A_1189 = tpu.memref_slice %arg4[%dma_wait3A_1185, %dma_wait3A_1187, %dma_wait3A_1188] : memref<3x32x1024xf32, #tpu.memory_space<vmem>> -> memref<1x32x1024xf32, #tpu.memory_space<vmem>>
    %dma_wait3A_1190 = tpu.memref_squeeze %dma_wait3A_1189 : memref<1x32x1024xf32, #tpu.memory_space<vmem>> -> memref<32x1024xf32, #tpu.memory_space<vmem>>
    %dma_wait3A_1191 = arith.constant 0 : i32
    %dma_wait3A_1192 = tpu.memref_slice %arg3[%dma_wait3A_1186, %add3A_1008, %dma_wait3A_1191] : memref<4x8192x1024xf32, #tpu.memory_space<hbm>> -> memref<1x32x1024xf32, #tpu.memory_space<hbm>>
    %dma_wait3A_1193 = tpu.memref_squeeze %dma_wait3A_1192 : memref<1x32x1024xf32, #tpu.memory_space<hbm>> -> memref<32x1024xf32, #tpu.memory_space<hbm>>
    %dma_wait3A_1194 = arith.constant 0 : i32
    %dma_wait3A_1195 = tpu.memref_slice %arg3[%dma_wait3A_1186, %add3A_1008, %dma_wait3A_1194] : memref<4x8192x1024xf32, #tpu.memory_space<hbm>> -> memref<1x32x1024xf32, #tpu.memory_space<hbm>>
    %dma_wait3A_1196 = tpu.memref_squeeze %dma_wait3A_1195 : memref<1x32x1024xf32, #tpu.memory_space<hbm>> -> memref<32x1024xf32, #tpu.memory_space<hbm>>
    %dma_wait3A_1197 = arith.constant 0 : i32
    %dma_wait3A_1198 = arith.constant 0 : i32
    %dma_wait3A_1199 = tpu.memref_slice %arg4[%dma_wait3A_1185, %dma_wait3A_1197, %dma_wait3A_1198] : memref<3x32x1024xf32, #tpu.memory_space<vmem>> -> memref<1x32x1024xf32, #tpu.memory_space<vmem>>
    %dma_wait3A_1200 = tpu.memref_squeeze %dma_wait3A_1199 : memref<1x32x1024xf32, #tpu.memory_space<vmem>> -> memref<32x1024xf32, #tpu.memory_space<vmem>>
    tpu.wait_dma2 semaphore(%arg6 : memref<!tpu.dma_semaphore, #tpu.memory_space<semaphore_mem>>) src(%dma_wait3A_1200 : memref<32x1024xf32, #tpu.memory_space<vmem>>) dst(%dma_wait3A_1196 : memref<32x1024xf32, #tpu.memory_space<hbm>>)
    return
  }
}

</mosaic_0001>

<sc_bundles>
// kernel: kernel.3.cloned.1.call-start
scs
__scs_entry_jumppad:
0x0: {  	(pc) =	sbr.rel $0x88, $3  }
0x1: {  	(tag) =	ssettag $0x0;
	lr =	simm.s32 $0x1  }
0x2: {  	[smem:$0x3FA0] =	sst lr;
	_ =	strace $0xD0000000  }
0x3: {  	_ = 	snop  }
0x4: {  	_ = 	snop  }
0x5: {  	_ = 	snop  }
0x6: {  	_ = 	snop  }
0x7: {  	_ = 	snop  }
__scs_overlays_trampoline_lowered:
0x8: {  	[smem:$0x3FAF] =	sst s0  }
0x9: {  	[smem:$0x3FB0] =	sst s1  }
0xa: {  	[smem:$0x3FB1] =	sst s2  }
0xb: {  	[smem:$0x3FB2] =	sst s3  }
0xc: {  	[smem:$0x3FB3] =	sst s4  }
0xd: {  	[smem:$0x3FB4] =	sst s5  }
0xe: {  	[smem:$0x3FB5] =	sst s6  }
0xf: {  	[smem:$0x3FB6] =	sst s7  }
0x10: {  	[smem:$0x3FB7] =	sst s8  }
0x11: {  	[smem:$0x3FB8] =	sst s9;
	s0 =	simm.s32 @!p0 $0x0  }
0x12: {  	s1 =	sld [smem:$0x3F9E];
	s0 =	simm.s32 @p0 $0x1  }
0x13: {  	[smem:$0x3FB9] =	sst s0;
	s0 =	simm.s32 @!p1 $0x0  }
0x14: {  	s2 =	sld [smem:$0x3F9D];
	s0 =	simm.s32 @p1 $0x1  }
0x15: {  	[smem:$0x3FBA] =	sst s0;
	s0 =	simm.s32 @!p2 $0x0  }
0x16: {  	s3 =	sld [smem:$0x3FDB];
	s0 =	simm.s32 @p2 $0x1  }
0x17: {  	s4 =	simm.s32 $0x1BF5;
	[smem:$0x3FBC] =	sst s0  }
0x18: {  	s0 =	sld [smem:$0x3F9F];
	_ =	swait.ge [sflag:s4], $0x0  }
0x19: {  	s7 =	sld [smem:$0x3FA0]  }
0x1a: {  	s8 =	sadd.s32 $0xFFFFE003, lr  }
0x1b: {  	s9 =	sadd.s32 $0xFFFFFEF7, lr;
	s5 =	simm.s32 $0xFFFFFFFF;
	p2 =	slt.u32 s8, $0xFFFFF086  }
0x1c: {  	p1 =	slt.u32 s9, $0xF7A;
	s5 =	simm.s32 @!p2 $0x0  }
0x1d: {  	s5 =	simm.s32 @p1 $0x1;
	p0 =	seq.s32 s7, s2  }
0x1e: {  	s7 =	smul.u32 @!p0 $0xF7A, s2;
	p2 =	seq.s32 @!p0 s5, $0x0  }
0x1f: {  	s9 =	smul.u32 $0xF7A, s1;
	s8 =	simm.s32 @!p0 $0x1BF5;
	p2 =	por !p2, p0  }
0x20: {  	[sflag:s8] =	ssyncset.s32 @!p0 $0xFFFFF086;
	s6 =	sadd.s32 @!p0 s3, s7;
	s7 =	simm.s32 @!p0 $0x108  }
0x21: {  	s3 =	sadd.s32 s3, s9;
	s6 =	sadd.s32 @!p0 $0x88, s6;
	s7 =	simm.s32 @p2 $0x1082  }
0x22: {  	[simem:s7], [sflag:s8] =	dma.local @!p0 [hbm:s6], $0xF7A  }
0x23: {  	s9 =	sor.u32 $0xD0000000, s2;
	s6 =	simm.s32 $0x108;
	_ =	swait.ge @!p0 [sflag:s8], $0x0  }
0x24: {  	s3 =	sadd.s32 $0x88, s3;
	s6 =	simm.s32 @!p1 $0x1082;
	[sflag:s4] =	ssyncset.s32 $0xFFFFF086  }
0x25: {  	[simem:s6], [sflag:s4] =	dma.local [hbm:s3], $0xF7A  }
0x26: {  	[smem:$0x3FA0] =	sst s1;
	(tag) =	ssettag s2;
	_ =	strace s9  }
0x27: {  	s1 =	sld [smem:$0x3FB0]  }
0x28: {  	s2 =	sld [smem:$0x3FB1]  }
0x29: {  	s4 =	sld [smem:$0x3FB3]  }
0x2a: {  	p0 =	seq.s32 s5, $0x0;
	s5 =	sld [smem:$0x3FB4]  }
0x2b: {  	s6 =	sld [smem:$0x3FB5]  }
0x2c: {  	s7 =	sld [smem:$0x3FB6]  }
0x2d: {  	s3 =	simm.s32 $0x108;
	s8 =	sld [smem:$0x3FB7]  }
0x2e: {  	s3 =	simm.s32 @!p0 $0x1082;
	s9 =	sld [smem:$0x3FB8]  }
0x2f: {  	lr =	sadd.s32 s0, s3;
	s0 =	sld [smem:$0x3FAF]  }
0x30: {  	s3 =	sld [smem:$0x3FB2]  }
0x31: {  	[smem:$0x3FBB] =	sst s10  }
0x32: {  	s10 =	sld [smem:$0x3FB9];
	_ =	sdelay $0x3  }
0x33: {  	p0 =	seq.s32 s10, $0x1;
	s10 =	sld [smem:$0x3FBB];
	_ =	sdelay $0x3  }
0x34: {  	[smem:$0x3FBB] =	sst s10  }
0x35: {  	s10 =	sld [smem:$0x3FBA];
	_ =	sdelay $0x3  }
0x36: {  	p1 =	seq.s32 s10, $0x1;
	s10 =	sld [smem:$0x3FBB];
	_ =	sdelay $0x3  }
0x37: {  	[smem:$0x3FBB] =	sst s10  }
0x38: {  	s10 =	sld [smem:$0x3FBC]  }
0x39: {  	_ = 	snop;
	(pc) =	sbr.ind lr, $3  }
0x3a: {  	_ = 	snop  }
0x3b: {  	_ = 	snop  }
0x3c: {  	p2 =	seq.s32 s10, $0x1;
	s10 =	sld [smem:$0x3FBB]  }
0x3d: {  	_ =	shalt  }
0x3e: {  	_ =	shalt  }
0x3f: {  	_ =	shalt  }
0x40: {  	_ =	shalt  }
0x41: {  	_ =	shalt  }
0x42: {  	_ =	shalt  }
0x43: {  	_ =	shalt  }
0x44: {  	_ =	shalt  }
0x45: {  	_ =	shalt  }
0x46: {  	_ =	shalt  }
0x47: {  	_ =	shalt  }
0x48: {  	_ =	shalt  }
0x49: {  	_ =	shalt  }
0x4a: {  	_ =	shalt  }
0x4b: {  	_ =	shalt  }
0x4c: {  	_ =	shalt  }
0x4d: {  	_ =	shalt  }
0x4e: {  	_ =	shalt  }
0x4f: {  	_ =	shalt  }
0x50: {  	_ =	shalt  }
0x51: {  	_ =	shalt  }
0x52: {  	_ =	shalt  }
0x53: {  	_ =	shalt  }
0x54: {  	_ =	shalt  }
0x55: {  	_ =	shalt  }
0x56: {  	_ =	shalt  }
0x57: {  	_ =	shalt  }
0x58: {  	_ =	shalt  }
0x59: {  	_ =	shalt  }
0x5a: {  	_ =	shalt  }
0x5b: {  	_ =	shalt  }
0x5c: {  	_ =	shalt  }
0x5d: {  	_ =	shalt  }
0x5e: {  	_ =	shalt  }
0x5f: {  	_ =	shalt  }
0x60: {  	_ =	shalt  }
0x61: {  	_ =	shalt  }
0x62: {  	_ =	shalt  }
0x63: {  	_ =	shalt  }
0x64: {  	_ =	shalt  }
0x65: {  	_ =	shalt  }
0x66: {  	_ =	shalt  }
0x67: {  	_ =	shalt  }
0x68: {  	_ =	shalt  }
0x69: {  	_ =	shalt  }
0x6a: {  	_ =	shalt  }
0x6b: {  	_ =	shalt  }
0x6c: {  	_ =	shalt  }
0x6d: {  	_ =	shalt  }
0x6e: {  	_ =	shalt  }
0x6f: {  	_ =	shalt  }
0x70: {  	_ =	shalt  }
0x71: {  	_ =	shalt  }
0x72: {  	_ =	shalt  }
0x73: {  	_ =	shalt  }
0x74: {  	_ =	shalt  }
0x75: {  	_ =	shalt  }
0x76: {  	_ =	shalt  }
0x77: {  	_ =	shalt  }
0x78: {  	_ =	shalt  }
0x79: {  	_ =	shalt  }
0x7a: {  	_ =	shalt  }
0x7b: {  	_ =	shalt  }
0x7c: {  	_ =	shalt  }
0x7d: {  	_ =	shalt  }
0x7e: {  	_ =	shalt  }
0x7f: {  	_ =	shalt  }
0x80: {  	_ =	shalt  }
0x81: {  	_ =	shalt  }
0x82: {  	_ =	shalt  }
0x83: {  	_ =	shalt  }
0x84: {  	_ =	shalt  }
0x85: {  	_ =	shalt  }
0x86: {  	_ =	shalt  }
0x87: {  	_ =	shalt  }
.Lfunc_end0:
.L_simem_size_0:
called_computation_lowered:
.L_overlay_start_0:
0x88: {  	s2 =	sld [smem:$0x3FD9]  }
0x89: {  	s3 =	sld [smem:$0x3FFE];
	_ =	sdelay $0x1  }
0x8a: {  	s1 =	srdreg.scid  }
0x8b: {  	s0 =	sand.u32 $0x1, s1  }
0x8c: {  	s18 =	sshll.u32 s0, $0xA;
	s2 =	sadd.s32 s3, s2  }
0x8d: {  	s2 =	sadd.s32 s2, s18  }
0x8e: {  	[smem:$0x3FC7] =	sst s2  }
0x8f: {  	_ = 	snop  }
0x90: {  	s2 =	sld [smem:$0x3FC9]  }
0x91: {  	s19 =	sld [smem:$0x3FD0];
	(tm) =	ssettm $0x1  }
0x92: {  	s4 =	sld [smem:$0x3FFB];
	_ =	sdelay $0x3  }
0x93: {  	_ =	strace s4  }
0x94: {  	s4 =	sld [smem:$0x3FFC];
	_ =	sdelay $0x3  }
0x95: {  	_ =	strace s4  }
0x96: {  	s4 =	sld [smem:$0x3FFD];
	_ =	sdelay $0x3  }
0x97: {  	_ =	strace s4  }
0x98: {  	_ =	strace $0x8FFFFFFF  }
0x99: {  	s20 =	sld [smem:$0x3FDB];
	_ =	sdelay $0x1  }
0x9a: {  	s5 =	simm.s32 $_scs_section_size  }
0x9b: {  	s6 =	simm.s32 $_size__tile_overlayer_lowered;
	s7 =	simm.s32 $_tile_overlayer_lowered  }
0x9c: {  	s23 =	simm.s32 $0x1BFF;
	s22 =	sshll.u32 s7, $0x1;
	s4 =	sadd.s32 s5, s20  }
0x9d: {  	s8 =	simm.s32 $0x0;
	s21 =	sshll.u32 s6, $0x1;
	s6 =	sadd.s32 s22, s4  }
0x9e: {  	[timem:s8], [sflag:s23] =	dma.local [hbm:s6], s21  }
0x9f: {  	_ =	swait.ge [sflag:s23], s21  }
0xa0: {  	s5 =	ssub.s32 $0x0, s21;
	[sflag:s23] =	ssyncset.done $0x0  }
0xa1: {  	[sflag:s23] =	ssyncadd.s32 s5;
	_ =	sdelay $0x1  }
0xa2: {  	s24 =	simm.s32 $0x1B8B  }
0xa3: {  	_ =	swait.ge [sflag:s24], $0x1  }
0xa4: {  	[sflag:s24] =	ssyncset.done $0x0  }
0xa5: {  	s25 =	simm.s32 $0x1B8E;
	[sflag:s24] =	ssyncadd.s32 $0xFFFFFFFF  }
0xa6: {  	s26 =	simm.s32 $execute0_lowered;
	[smem:$0x3FD2] =	sst s25  }
0xa7: {  	s5 =	sshll.u32 s26, $0x1;
	_ =	strace $0x80000046;
	[dreg:$0x1] =	wrdreg $0xFFFFFFFF  }
0xa8: {  	s28 =	simm.s32 $_size_execute0_lowered;
	s4 =	sadd.s32 s4, s5;
	[dreg:$0x0] =	wrdreg $0x0  }
0xa9: {  	s5 =	sshll.u32 s28, $0x1;
	[dreg:$0x2] =	wrdreg s4  }
0xaa: {  	[dreg:$0x3] =	wrdreg s5  }
0xab: {  	[dreg:$0x4] =	wrdreg $0xC0  }
0xac: {  	_ =	task [dreg:s8], $0x5FFFF  }
0xad: {  	[dreg:$0x1] =	wrdreg $0xFFFFFFFF  }
0xae: {  	[dreg:$0x0] =	wrdreg $0x60  }
0xaf: {  	[dreg:$0x2] =	wrdreg s2  }
0xb0: {  	[dreg:$0x3] =	wrdreg s19  }
0xb1: {  	[dreg:$0x4] =	wrdreg $0x9  }
0xb2: {  	_ =	task.clear_ibuf [dreg:s8], $0x5FFFF;
	_ =	strace $0x90000046  }
0xb3: {  	s29 =	simm.s32 $0x9;
	_ =	strace $0x80000048  }
0xb4: {  	_ =	swait.ge [sflag:s29], $0x1  }
0xb5: {  	[sflag:s29] =	ssyncadd.s32 $0xFFFFFFFF  }
0xb6: {  	_ =	strace $0x90000048  }
0xb7: {  	_ =	sfence  }
0xb8: {  	s30 =	sld [smem:$0x0];
	_ =	sdelay $0x2  }
0xb9: {  	s31 =	sshll.u32 s1, $0xD;
	s1 =	sshrl.u32 s1, $0x2  }
0xba: {  	s3 =	sand.u32 $0x4000, s31;
	s1 =	sadd.s32 s1, s30  }
0xbb: {  	s0 =	sor.u32 s3, s0;
	s1 =	sshll.u32 s1, $0x11  }
0xbc: {  	s0 =	sor.u32 s1, s0  }
0xbd: {  	s0 =	sadd.s32 $0x8F2B, s0  }
0xbe: {  	[sflag:s0] =	ssyncadd.remote.s32 $0x1  }
0xbf: {  	_ =	sfence.sel $0xFFFF  }
0xc0: {  	[dreg:$0x0] =	wrdreg $0xFFFFFFFF;
	(pc) =	sbr.abs _section_cstart, $3  }
0xc1: {  	[dreg:$0x1] =	wrdreg $0xFFFFFFFF  }
0xc2: {  	_ =	task.clear_ibuf [dreg:s8], $0x2FFFF;
	_ =	strace $0x9FFFFFFF  }
0xc3: {  	(tm) =	ssettm $0x7FFFFFFF  }
tec
execute0_lowered:
.L_overlay_start_1:
0x0: {  	(tag) =	ssettag $0x1  }
0x1: {  	s3 =	rddreg [dreg:$0x0];
	s1 =	srdreg.scid  }
0x2: {  	s0 =	rddreg [dreg:$0x1];
	s4 =	stileid.u32;
	s1 =	sand.u32 $0x1, s1  }
0x3: {  	s2 =	simm.s32 $0x0;
	s4 =	sshll.u32 s4, $0x10;
	s5 =	sshll.u32 s1, $0xF  }
0x4: {  	[smem:$0x7FF] =	sst s2;
	s4 =	sor.u32 s5, s4  }
0x5: {  	_ =	strace $0x80000047;
	s5 =	sadd.s32 s3, s4;
	s6 =	sor.u32 $0x1000, s4  }
0x6: {  	s7 =	sor.u32 $0x2000, s4;
	[dreg:$0x3] =	wrdreg s5;
	s20 =	sadd.s32 s3, s6  }
0x7: {  	s31 =	sadd.s32 s0, s4;
	s21 =	sadd.s32 s3, s7;
	[dreg:$0x4] =	wrdreg s20  }
0x8: {  	s22 =	sadd.s32 $0x100000, s31;
	[dreg:$0x5] =	wrdreg s21  }
0x9: {  	p0 =	por $0x0, $0x0;
	s23 =	sadd.s32 $0x200000, s31;
	[dreg:$0x6] =	wrdreg s22  }
0xa: {  	s8 =	sor.u32 $0x3000, s4;
	s24 =	sadd.s32 $0x300000, s31;
	[dreg:$0x7] =	wrdreg s23  }
0xb: {  	s1 =	ssub.s32 $0x2, s1;
	s25 =	sadd.s32 s3, s8;
	[dreg:$0x8] =	wrdreg s24  }
0xc: {  	s12 =	sor.u32 $0x4000, s4;
	s26 =	sadd.s32 $0x101000, s31;
	[dreg:$0x9] =	wrdreg s25  }
0xd: {  	s18 =	sor.u32 $0x5000, s4;
	s9 =	sadd.s32 $0x201000, s31;
	[dreg:$0xa] =	wrdreg s26  }
0xe: {  	s10 =	sadd.s32 $0x301000, s31;
	s11 =	sadd.s32 s0, s6;
	[dreg:$0xb] =	wrdreg s9  }
0xf: {  	s13 =	sadd.s32 s3, s12;
	s14 =	sadd.s32 $0x202000, s31;
	[dreg:$0xc] =	wrdreg s10  }
0x10: {  	s15 =	sadd.s32 $0x302000, s31;
	s16 =	sadd.s32 s0, s7;
	[dreg:$0xd] =	wrdreg s11  }
0x11: {  	s17 =	sadd.s32 $0x102000, s31;
	s28 =	sadd.s32 s0, s8;
	[dreg:$0xe] =	wrdreg s13  }
0x12: {  	s29 =	sadd.s32 $0x103000, s31;
	s30 =	sadd.s32 $0x203000, s31;
	[dreg:$0xf] =	wrdreg s14  }
0x13: {  	s6 =	sadd.s32 $0x206000, s31;
	s7 =	sadd.s32 $0x306000, s31;
	[dreg:$0x10] =	wrdreg s15  }
0x14: {  	s5 =	sadd.s32 $0x307000, s31;
	s9 =	sshrl.u32 s1, $0x1;
	[dreg:$0x11] =	wrdreg s16  }
0x15: {  	[dreg:$0x12] =	wrdreg s17;
	s25 =	sadd.s32 s3, s18;
	s26 =	sadd.s32 $0x303000, s31  }
0x16: {  	s24 =	sor.u32 $0x6000, s4;
	s20 =	sadd.s32 s0, s12;
	s21 =	sadd.s32 $0x104000, s31  }
0x17: {  	s4 =	sor.u32 $0x7000, s4;
	s22 =	sadd.s32 $0x204000, s31;
	s1 =	ssub.s32 s1, s9  }
0x18: {  	s23 =	sadd.s32 $0x304000, s31;
	s14 =	sadd.s32 $0x105000, s31;
	s1 =	smax.u32 s1, $0x1  }
0x19: {  	s15 =	sadd.s32 $0x205000, s31;
	s16 =	sadd.s32 $0x305000, s31;
	p1 =	sne.s32 s1, $0x1  }
.Ltmp0:
0x1a: {  	s17 =	sadd.s32 s0, s18;
	s10 =	sadd.s32 $0x107000, s31;
	(pc) =	sbr.rel @!p1 .LBB2_5-.Ltmp0, $4  }
0x1b: {  	s11 =	sadd.s32 $0x207000, s31;
	s12 =	simm.s32 $0x8000;
	s18 =	simm.s32 $0x1  }
0x1c: {  	s19 =	sadd.s32 s3, s24;
	s13 =	sadd.s32 s3, s4;
	s8 =	sadd.s32 s0, s24  }
0x1d: {  	s9 =	sadd.s32 $0x106000, s31;
	s4 =	sadd.s32 s0, s4;
	s24 =	simm.s32 $0x10000  }
0x1e: {  	s3 =	simm.s32 $0x2;
	s0 =	sadd.s32 $0xFFFFFFFF, s1;
	s1 =	rddreg [dreg:$0x3]  }
0x1f: {  	[dreg:$0x14] =	wrdreg s0  }
0x20: {  	[tilespmem:s2], [sflag:$0x1] =	stream.linear.gather [hbm4b:s1+s2], $0x8000, $0x38;
	[tilespmem:$0x18000] =	vst v63  }
0x21: {  	s0 =	rddreg [dreg:$0x4]  }
0x22: {  	[tilespmem:s12], [sflag:$0x1] =	stream.linear.gather [hbm4b:s0+s2], $0x8000, $0x38;
	[tilespmem:$0x18000] =	vst v63  }
0x23: {  	_ =	swait.ge [sflag:s18], $0x8000  }
0x24: {  	[sflag:s18] =	ssyncset.done $0x0  }
0x25: {  	s1 =	rddreg [dreg:$0x5];
	[sflag:s18] =	ssyncadd.s32 $0xFFFF8000  }
0x26: {  	[tilespmem:s24], [sflag:$0x1] =	stream.linear.gather [hbm4b:s1+s2], $0x8000, $0x38;
	[tilespmem:$0x18000] =	vst v63  }
0x27: {  	_ = 	snop  }
0x28: {  	[hbm4b:s31+s2] =	stream.linear.scatter [tilespmem:s2], [sflag:$0x2], $0x8000, $0x38;
	[tilespmem:$0x18000] =	vst v63  }
0x29: {  	s0 =	rddreg [dreg:$0x6]  }
0x2a: {  	[hbm4b:s0+s2] =	stream.linear.scatter [tilespmem:s2], [sflag:$0x2], $0x8000, $0x38;
	[tilespmem:$0x18000] =	vst v63  }
0x2b: {  	s1 =	rddreg [dreg:$0x7]  }
0x2c: {  	[hbm4b:s1+s2] =	stream.linear.scatter [tilespmem:s2], [sflag:$0x2], $0x8000, $0x38;
	[tilespmem:$0x18000] =	vst v63  }
0x2d: {  	s0 =	rddreg [dreg:$0x8]  }
0x2e: {  	[hbm4b:s0+s2] =	stream.linear.scatter [tilespmem:s2], [sflag:$0x2], $0x8000, $0x38;
	[tilespmem:$0x18000] =	vst v63  }
0x2f: {  	_ =	swait.ge [sflag:s18], $0x8000  }
0x30: {  	[sflag:s18] =	ssyncset.done $0x0  }
0x31: {  	[sflag:s18] =	ssyncadd.s32 $0xFFFF8000  }
0x32: {  	_ =	swait.ge [sflag:s3], $0x8000  }
0x33: {  	[sflag:s3] =	ssyncset.done $0x0  }
0x34: {  	[sflag:s3] =	ssyncadd.s32 $0xFFFF8000  }
0x35: {  	_ =	swait.ge [sflag:s3], $0x8000  }
0x36: {  	[sflag:s3] =	ssyncset.done $0x0  }
0x37: {  	[sflag:s3] =	ssyncadd.s32 $0xFFFF8000  }
0x38: {  	_ =	swait.ge [sflag:s3], $0x8000  }
0x39: {  	[sflag:s3] =	ssyncset.done $0x0  }
0x3a: {  	[sflag:s3] =	ssyncadd.s32 $0xFFFF8000  }
0x3b: {  	_ =	swait.ge [sflag:s3], $0x8000  }
0x3c: {  	[sflag:s3] =	ssyncset.done $0x0  }
0x3d: {  	s0 =	rddreg [dreg:$0x9];
	[sflag:s3] =	ssyncadd.s32 $0xFFFF8000  }
0x3e: {  	[tilespmem:s2], [sflag:$0x1] =	stream.linear.gather [hbm4b:s0+s2], $0x8000, $0x38;
	[tilespmem:$0x18000] =	vst v63  }
0x3f: {  	s1 =	rddreg [dreg:$0xa]  }
0x40: {  	[hbm4b:s1+s2] =	stream.linear.scatter [tilespmem:s12], [sflag:$0x2], $0x8000, $0x38;
	[tilespmem:$0x18000] =	vst v63  }
0x41: {  	s0 =	rddreg [dreg:$0xb]  }
0x42: {  	[hbm4b:s0+s2] =	stream.linear.scatter [tilespmem:s12], [sflag:$0x2], $0x8000, $0x38;
	[tilespmem:$0x18000] =	vst v63  }
0x43: {  	s1 =	rddreg [dreg:$0xc]  }
0x44: {  	[hbm4b:s1+s2] =	stream.linear.scatter [tilespmem:s12], [sflag:$0x2], $0x8000, $0x38;
	[tilespmem:$0x18000] =	vst v63  }
0x45: {  	s0 =	rddreg [dreg:$0xd]  }
0x46: {  	[hbm4b:s0+s2] =	stream.linear.scatter [tilespmem:s12], [sflag:$0x2], $0x8000, $0x38;
	[tilespmem:$0x18000] =	vst v63  }
0x47: {  	_ =	swait.ge [sflag:s18], $0x8000  }
0x48: {  	[sflag:s18] =	ssyncset.done $0x0  }
0x49: {  	[sflag:s18] =	ssyncadd.s32 $0xFFFF8000  }
0x4a: {  	_ =	swait.ge [sflag:s3], $0x8000  }
0x4b: {  	[sflag:s3] =	ssyncset.done $0x0  }
0x4c: {  	[sflag:s3] =	ssyncadd.s32 $0xFFFF8000  }
0x4d: {  	_ =	swait.ge [sflag:s3], $0x8000  }
0x4e: {  	[sflag:s3] =	ssyncset.done $0x0  }
0x4f: {  	[sflag:s3] =	ssyncadd.s32 $0xFFFF8000  }
0x50: {  	_ =	swait.ge [sflag:s3], $0x8000  }
0x51: {  	[sflag:s3] =	ssyncset.done $0x0  }
0x52: {  	[sflag:s3] =	ssyncadd.s32 $0xFFFF8000  }
0x53: {  	_ =	swait.ge [sflag:s3], $0x8000  }
0x54: {  	[sflag:s3] =	ssyncset.done $0x0  }
0x55: {  	s0 =	rddreg [dreg:$0xe];
	[sflag:s3] =	ssyncadd.s32 $0xFFFF8000  }
0x56: {  	[tilespmem:s12], [sflag:$0x1] =	stream.linear.gather [hbm4b:s0+s2], $0x8000, $0x38;
	[tilespmem:$0x18000] =	vst v63  }
0x57: {  	s1 =	rddreg [dreg:$0xf]  }
0x58: {  	[hbm4b:s1+s2] =	stream.linear.scatter [tilespmem:s24], [sflag:$0x2], $0x8000, $0x38;
	[tilespmem:$0x18000] =	vst v63  }
0x59: {  	s0 =	rddreg [dreg:$0x10]  }
0x5a: {  	[hbm4b:s0+s2] =	stream.linear.scatter [tilespmem:s24], [sflag:$0x2], $0x8000, $0x38;
	[tilespmem:$0x18000] =	vst v63  }
0x5b: {  	s1 =	rddreg [dreg:$0x11]  }
0x5c: {  	[hbm4b:s1+s2] =	stream.linear.scatter [tilespmem:s24], [sflag:$0x2], $0x8000, $0x38;
	[tilespmem:$0x18000] =	vst v63  }
0x5d: {  	s0 =	rddreg [dreg:$0x12]  }
0x5e: {  	[hbm4b:s0+s2] =	stream.linear.scatter [tilespmem:s24], [sflag:$0x2], $0x8000, $0x38;
	[tilespmem:$0x18000] =	vst v63  }
0x5f: {  	_ =	swait.ge [sflag:s18], $0x8000  }
0x60: {  	[sflag:s18] =	ssyncset.done $0x0  }
0x61: {  	[sflag:s18] =	ssyncadd.s32 $0xFFFF8000  }
0x62: {  	_ =	swait.ge [sflag:s3], $0x8000  }
0x63: {  	[sflag:s3] =	ssyncset.done $0x0  }
0x64: {  	[sflag:s3] =	ssyncadd.s32 $0xFFFF8000  }
0x65: {  	_ =	swait.ge [sflag:s3], $0x8000  }
0x66: {  	[sflag:s3] =	ssyncset.done $0x0  }
0x67: {  	[sflag:s3] =	ssyncadd.s32 $0xFFFF8000  }
0x68: {  	_ =	swait.ge [sflag:s3], $0x8000  }
0x69: {  	[sflag:s3] =	ssyncset.done $0x0  }
0x6a: {  	[sflag:s3] =	ssyncadd.s32 $0xFFFF8000  }
0x6b: {  	_ =	swait.ge [sflag:s3], $0x8000  }
0x6c: {  	[sflag:s3] =	ssyncset.done $0x0  }
0x6d: {  	[sflag:s3] =	ssyncadd.s32 $0xFFFF8000  }
0x6e: {  	[tilespmem:s24], [sflag:$0x1] =	stream.linear.gather [hbm4b:s25+s2], $0x8000, $0x38;
	[tilespmem:$0x18000] =	vst v63  }
0x6f: {  	_ = 	snop  }
0x70: {  	[hbm4b:s26+s2] =	stream.linear.scatter [tilespmem:s2], [sflag:$0x2], $0x8000, $0x38;
	[tilespmem:$0x18000] =	vst v63  }
0x71: {  	_ = 	snop  }
0x72: {  	[hbm4b:s28+s2] =	stream.linear.scatter [tilespmem:s2], [sflag:$0x2], $0x8000, $0x38;
	[tilespmem:$0x18000] =	vst v63  }
0x73: {  	_ = 	snop  }
0x74: {  	[hbm4b:s29+s2] =	stream.linear.scatter [tilespmem:s2], [sflag:$0x2], $0x8000, $0x38;
	[tilespmem:$0x18000] =	vst v63  }
0x75: {  	_ = 	snop  }
0x76: {  	[hbm4b:s30+s2] =	stream.linear.scatter [tilespmem:s2], [sflag:$0x2], $0x8000, $0x38;
	[tilespmem:$0x18000] =	vst v63  }
0x77: {  	_ =	swait.ge [sflag:s18], $0x8000  }
0x78: {  	[sflag:s18] =	ssyncset.done $0x0  }
0x79: {  	[sflag:s18] =	ssyncadd.s32 $0xFFFF8000  }
0x7a: {  	_ =	swait.ge [sflag:s3], $0x8000  }
0x7b: {  	[sflag:s3] =	ssyncset.done $0x0  }
0x7c: {  	[sflag:s3] =	ssyncadd.s32 $0xFFFF8000  }
0x7d: {  	_ =	swait.ge [sflag:s3], $0x8000  }
0x7e: {  	[sflag:s3] =	ssyncset.done $0x0  }
0x7f: {  	[sflag:s3] =	ssyncadd.s32 $0xFFFF8000  }
0x80: {  	_ =	swait.ge [sflag:s3], $0x8000  }
0x81: {  	[sflag:s3] =	ssyncset.done $0x0  }
0x82: {  	[sflag:s3] =	ssyncadd.s32 $0xFFFF8000  }
0x83: {  	_ =	swait.ge [sflag:s3], $0x8000  }
0x84: {  	[sflag:s3] =	ssyncset.done $0x0  }
0x85: {  	[sflag:s3] =	ssyncadd.s32 $0xFFFF8000  }
0x86: {  	[tilespmem:s2], [sflag:$0x1] =	stream.linear.gather [hbm4b:s19+s2], $0x8000, $0x38;
	[tilespmem:$0x18000] =	vst v63  }
0x87: {  	_ = 	snop  }
0x88: {  	[hbm4b:s20+s2] =	stream.linear.scatter [tilespmem:s12], [sflag:$0x2], $0x8000, $0x38;
	[tilespmem:$0x18000] =	vst v63  }
0x89: {  	_ = 	snop  }
0x8a: {  	[hbm4b:s21+s2] =	stream.linear.scatter [tilespmem:s12], [sflag:$0x2], $0x8000, $0x38;
	[tilespmem:$0x18000] =	vst v63  }
0x8b: {  	_ = 	snop  }
0x8c: {  	[hbm4b:s22+s2] =	stream.linear.scatter [tilespmem:s12], [sflag:$0x2], $0x8000, $0x38;
	[tilespmem:$0x18000] =	vst v63  }
0x8d: {  	_ = 	snop  }
0x8e: {  	[hbm4b:s23+s2] =	stream.linear.scatter [tilespmem:s12], [sflag:$0x2], $0x8000, $0x38;
	[tilespmem:$0x18000] =	vst v63  }
0x8f: {  	_ =	swait.ge [sflag:s18], $0x8000  }
0x90: {  	[sflag:s18] =	ssyncset.done $0x0  }
0x91: {  	[sflag:s18] =	ssyncadd.s32 $0xFFFF8000  }
0x92: {  	_ =	swait.ge [sflag:s3], $0x8000  }
0x93: {  	[sflag:s3] =	ssyncset.done $0x0  }
0x94: {  	[sflag:s3] =	ssyncadd.s32 $0xFFFF8000  }
0x95: {  	_ =	swait.ge [sflag:s3], $0x8000  }
0x96: {  	[sflag:s3] =	ssyncset.done $0x0  }
0x97: {  	[sflag:s3] =	ssyncadd.s32 $0xFFFF8000  }
0x98: {  	_ =	swait.ge [sflag:s3], $0x8000  }
0x99: {  	[sflag:s3] =	ssyncset.done $0x0  }
0x9a: {  	[sflag:s3] =	ssyncadd.s32 $0xFFFF8000  }
0x9b: {  	_ =	swait.ge [sflag:s3], $0x8000  }
0x9c: {  	[sflag:s3] =	ssyncset.done $0x0  }
0x9d: {  	[sflag:s3] =	ssyncadd.s32 $0xFFFF8000  }
0x9e: {  	[tilespmem:s12], [sflag:$0x1] =	stream.linear.gather [hbm4b:s13+s2], $0x8000, $0x38;
	[tilespmem:$0x18000] =	vst v63  }
0x9f: {  	_ = 	snop  }
0xa0: {  	[hbm4b:s14+s2] =	stream.linear.scatter [tilespmem:s24], [sflag:$0x2], $0x8000, $0x38;
	[tilespmem:$0x18000] =	vst v63  }
0xa1: {  	_ = 	snop  }
0xa2: {  	[hbm4b:s15+s2] =	stream.linear.scatter [tilespmem:s24], [sflag:$0x2], $0x8000, $0x38;
	[tilespmem:$0x18000] =	vst v63  }
0xa3: {  	_ = 	snop  }
0xa4: {  	[hbm4b:s16+s2] =	stream.linear.scatter [tilespmem:s24], [sflag:$0x2], $0x8000, $0x38;
	[tilespmem:$0x18000] =	vst v63  }
0xa5: {  	_ = 	snop  }
0xa6: {  	[hbm4b:s17+s2] =	stream.linear.scatter [tilespmem:s24], [sflag:$0x2], $0x8000, $0x38;
	[tilespmem:$0x18000] =	vst v63  }
0xa7: {  	_ =	swait.ge [sflag:s18], $0x8000  }
0xa8: {  	[sflag:s18] =	ssyncset.done $0x0  }
0xa9: {  	[sflag:s18] =	ssyncadd.s32 $0xFFFF8000  }
0xaa: {  	[hbm4b:s6+s2] =	stream.linear.scatter [tilespmem:s2], [sflag:$0x2], $0x8000, $0x38;
	[tilespmem:$0x18000] =	vst v63  }
0xab: {  	_ = 	snop  }
0xac: {  	[hbm4b:s7+s2] =	stream.linear.scatter [tilespmem:s2], [sflag:$0x2], $0x8000, $0x38;
	[tilespmem:$0x18000] =	vst v63  }
0xad: {  	_ = 	snop  }
0xae: {  	[hbm4b:s8+s2] =	stream.linear.scatter [tilespmem:s2], [sflag:$0x2], $0x8000, $0x38;
	[tilespmem:$0x18000] =	vst v63  }
0xaf: {  	_ = 	snop  }
0xb0: {  	[hbm4b:s9+s2] =	stream.linear.scatter [tilespmem:s2], [sflag:$0x2], $0x8000, $0x38;
	[tilespmem:$0x18000] =	vst v63  }
0xb1: {  	_ =	swait.ge [sflag:s18], $0x8000  }
0xb2: {  	[sflag:s18] =	ssyncset.done $0x0  }
0xb3: {  	[sflag:s18] =	ssyncadd.s32 $0xFFFF8000  }
0xb4: {  	[hbm4b:s5+s2] =	stream.linear.scatter [tilespmem:s12], [sflag:$0x2], $0x8000, $0x38;
	[tilespmem:$0x18000] =	vst v63  }
0xb5: {  	_ = 	snop  }
0xb6: {  	[hbm4b:s4+s2] =	stream.linear.scatter [tilespmem:s12], [sflag:$0x2], $0x8000, $0x38;
	[tilespmem:$0x18000] =	vst v63  }
0xb7: {  	_ = 	snop  }
0xb8: {  	[hbm4b:s10+s2] =	stream.linear.scatter [tilespmem:s12], [sflag:$0x2], $0x8000, $0x38;
	[tilespmem:$0x18000] =	vst v63  }
0xb9: {  	_ = 	snop  }
0xba: {  	[hbm4b:s11+s2] =	stream.linear.scatter [tilespmem:s12], [sflag:$0x2], $0x8000, $0x38;
	[tilespmem:$0x18000] =	vst v63  }
0xbb: {  	_ =	swait.ge [sflag:s3], $0x8000  }
0xbc: {  	[sflag:s3] =	ssyncset.done $0x0  }
0xbd: {  	[sflag:s3] =	ssyncadd.s32 $0xFFFF8000  }
0xbe: {  	_ =	swait.ge [sflag:s3], $0x8000  }
0xbf: {  	[sflag:s3] =	ssyncset.done $0x0  }
0xc0: {  	[sflag:s3] =	ssyncadd.s32 $0xFFFF8000  }
0xc1: {  	_ =	swait.ge [sflag:s3], $0x8000  }
0xc2: {  	[sflag:s3] =	ssyncset.done $0x0  }
0xc3: {  	[sflag:s3] =	ssyncadd.s32 $0xFFFF8000  }
0xc4: {  	_ =	swait.ge [sflag:s3], $0x8000  }
0xc5: {  	[sflag:s3] =	ssyncset.done $0x0  }
0xc6: {  	[sflag:s3] =	ssyncadd.s32 $0xFFFF8000  }
0xc7: {  	_ =	swait.ge [sflag:s3], $0x8000  }
0xc8: {  	[sflag:s3] =	ssyncset.done $0x0  }
0xc9: {  	[sflag:s3] =	ssyncadd.s32 $0xFFFF8000  }
0xca: {  	_ =	swait.ge [sflag:s3], $0x8000  }
0xcb: {  	[sflag:s3] =	ssyncset.done $0x0  }
0xcc: {  	[sflag:s3] =	ssyncadd.s32 $0xFFFF8000  }
0xcd: {  	_ =	swait.ge [sflag:s3], $0x8000  }
0xce: {  	s1 =	rddreg [dreg:$0x14]  }
0xcf: {  	p1 =	sne.s32 s1, $0x1  }
.Ltmp1:
0xd0: {  	_ = 	snop;
	(pc) =	sbr.rel @!p1 .LBB2_2-.Ltmp1, $4  }
0xd1: {  	[sflag:s3] =	ssyncset.done $0x0  }
0xd2: {  	[sflag:s3] =	ssyncadd.s32 $0xFFFF8000  }
0xd3: {  	p0 =	por $0x1, $0x1;
	_ =	swait.ge [sflag:s3], $0x8000;
	[dreg:$0x13] =	wrdreg s31  }
0xd4: {  	s0 =	sadd.s32 $0xFFFFFFFF, s1;
	s1 =	rddreg [dreg:$0x3];
	[sflag:s3] =	ssyncset.done $0x0  }
.LBB2_3:
0xd5: {  	[sflag:s3] =	ssyncadd.s32 $0xFFFF8000  }
0xd6: {  	s31 =	smov.u32 s30;
	s30 =	smov.u32 s29;
	s29 =	smov.u32 s28  }
0xd7: {  	s28 =	smov.u32 s26;
	s26 =	smov.u32 s25;
	s25 =	smov.u32 s23  }
0xd8: {  	s23 =	smov.u32 s22;
	s22 =	smov.u32 s21;
	s21 =	smov.u32 s20  }
0xd9: {  	s20 =	smov.u32 s19;
	s19 =	smov.u32 s17;
	s17 =	smov.u32 s16  }
0xda: {  	s16 =	smov.u32 s15;
	s15 =	smov.u32 s14;
	s14 =	smov.u32 s13  }
0xdb: {  	s13 =	smov.u32 s11;
	s11 =	smov.u32 s10;
	s10 =	smov.u32 s9  }
0xdc: {  	s9 =	smov.u32 s8;
	s8 =	smov.u32 s7;
	s7 =	smov.u32 s6  }
0xdd: {  	[tilespmem:s2], [sflag:$0x1] =	stream.linear.gather [hbm4b:s1+s2], $0x8000, $0x38;
	[tilespmem:$0x18000] =	vst v63  }
0xde: {  	s6 =	smov.u32 s5;
	s5 =	smov.u32 s4;
	s4 =	rddreg [dreg:$0x4]  }
0xdf: {  	[tilespmem:s12], [sflag:$0x1] =	stream.linear.gather [hbm4b:s4+s2], $0x8000, $0x38;
	[tilespmem:$0x18000] =	vst v63  }
0xe0: {  	_ =	swait.ge [sflag:s18], $0x8000  }
0xe1: {  	[sflag:s18] =	ssyncset.done $0x0  }
0xe2: {  	s4 =	rddreg [dreg:$0x5];
	[sflag:s18] =	ssyncadd.s32 $0xFFFF8000  }
0xe3: {  	[tilespmem:s24], [sflag:$0x1] =	stream.linear.gather [hbm4b:s4+s2], $0x8000, $0x38;
	[tilespmem:$0x18000] =	vst v63  }
0xe4: {  	s4 =	rddreg [dreg:$0x13]  }
0xe5: {  	[hbm4b:s4+s2] =	stream.linear.scatter [tilespmem:s2], [sflag:$0x2], $0x8000, $0x38;
	[tilespmem:$0x18000] =	vst v63  }
0xe6: {  	s1 =	rddreg [dreg:$0x6]  }
0xe7: {  	[hbm4b:s1+s2] =	stream.linear.scatter [tilespmem:s2], [sflag:$0x2], $0x8000, $0x38;
	[tilespmem:$0x18000] =	vst v63  }
0xe8: {  	s4 =	rddreg [dreg:$0x7]  }
0xe9: {  	[hbm4b:s4+s2] =	stream.linear.scatter [tilespmem:s2], [sflag:$0x2], $0x8000, $0x38;
	[tilespmem:$0x18000] =	vst v63  }
0xea: {  	s1 =	rddreg [dreg:$0x8]  }
0xeb: {  	[hbm4b:s1+s2] =	stream.linear.scatter [tilespmem:s2], [sflag:$0x2], $0x8000, $0x38;
	[tilespmem:$0x18000] =	vst v63  }
0xec: {  	_ =	swait.ge [sflag:s18], $0x8000  }
0xed: {  	[sflag:s18] =	ssyncset.done $0x0  }
0xee: {  	[sflag:s18] =	ssyncadd.s32 $0xFFFF8000  }
0xef: {  	_ =	swait.ge [sflag:s3], $0x8000  }
0xf0: {  	[sflag:s3] =	ssyncset.done $0x0  }
0xf1: {  	[sflag:s3] =	ssyncadd.s32 $0xFFFF8000  }
0xf2: {  	_ =	swait.ge [sflag:s3], $0x8000  }
0xf3: {  	[sflag:s3] =	ssyncset.done $0x0  }
0xf4: {  	[sflag:s3] =	ssyncadd.s32 $0xFFFF8000  }
0xf5: {  	_ =	swait.ge [sflag:s3], $0x8000  }
0xf6: {  	[sflag:s3] =	ssyncset.done $0x0  }
0xf7: {  	[sflag:s3] =	ssyncadd.s32 $0xFFFF8000  }
0xf8: {  	_ =	swait.ge [sflag:s3], $0x8000  }
0xf9: {  	[sflag:s3] =	ssyncset.done $0x0  }
0xfa: {  	s1 =	rddreg [dreg:$0x9];
	[sflag:s3] =	ssyncadd.s32 $0xFFFF8000  }
0xfb: {  	[tilespmem:s2], [sflag:$0x1] =	stream.linear.gather [hbm4b:s1+s2], $0x8000, $0x38;
	[tilespmem:$0x18000] =	vst v63  }
0xfc: {  	s4 =	rddreg [dreg:$0xa]  }
0xfd: {  	[hbm4b:s4+s2] =	stream.linear.scatter [tilespmem:s12], [sflag:$0x2], $0x8000, $0x38;
	[tilespmem:$0x18000] =	vst v63  }
0xfe: {  	s1 =	rddreg [dreg:$0xb]  }
0xff: {  	[hbm4b:s1+s2] =	stream.linear.scatter [tilespmem:s12], [sflag:$0x2], $0x8000, $0x38;
	[tilespmem:$0x18000] =	vst v63  }
0x100: {  	s4 =	rddreg [dreg:$0xc]  }
0x101: {  	[hbm4b:s4+s2] =	stream.linear.scatter [tilespmem:s12], [sflag:$0x2], $0x8000, $0x38;
	[tilespmem:$0x18000] =	vst v63  }
0x102: {  	s1 =	rddreg [dreg:$0xd]  }
0x103: {  	[hbm4b:s1+s2] =	stream.linear.scatter [tilespmem:s12], [sflag:$0x2], $0x8000, $0x38;
	[tilespmem:$0x18000] =	vst v63  }
0x104: {  	_ =	swait.ge [sflag:s18], $0x8000  }
0x105: {  	[sflag:s18] =	ssyncset.done $0x0  }
0x106: {  	[sflag:s18] =	ssyncadd.s32 $0xFFFF8000  }
0x107: {  	_ =	swait.ge [sflag:s3], $0x8000  }
0x108: {  	[sflag:s3] =	ssyncset.done $0x0  }
0x109: {  	[sflag:s3] =	ssyncadd.s32 $0xFFFF8000  }
0x10a: {  	_ =	swait.ge [sflag:s3], $0x8000  }
0x10b: {  	[sflag:s3] =	ssyncset.done $0x0  }
0x10c: {  	[sflag:s3] =	ssyncadd.s32 $0xFFFF8000  }
0x10d: {  	_ =	swait.ge [sflag:s3], $0x8000  }
0x10e: {  	[sflag:s3] =	ssyncset.done $0x0  }
0x10f: {  	[sflag:s3] =	ssyncadd.s32 $0xFFFF8000  }
0x110: {  	_ =	swait.ge [sflag:s3], $0x8000  }
0x111: {  	[sflag:s3] =	ssyncset.done $0x0  }
0x112: {  	s1 =	rddreg [dreg:$0xe];
	[sflag:s3] =	ssyncadd.s32 $0xFFFF8000  }
0x113: {  	[tilespmem:s12], [sflag:$0x1] =	stream.linear.gather [hbm4b:s1+s2], $0x8000, $0x38;
	[tilespmem:$0x18000] =	vst v63  }
0x114: {  	s4 =	rddreg [dreg:$0xf]  }
0x115: {  	[hbm4b:s4+s2] =	stream.linear.scatter [tilespmem:s24], [sflag:$0x2], $0x8000, $0x38;
	[tilespmem:$0x18000] =	vst v63  }
0x116: {  	s1 =	rddreg [dreg:$0x10]  }
0x117: {  	[hbm4b:s1+s2] =	stream.linear.scatter [tilespmem:s24], [sflag:$0x2], $0x8000, $0x38;
	[tilespmem:$0x18000] =	vst v63  }
0x118: {  	s4 =	rddreg [dreg:$0x11]  }
0x119: {  	[hbm4b:s4+s2] =	stream.linear.scatter [tilespmem:s24], [sflag:$0x2], $0x8000, $0x38;
	[tilespmem:$0x18000] =	vst v63  }
0x11a: {  	s1 =	rddreg [dreg:$0x12]  }
0x11b: {  	[hbm4b:s1+s2] =	stream.linear.scatter [tilespmem:s24], [sflag:$0x2], $0x8000, $0x38;
	[tilespmem:$0x18000] =	vst v63  }
0x11c: {  	_ =	swait.ge [sflag:s18], $0x8000  }
0x11d: {  	[sflag:s18] =	ssyncset.done $0x0  }
0x11e: {  	[sflag:s18] =	ssyncadd.s32 $0xFFFF8000  }
0x11f: {  	_ =	swait.ge [sflag:s3], $0x8000  }
0x120: {  	[sflag:s3] =	ssyncset.done $0x0  }
0x121: {  	s4 =	smov.u32 s5;
	[sflag:s3] =	ssyncadd.s32 $0xFFFF8000  }
0x122: {  	s5 =	smov.u32 s6;
	s6 =	smov.u32 s7;
	_ =	swait.ge [sflag:s3], $0x8000  }
0x123: {  	s7 =	smov.u32 s8;
	s8 =	smov.u32 s9;
	[sflag:s3] =	ssyncset.done $0x0  }
0x124: {  	s9 =	smov.u32 s10;
	s10 =	smov.u32 s11;
	[sflag:s3] =	ssyncadd.s32 $0xFFFF8000  }
0x125: {  	s11 =	smov.u32 s13;
	s13 =	smov.u32 s14;
	_ =	swait.ge [sflag:s3], $0x8000  }
0x126: {  	s14 =	smov.u32 s15;
	s15 =	smov.u32 s16;
	[sflag:s3] =	ssyncset.done $0x0  }
0x127: {  	s16 =	smov.u32 s17;
	s17 =	smov.u32 s19;
	[sflag:s3] =	ssyncadd.s32 $0xFFFF8000  }
0x128: {  	s19 =	smov.u32 s20;
	s20 =	smov.u32 s21;
	_ =	swait.ge [sflag:s3], $0x8000  }
0x129: {  	s21 =	smov.u32 s22;
	s22 =	smov.u32 s23;
	[sflag:s3] =	ssyncset.done $0x0  }
0x12a: {  	s23 =	smov.u32 s25;
	s25 =	smov.u32 s26;
	[sflag:s3] =	ssyncadd.s32 $0xFFFF8000  }
0x12b: {  	[tilespmem:s24], [sflag:$0x1] =	stream.linear.gather [hbm4b:s25+s2], $0x8000, $0x38;
	[tilespmem:$0x18000] =	vst v63  }
0x12c: {  	s26 =	smov.u32 s28  }
0x12d: {  	[hbm4b:s26+s2] =	stream.linear.scatter [tilespmem:s2], [sflag:$0x2], $0x8000, $0x38;
	[tilespmem:$0x18000] =	vst v63  }
0x12e: {  	s28 =	smov.u32 s29  }
0x12f: {  	[hbm4b:s28+s2] =	stream.linear.scatter [tilespmem:s2], [sflag:$0x2], $0x8000, $0x38;
	[tilespmem:$0x18000] =	vst v63  }
0x130: {  	s29 =	smov.u32 s30  }
0x131: {  	[hbm4b:s29+s2] =	stream.linear.scatter [tilespmem:s2], [sflag:$0x2], $0x8000, $0x38;
	[tilespmem:$0x18000] =	vst v63  }
0x132: {  	_ = 	snop  }
0x133: {  	[hbm4b:s31+s2] =	stream.linear.scatter [tilespmem:s2], [sflag:$0x2], $0x8000, $0x38;
	[tilespmem:$0x18000] =	vst v63  }
0x134: {  	_ =	swait.ge [sflag:s18], $0x8000  }
0x135: {  	[sflag:s18] =	ssyncset.done $0x0  }
0x136: {  	[sflag:s18] =	ssyncadd.s32 $0xFFFF8000  }
0x137: {  	_ =	swait.ge [sflag:s3], $0x8000  }
0x138: {  	[sflag:s3] =	ssyncset.done $0x0  }
0x139: {  	[sflag:s3] =	ssyncadd.s32 $0xFFFF8000  }
0x13a: {  	_ =	swait.ge [sflag:s3], $0x8000  }
0x13b: {  	[sflag:s3] =	ssyncset.done $0x0  }
0x13c: {  	[sflag:s3] =	ssyncadd.s32 $0xFFFF8000  }
0x13d: {  	_ =	swait.ge [sflag:s3], $0x8000  }
0x13e: {  	[sflag:s3] =	ssyncset.done $0x0  }
0x13f: {  	[sflag:s3] =	ssyncadd.s32 $0xFFFF8000  }
0x140: {  	_ =	swait.ge [sflag:s3], $0x8000  }
0x141: {  	[sflag:s3] =	ssyncset.done $0x0  }
0x142: {  	[sflag:s3] =	ssyncadd.s32 $0xFFFF8000  }
0x143: {  	[tilespmem:s2], [sflag:$0x1] =	stream.linear.gather [hbm4b:s19+s2], $0x8000, $0x38;
	[tilespmem:$0x18000] =	vst v63  }
0x144: {  	_ = 	snop  }
0x145: {  	[hbm4b:s20+s2] =	stream.linear.scatter [tilespmem:s12], [sflag:$0x2], $0x8000, $0x38;
	[tilespmem:$0x18000] =	vst v63  }
0x146: {  	_ = 	snop  }
0x147: {  	[hbm4b:s21+s2] =	stream.linear.scatter [tilespmem:s12], [sflag:$0x2], $0x8000, $0x38;
	[tilespmem:$0x18000] =	vst v63  }
0x148: {  	_ = 	snop  }
0x149: {  	[hbm4b:s22+s2] =	stream.linear.scatter [tilespmem:s12], [sflag:$0x2], $0x8000, $0x38;
	[tilespmem:$0x18000] =	vst v63  }
0x14a: {  	_ = 	snop  }
0x14b: {  	[hbm4b:s23+s2] =	stream.linear.scatter [tilespmem:s12], [sflag:$0x2], $0x8000, $0x38;
	[tilespmem:$0x18000] =	vst v63  }
0x14c: {  	_ =	swait.ge [sflag:s18], $0x8000  }
0x14d: {  	[sflag:s18] =	ssyncset.done $0x0  }
0x14e: {  	[sflag:s18] =	ssyncadd.s32 $0xFFFF8000  }
0x14f: {  	_ =	swait.ge [sflag:s3], $0x8000  }
0x150: {  	[sflag:s3] =	ssyncset.done $0x0  }
0x151: {  	[sflag:s3] =	ssyncadd.s32 $0xFFFF8000  }
0x152: {  	_ =	swait.ge [sflag:s3], $0x8000  }
0x153: {  	[sflag:s3] =	ssyncset.done $0x0  }
0x154: {  	[sflag:s3] =	ssyncadd.s32 $0xFFFF8000  }
0x155: {  	_ =	swait.ge [sflag:s3], $0x8000  }
0x156: {  	[sflag:s3] =	ssyncset.done $0x0  }
0x157: {  	[sflag:s3] =	ssyncadd.s32 $0xFFFF8000  }
0x158: {  	_ =	swait.ge [sflag:s3], $0x8000  }
0x159: {  	[sflag:s3] =	ssyncset.done $0x0  }
0x15a: {  	[sflag:s3] =	ssyncadd.s32 $0xFFFF8000  }
0x15b: {  	[tilespmem:s12], [sflag:$0x1] =	stream.linear.gather [hbm4b:s13+s2], $0x8000, $0x38;
	[tilespmem:$0x18000] =	vst v63  }
0x15c: {  	_ = 	snop  }
0x15d: {  	[hbm4b:s14+s2] =	stream.linear.scatter [tilespmem:s24], [sflag:$0x2], $0x8000, $0x38;
	[tilespmem:$0x18000] =	vst v63  }
0x15e: {  	_ = 	snop  }
0x15f: {  	[hbm4b:s15+s2] =	stream.linear.scatter [tilespmem:s24], [sflag:$0x2], $0x8000, $0x38;
	[tilespmem:$0x18000] =	vst v63  }
0x160: {  	_ = 	snop  }
0x161: {  	[hbm4b:s16+s2] =	stream.linear.scatter [tilespmem:s24], [sflag:$0x2], $0x8000, $0x38;
	[tilespmem:$0x18000] =	vst v63  }
0x162: {  	_ = 	snop  }
0x163: {  	[hbm4b:s17+s2] =	stream.linear.scatter [tilespmem:s24], [sflag:$0x2], $0x8000, $0x38;
	[tilespmem:$0x18000] =	vst v63  }
0x164: {  	_ =	swait.ge [sflag:s18], $0x8000  }
0x165: {  	[sflag:s18] =	ssyncset.done $0x0  }
0x166: {  	[sflag:s18] =	ssyncadd.s32 $0xFFFF8000  }
0x167: {  	[hbm4b:s6+s2] =	stream.linear.scatter [tilespmem:s2], [sflag:$0x2], $0x8000, $0x38;
	[tilespmem:$0x18000] =	vst v63  }
0x168: {  	_ = 	snop  }
0x169: {  	[hbm4b:s7+s2] =	stream.linear.scatter [tilespmem:s2], [sflag:$0x2], $0x8000, $0x38;
	[tilespmem:$0x18000] =	vst v63  }
0x16a: {  	_ = 	snop  }
0x16b: {  	[hbm4b:s8+s2] =	stream.linear.scatter [tilespmem:s2], [sflag:$0x2], $0x8000, $0x38;
	[tilespmem:$0x18000] =	vst v63  }
0x16c: {  	_ = 	snop  }
0x16d: {  	[hbm4b:s9+s2] =	stream.linear.scatter [tilespmem:s2], [sflag:$0x2], $0x8000, $0x38;
	[tilespmem:$0x18000] =	vst v63  }
0x16e: {  	_ =	swait.ge [sflag:s18], $0x8000  }
0x16f: {  	[sflag:s18] =	ssyncset.done $0x0  }
0x170: {  	[sflag:s18] =	ssyncadd.s32 $0xFFFF8000  }
0x171: {  	[hbm4b:s5+s2] =	stream.linear.scatter [tilespmem:s12], [sflag:$0x2], $0x8000, $0x38;
	[tilespmem:$0x18000] =	vst v63  }
0x172: {  	_ = 	snop  }
0x173: {  	[hbm4b:s4+s2] =	stream.linear.scatter [tilespmem:s12], [sflag:$0x2], $0x8000, $0x38;
	[tilespmem:$0x18000] =	vst v63  }
0x174: {  	_ = 	snop  }
0x175: {  	[hbm4b:s10+s2] =	stream.linear.scatter [tilespmem:s12], [sflag:$0x2], $0x8000, $0x38;
	[tilespmem:$0x18000] =	vst v63  }
0x176: {  	_ = 	snop  }
0x177: {  	[hbm4b:s11+s2] =	stream.linear.scatter [tilespmem:s12], [sflag:$0x2], $0x8000, $0x38;
	[tilespmem:$0x18000] =	vst v63  }
0x178: {  	_ =	swait.ge [sflag:s3], $0x8000  }
0x179: {  	[sflag:s3] =	ssyncset.done $0x0  }
0x17a: {  	[sflag:s3] =	ssyncadd.s32 $0xFFFF8000  }
0x17b: {  	_ =	swait.ge [sflag:s3], $0x8000  }
0x17c: {  	[sflag:s3] =	ssyncset.done $0x0  }
0x17d: {  	[sflag:s3] =	ssyncadd.s32 $0xFFFF8000  }
0x17e: {  	_ =	swait.ge [sflag:s3], $0x8000  }
0x17f: {  	[sflag:s3] =	ssyncset.done $0x0  }
0x180: {  	[sflag:s3] =	ssyncadd.s32 $0xFFFF8000  }
0x181: {  	_ =	swait.ge [sflag:s3], $0x8000  }
0x182: {  	[sflag:s3] =	ssyncset.done $0x0  }
0x183: {  	[sflag:s3] =	ssyncadd.s32 $0xFFFF8000  }
0x184: {  	_ =	swait.ge [sflag:s3], $0x8000  }
0x185: {  	[sflag:s3] =	ssyncset.done $0x0  }
0x186: {  	[sflag:s3] =	ssyncadd.s32 $0xFFFF8000  }
0x187: {  	_ =	swait.ge [sflag:s3], $0x8000  }
0x188: {  	[sflag:s3] =	ssyncset.done $0x0  }
0x189: {  	p1 =	sne.s32 s0, $0x1;
	[sflag:s3] =	ssyncadd.s32 $0xFFFF8000  }
.Ltmp2:
0x18a: {  	_ =	swait.ge [sflag:s3], $0x8000;
	(pc) =	sbr.rel @p1 .LBB2_3-.Ltmp2, $4  }
0x18b: {  	[sflag:s3] =	ssyncset.done $0x0  }
0x18c: {  	[sflag:s3] =	ssyncadd.s32 $0xFFFF8000  }
0x18d: {  	s0 =	sadd.s32 $0xFFFFFFFF, s0;
	_ =	swait.ge [sflag:s3], $0x8000  }
0x18e: {  	s30 =	smov.u32 s31;
	s1 =	rddreg [dreg:$0x3];
	[sflag:s3] =	ssyncset.done $0x0  }
0x18f: {  	s31 =	rddreg [dreg:$0x13]  }
.LBB2_5:
0x190: {  	[sflag:s3] =	ssyncadd.s32 @p0 $0xFFFF8000  }
0x191: {  	[tilespmem:s2], [sflag:$0x1] =	stream.linear.gather [hbm4b:s1+s2], $0x8000, $0x38;
	[tilespmem:$0x18000] =	vst v63  }
0x192: {  	s0 =	rddreg [dreg:$0x4]  }
0x193: {  	[tilespmem:s12], [sflag:$0x1] =	stream.linear.gather [hbm4b:s0+s2], $0x8000, $0x38;
	[tilespmem:$0x18000] =	vst v63  }
0x194: {  	_ =	swait.ge [sflag:s18], $0x8000  }
0x195: {  	[sflag:s18] =	ssyncset.done $0x0  }
0x196: {  	s1 =	rddreg [dreg:$0x5];
	[sflag:s18] =	ssyncadd.s32 $0xFFFF8000  }
0x197: {  	[tilespmem:s24], [sflag:$0x1] =	stream.linear.gather [hbm4b:s1+s2], $0x8000, $0x38;
	[tilespmem:$0x18000] =	vst v63  }
0x198: {  	_ = 	snop  }
0x199: {  	[hbm4b:s31+s2] =	stream.linear.scatter [tilespmem:s2], [sflag:$0x2], $0x8000, $0x38;
	[tilespmem:$0x18000] =	vst v63  }
0x19a: {  	s0 =	rddreg [dreg:$0x6]  }
0x19b: {  	[hbm4b:s0+s2] =	stream.linear.scatter [tilespmem:s2], [sflag:$0x2], $0x8000, $0x38;
	[tilespmem:$0x18000] =	vst v63  }
0x19c: {  	s1 =	rddreg [dreg:$0x7]  }
0x19d: {  	[hbm4b:s1+s2] =	stream.linear.scatter [tilespmem:s2], [sflag:$0x2], $0x8000, $0x38;
	[tilespmem:$0x18000] =	vst v63  }
0x19e: {  	s31 =	rddreg [dreg:$0x8]  }
0x19f: {  	[hbm4b:s31+s2] =	stream.linear.scatter [tilespmem:s2], [sflag:$0x2], $0x8000, $0x38;
	[tilespmem:$0x18000] =	vst v63  }
0x1a0: {  	_ =	swait.ge [sflag:s18], $0x8000  }
0x1a1: {  	[sflag:s18] =	ssyncset.done $0x0  }
0x1a2: {  	[sflag:s18] =	ssyncadd.s32 $0xFFFF8000  }
0x1a3: {  	_ =	swait.ge [sflag:s3], $0x8000  }
0x1a4: {  	[sflag:s3] =	ssyncset.done $0x0  }
0x1a5: {  	[sflag:s3] =	ssyncadd.s32 $0xFFFF8000  }
0x1a6: {  	_ =	swait.ge [sflag:s3], $0x8000  }
0x1a7: {  	[sflag:s3] =	ssyncset.done $0x0  }
0x1a8: {  	[sflag:s3] =	ssyncadd.s32 $0xFFFF8000  }
0x1a9: {  	_ =	swait.ge [sflag:s3], $0x8000  }
0x1aa: {  	[sflag:s3] =	ssyncset.done $0x0  }
0x1ab: {  	[sflag:s3] =	ssyncadd.s32 $0xFFFF8000  }
0x1ac: {  	_ =	swait.ge [sflag:s3], $0x8000  }
0x1ad: {  	[sflag:s3] =	ssyncset.done $0x0  }
0x1ae: {  	s31 =	rddreg [dreg:$0x9];
	[sflag:s3] =	ssyncadd.s32 $0xFFFF8000  }
0x1af: {  	[tilespmem:s2], [sflag:$0x1] =	stream.linear.gather [hbm4b:s31+s2], $0x8000, $0x38;
	[tilespmem:$0x18000] =	vst v63  }
0x1b0: {  	s1 =	rddreg [dreg:$0xa]  }
0x1b1: {  	[hbm4b:s1+s2] =	stream.linear.scatter [tilespmem:s12], [sflag:$0x2], $0x8000, $0x38;
	[tilespmem:$0x18000] =	vst v63  }
0x1b2: {  	s31 =	rddreg [dreg:$0xb]  }
0x1b3: {  	[hbm4b:s31+s2] =	stream.linear.scatter [tilespmem:s12], [sflag:$0x2], $0x8000, $0x38;
	[tilespmem:$0x18000] =	vst v63  }
0x1b4: {  	s1 =	rddreg [dreg:$0xc]  }
0x1b5: {  	[hbm4b:s1+s2] =	stream.linear.scatter [tilespmem:s12], [sflag:$0x2], $0x8000, $0x38;
	[tilespmem:$0x18000] =	vst v63  }
0x1b6: {  	s31 =	rddreg [dreg:$0xd]  }
0x1b7: {  	[hbm4b:s31+s2] =	stream.linear.scatter [tilespmem:s12], [sflag:$0x2], $0x8000, $0x38;
	[tilespmem:$0x18000] =	vst v63  }
0x1b8: {  	_ =	swait.ge [sflag:s18], $0x8000  }
0x1b9: {  	[sflag:s18] =	ssyncset.done $0x0  }
0x1ba: {  	[sflag:s18] =	ssyncadd.s32 $0xFFFF8000  }
0x1bb: {  	_ =	swait.ge [sflag:s3], $0x8000  }
0x1bc: {  	[sflag:s3] =	ssyncset.done $0x0  }
0x1bd: {  	[sflag:s3] =	ssyncadd.s32 $0xFFFF8000  }
0x1be: {  	_ =	swait.ge [sflag:s3], $0x8000  }
0x1bf: {  	[sflag:s3] =	ssyncset.done $0x0  }
0x1c0: {  	[sflag:s3] =	ssyncadd.s32 $0xFFFF8000  }
0x1c1: {  	_ =	swait.ge [sflag:s3], $0x8000  }
0x1c2: {  	[sflag:s3] =	ssyncset.done $0x0  }
0x1c3: {  	[sflag:s3] =	ssyncadd.s32 $0xFFFF8000  }
0x1c4: {  	_ =	swait.ge [sflag:s3], $0x8000  }
0x1c5: {  	[sflag:s3] =	ssyncset.done $0x0  }
0x1c6: {  	s31 =	rddreg [dreg:$0xe];
	[sflag:s3] =	ssyncadd.s32 $0xFFFF8000  }
0x1c7: {  	[tilespmem:s12], [sflag:$0x1] =	stream.linear.gather [hbm4b:s31+s2], $0x8000, $0x38;
	[tilespmem:$0x18000] =	vst v63  }
0x1c8: {  	s1 =	rddreg [dreg:$0xf]  }
0x1c9: {  	[hbm4b:s1+s2] =	stream.linear.scatter [tilespmem:s24], [sflag:$0x2], $0x8000, $0x38;
	[tilespmem:$0x18000] =	vst v63  }
0x1ca: {  	s31 =	rddreg [dreg:$0x10]  }
0x1cb: {  	[hbm4b:s31+s2] =	stream.linear.scatter [tilespmem:s24], [sflag:$0x2], $0x8000, $0x38;
	[tilespmem:$0x18000] =	vst v63  }
0x1cc: {  	s1 =	rddreg [dreg:$0x11]  }
0x1cd: {  	[hbm4b:s1+s2] =	stream.linear.scatter [tilespmem:s24], [sflag:$0x2], $0x8000, $0x38;
	[tilespmem:$0x18000] =	vst v63  }
0x1ce: {  	s31 =	rddreg [dreg:$0x12]  }
0x1cf: {  	[hbm4b:s31+s2] =	stream.linear.scatter [tilespmem:s24], [sflag:$0x2], $0x8000, $0x38;
	[tilespmem:$0x18000] =	vst v63  }
0x1d0: {  	_ =	swait.ge [sflag:s18], $0x8000  }
0x1d1: {  	[sflag:s18] =	ssyncset.done $0x0  }
0x1d2: {  	[sflag:s18] =	ssyncadd.s32 $0xFFFF8000  }
0x1d3: {  	_ =	swait.ge [sflag:s3], $0x8000  }
0x1d4: {  	[sflag:s3] =	ssyncset.done $0x0  }
0x1d5: {  	[sflag:s3] =	ssyncadd.s32 $0xFFFF8000  }
0x1d6: {  	_ =	swait.ge [sflag:s3], $0x8000  }
0x1d7: {  	[sflag:s3] =	ssyncset.done $0x0  }
0x1d8: {  	[sflag:s3] =	ssyncadd.s32 $0xFFFF8000  }
0x1d9: {  	_ =	swait.ge [sflag:s3], $0x8000  }
0x1da: {  	[sflag:s3] =	ssyncset.done $0x0  }
0x1db: {  	[sflag:s3] =	ssyncadd.s32 $0xFFFF8000  }
0x1dc: {  	_ =	swait.ge [sflag:s3], $0x8000  }
0x1dd: {  	[sflag:s3] =	ssyncset.done $0x0  }
0x1de: {  	[sflag:s3] =	ssyncadd.s32 $0xFFFF8000  }
0x1df: {  	[tilespmem:s24], [sflag:$0x1] =	stream.linear.gather [hbm4b:s25+s2], $0x8000, $0x38;
	[tilespmem:$0x18000] =	vst v63  }
0x1e0: {  	_ = 	snop  }
0x1e1: {  	[hbm4b:s26+s2] =	stream.linear.scatter [tilespmem:s2], [sflag:$0x2], $0x8000, $0x38;
	[tilespmem:$0x18000] =	vst v63  }
0x1e2: {  	_ = 	snop  }
0x1e3: {  	[hbm4b:s28+s2] =	stream.linear.scatter [tilespmem:s2], [sflag:$0x2], $0x8000, $0x38;
	[tilespmem:$0x18000] =	vst v63  }
0x1e4: {  	_ = 	snop  }
0x1e5: {  	[hbm4b:s29+s2] =	stream.linear.scatter [tilespmem:s2], [sflag:$0x2], $0x8000, $0x38;
	[tilespmem:$0x18000] =	vst v63  }
0x1e6: {  	_ = 	snop  }
0x1e7: {  	[hbm4b:s30+s2] =	stream.linear.scatter [tilespmem:s2], [sflag:$0x2], $0x8000, $0x38;
	[tilespmem:$0x18000] =	vst v63  }
0x1e8: {  	_ =	swait.ge [sflag:s18], $0x8000  }
0x1e9: {  	[sflag:s18] =	ssyncset.done $0x0  }
0x1ea: {  	[sflag:s18] =	ssyncadd.s32 $0xFFFF8000  }
0x1eb: {  	_ =	swait.ge [sflag:s3], $0x8000  }
0x1ec: {  	[sflag:s3] =	ssyncset.done $0x0  }
0x1ed: {  	[sflag:s3] =	ssyncadd.s32 $0xFFFF8000  }
0x1ee: {  	_ =	swait.ge [sflag:s3], $0x8000  }
0x1ef: {  	[sflag:s3] =	ssyncset.done $0x0  }
0x1f0: {  	[sflag:s3] =	ssyncadd.s32 $0xFFFF8000  }
0x1f1: {  	_ =	swait.ge [sflag:s3], $0x8000  }
0x1f2: {  	[sflag:s3] =	ssyncset.done $0x0  }
0x1f3: {  	[sflag:s3] =	ssyncadd.s32 $0xFFFF8000  }
0x1f4: {  	_ =	swait.ge [sflag:s3], $0x8000  }
0x1f5: {  	[sflag:s3] =	ssyncset.done $0x0  }
0x1f6: {  	[sflag:s3] =	ssyncadd.s32 $0xFFFF8000  }
0x1f7: {  	[tilespmem:s2], [sflag:$0x1] =	stream.linear.gather [hbm4b:s19+s2], $0x8000, $0x38;
	[tilespmem:$0x18000] =	vst v63  }
0x1f8: {  	_ = 	snop  }
0x1f9: {  	[hbm4b:s20+s2] =	stream.linear.scatter [tilespmem:s12], [sflag:$0x2], $0x8000, $0x38;
	[tilespmem:$0x18000] =	vst v63  }
0x1fa: {  	_ = 	snop  }
0x1fb: {  	[hbm4b:s21+s2] =	stream.linear.scatter [tilespmem:s12], [sflag:$0x2], $0x8000, $0x38;
	[tilespmem:$0x18000] =	vst v63  }
0x1fc: {  	_ = 	snop  }
0x1fd: {  	[hbm4b:s22+s2] =	stream.linear.scatter [tilespmem:s12], [sflag:$0x2], $0x8000, $0x38;
	[tilespmem:$0x18000] =	vst v63  }
0x1fe: {  	_ = 	snop  }
0x1ff: {  	[hbm4b:s23+s2] =	stream.linear.scatter [tilespmem:s12], [sflag:$0x2], $0x8000, $0x38;
	[tilespmem:$0x18000] =	vst v63  }
0x200: {  	_ =	swait.ge [sflag:s18], $0x8000  }
0x201: {  	[sflag:s18] =	ssyncset.done $0x0  }
0x202: {  	[sflag:s18] =	ssyncadd.s32 $0xFFFF8000  }
0x203: {  	_ =	swait.ge [sflag:s3], $0x8000  }
0x204: {  	[sflag:s3] =	ssyncset.done $0x0  }
0x205: {  	[sflag:s3] =	ssyncadd.s32 $0xFFFF8000  }
0x206: {  	_ =	swait.ge [sflag:s3], $0x8000  }
0x207: {  	[sflag:s3] =	ssyncset.done $0x0  }
0x208: {  	[sflag:s3] =	ssyncadd.s32 $0xFFFF8000  }
0x209: {  	_ =	swait.ge [sflag:s3], $0x8000  }
0x20a: {  	[sflag:s3] =	ssyncset.done $0x0  }
0x20b: {  	[sflag:s3] =	ssyncadd.s32 $0xFFFF8000  }
0x20c: {  	_ =	swait.ge [sflag:s3], $0x8000  }
0x20d: {  	[sflag:s3] =	ssyncset.done $0x0  }
0x20e: {  	[sflag:s3] =	ssyncadd.s32 $0xFFFF8000  }
0x20f: {  	[tilespmem:s12], [sflag:$0x1] =	stream.linear.gather [hbm4b:s13+s2], $0x8000, $0x38;
	[tilespmem:$0x18000] =	vst v63  }
0x210: {  	_ = 	snop  }
0x211: {  	[hbm4b:s14+s2] =	stream.linear.scatter [tilespmem:s24], [sflag:$0x2], $0x8000, $0x38;
	[tilespmem:$0x18000] =	vst v63  }
0x212: {  	_ = 	snop  }
0x213: {  	[hbm4b:s15+s2] =	stream.linear.scatter [tilespmem:s24], [sflag:$0x2], $0x8000, $0x38;
	[tilespmem:$0x18000] =	vst v63  }
0x214: {  	_ = 	snop  }
0x215: {  	[hbm4b:s16+s2] =	stream.linear.scatter [tilespmem:s24], [sflag:$0x2], $0x8000, $0x38;
	[tilespmem:$0x18000] =	vst v63  }
0x216: {  	_ = 	snop  }
0x217: {  	[hbm4b:s17+s2] =	stream.linear.scatter [tilespmem:s24], [sflag:$0x2], $0x8000, $0x38;
	[tilespmem:$0x18000] =	vst v63  }
0x218: {  	_ =	swait.ge [sflag:s18], $0x8000  }
0x219: {  	[sflag:s18] =	ssyncset.done $0x0  }
0x21a: {  	[sflag:s18] =	ssyncadd.s32 $0xFFFF8000  }
0x21b: {  	[hbm4b:s6+s2] =	stream.linear.scatter [tilespmem:s2], [sflag:$0x2], $0x8000, $0x38;
	[tilespmem:$0x18000] =	vst v63  }
0x21c: {  	_ = 	snop  }
0x21d: {  	[hbm4b:s7+s2] =	stream.linear.scatter [tilespmem:s2], [sflag:$0x2], $0x8000, $0x38;
	[tilespmem:$0x18000] =	vst v63  }
0x21e: {  	_ = 	snop  }
0x21f: {  	[hbm4b:s8+s2] =	stream.linear.scatter [tilespmem:s2], [sflag:$0x2], $0x8000, $0x38;
	[tilespmem:$0x18000] =	vst v63  }
0x220: {  	_ = 	snop  }
0x221: {  	[hbm4b:s9+s2] =	stream.linear.scatter [tilespmem:s2], [sflag:$0x2], $0x8000, $0x38;
	[tilespmem:$0x18000] =	vst v63  }
0x222: {  	_ =	swait.ge [sflag:s18], $0x8000  }
0x223: {  	[sflag:s18] =	ssyncset.done $0x0  }
0x224: {  	[sflag:s18] =	ssyncadd.s32 $0xFFFF8000  }
0x225: {  	[hbm4b:s5+s2] =	stream.linear.scatter [tilespmem:s12], [sflag:$0x2], $0x8000, $0x38;
	[tilespmem:$0x18000] =	vst v63  }
0x226: {  	_ = 	snop  }
0x227: {  	[hbm4b:s4+s2] =	stream.linear.scatter [tilespmem:s12], [sflag:$0x2], $0x8000, $0x38;
	[tilespmem:$0x18000] =	vst v63  }
0x228: {  	_ = 	snop  }
0x229: {  	[hbm4b:s10+s2] =	stream.linear.scatter [tilespmem:s12], [sflag:$0x2], $0x8000, $0x38;
	[tilespmem:$0x18000] =	vst v63  }
0x22a: {  	_ = 	snop  }
0x22b: {  	[hbm4b:s11+s2] =	stream.linear.scatter [tilespmem:s12], [sflag:$0x2], $0x8000, $0x38;
	[tilespmem:$0x18000] =	vst v63  }
0x22c: {  	_ =	swait.ge [sflag:s3], $0x8000  }
0x22d: {  	[sflag:s3] =	ssyncset.done $0x0  }
0x22e: {  	[sflag:s3] =	ssyncadd.s32 $0xFFFF8000  }
0x22f: {  	_ =	swait.ge [sflag:s3], $0x8000  }
0x230: {  	[sflag:s3] =	ssyncset.done $0x0  }
0x231: {  	[sflag:s3] =	ssyncadd.s32 $0xFFFF8000  }
0x232: {  	_ =	swait.ge [sflag:s3], $0x8000  }
0x233: {  	[sflag:s3] =	ssyncset.done $0x0  }
0x234: {  	[sflag:s3] =	ssyncadd.s32 $0xFFFF8000  }
0x235: {  	_ =	swait.ge [sflag:s3], $0x8000  }
0x236: {  	[sflag:s3] =	ssyncset.done $0x0  }
0x237: {  	[sflag:s3] =	ssyncadd.s32 $0xFFFF8000  }
0x238: {  	_ =	swait.ge [sflag:s3], $0x8000  }
0x239: {  	[sflag:s3] =	ssyncset.done $0x0  }
0x23a: {  	[sflag:s3] =	ssyncadd.s32 $0xFFFF8000  }
0x23b: {  	_ =	swait.ge [sflag:s3], $0x8000  }
0x23c: {  	[sflag:s3] =	ssyncset.done $0x0  }
0x23d: {  	[sflag:s3] =	ssyncadd.s32 $0xFFFF8000  }
0x23e: {  	_ =	swait.ge [sflag:s3], $0x8000  }
0x23f: {  	[sflag:s3] =	ssyncset.done $0x0  }
0x240: {  	[sflag:s3] =	ssyncadd.s32 $0xFFFF8000  }
0x241: {  	_ =	swait.ge [sflag:s3], $0x8000  }
0x242: {  	[sflag:s3] =	ssyncset.done $0x0  }
0x243: {  	[sflag:s3] =	ssyncadd.s32 $0xFFFF8000  }
0x244: {  	_ =	sfence.sel $0x180000  }
0x245: {  	[bflag:$0x0] =	sbarrier.arrive $0xFFFF  }
0x246: {  	_ =	strace $0x90000047  }
0x247: {  	s31 =	stileid.u32;
	[bflag:$0x2] =	sbarrier.arrive $0xFFFF  }
0x248: {  	p0 =	sne.s32 s31, $0x0;
	s0 =	rddreg [dreg:$0x2]  }
0x249: {  	s0 =	sadd.s32 @!p0 $0x100000, s0  }
0x24a: {  	[sflag:s0] =	ssyncadd.tile.s32 @!p0 $0x1;
	_ =	shalt  }
.LBB2_2:
.Ltmp3:
0x24b: {  	(pc) =	sbr.rel .LBB2_5-.Ltmp3, $2  }
0x24c: {  	_ =	sdelay $0x2  }
0x24d: {  	s31 =	rddreg [dreg:$0x13]  }
.Lfunc_end2:
_tile_overlayer_lowered:
.L_overlay_start_2:
0x24e: {  	(tag) =	ssettag $0x2  }
0x24f: {  	s0 =	rddreg [dreg:$0x0];
	s2 =	stileid.u32  }
0x250: {  	s1 =	rddreg [dreg:$0x1];
	p0 =	sne.s32 s2, $0x0  }
0x251: {  	s3 =	rddreg [dreg:$0x2];
	[bflag:$0x3] =	sbarrier.arrive $0xFFFF;
	s2 =	simm.s32 @!p0 $0x1C03  }
0x252: {  	[timem:s3], [sflag:s2] =	dma.local @!p0 [hbm:s0], s1  }
0x253: {  	s0 =	simm.s32 @!p0 $0x3  }
0x254: {  	_ =	swait.ge @!p0 [sflag:s0], s1  }
0x255: {  	s1 =	ssub.s32 @!p0 $0x0, s1;
	[sflag:s0] =	ssyncset.done @!p0 $0x0  }
0x256: {  	[sflag:s0] =	ssyncadd.s32 @!p0 s1  }
0x257: {  	[bflag:$0x3] =	sbarrier.arrive $0xFFFF  }
0x258: {  	_ =	shalt  }

</sc_bundles>
